<compile_context>
chip_gen: v7x
topology: tpu7x:2x2x1
jax: 0.10.2.dev20260603
libtpu: 0.0.44.dev20260713+nightly
codegen_flags: <defaults>
</compile_context>

<pallas_src>
import dataclasses
import functools

import jax
import jax.numpy as jnp
from jax import lax
from jax.experimental import pallas as pl
from jax.experimental.pallas import tpu as pltpu
from jax.experimental.pallas import tpu_sc as plsc

NC = 2
NS = 16
LANES = 16
K = 128

_MESH = plsc.VectorSubcoreMesh(
    core_axis_name="c", subcore_axis_name="s", num_cores=NC, num_subcores=NS
)

_CP_NO_LAYOUT = pltpu.CompilerParams()
if "needs_layout_passes" in pltpu.CompilerParams.__dataclass_fields__:
    _CP_NO_LAYOUT = dataclasses.replace(_CP_NO_LAYOUT, needs_layout_passes=False)


def _fill(gbuf, rows, val):
    @pl.loop(0, rows)
    def _r(r):
        @pl.loop(0, 128 // LANES)
        def _g(g):
            gbuf[r, pl.ds(g * LANES, LANES)] = jnp.full((LANES,), val, jnp.float32)


def _zero_acc(gbuf, acc, s, rps):
    off = 0
    while off < rps:
        step = min(K, rps - off)
        pltpu.sync_copy(gbuf.at[pl.ds(0, step)], acc.at[pl.ds(s * rps + off, step)])
        off += step


def _acc_to_hbm(acc, gbuf, out_hbm, c, s, rps):
    off = 0
    while off < rps:
        step = min(K, rps - off)
        pltpu.sync_copy(acc.at[pl.ds(s * rps + off, step)], gbuf.at[pl.ds(0, step)])
        pltpu.sync_copy(gbuf.at[pl.ds(0, step)], out_hbm.at[c, pl.ds(s * rps + off, step)])
        off += step


_SHIFT = 14
_MASK = (1 << _SHIFT) - 1


def _unpack(pslab, i, sbuf, dbuf):
    for g in range(K // LANES):
        p = pslab[i, pl.ds(g * LANES, LANES)]
        if sbuf is not None:
            sbuf[pl.ds(g * LANES, LANES)] = p & _MASK
        dbuf[pl.ds(g * LANES, LANES)] = lax.shift_right_logical(p, _SHIFT)


def _deg_pass(packed4, npad):
    ch = packed4.shape[2]
    flat = packed4.reshape(NC, NS, ch * K)

    @functools.partial(
        pl.kernel,
        out_type=jax.ShapeDtypeStruct((NC, NS, npad), jnp.float32),
        mesh=_MESH,
        compiler_params=_CP_NO_LAYOUT,
        scratch_types=[
            pltpu.VMEM((ch * K,), jnp.int32),
            pltpu.VMEM((npad,), jnp.float32),
        ],
    )
    def deg_k(p_hbm, out_hbm, pslab, hist):
        c = lax.axis_index("c")
        s = lax.axis_index("s")
        pltpu.sync_copy(p_hbm.at[c, s], pslab)

        @pl.loop(0, npad // LANES)
        def _z(r):
            hist[pl.ds(r * LANES, LANES)] = jnp.zeros((LANES,), jnp.float32)

        ones = jnp.ones((LANES,), jnp.float32)

        @pl.loop(0, ch * K // LANES)
        def _h(i):
            d = lax.shift_right_logical(pslab[pl.ds(i * LANES, LANES)], _SHIFT)
            plsc.addupdate_scatter(hist, [d], ones)

        pltpu.sync_copy(hist, out_hbm.at[c, s])

    return deg_k(flat)


def _edge_pass(table, packed4, npad):
    ch = packed4.shape[2]
    h = table.shape[1]
    rps = npad // NS

    @functools.partial(
        pl.kernel,
        out_type=jax.ShapeDtypeStruct((NC, npad, h), jnp.float32),
        mesh=_MESH,
        scratch_types=[
            pltpu.VMEM((ch, K), jnp.int32),
            pltpu.VMEM((K, h), jnp.float32),
            pltpu.VMEM((K, h), jnp.float32),
            pltpu.VMEM((K,), jnp.int32),
            pltpu.VMEM((K,), jnp.int32),
            pltpu.VMEM((K,), jnp.int32),
            pltpu.VMEM((K,), jnp.int32),
            pltpu.VMEM_SHARED((npad, h), jnp.float32),
            pltpu.SemaphoreType.DMA,
            pltpu.SemaphoreType.DMA,
        ],
    )
    def edge_k(table_hbm, p_hbm, out_hbm, pslab, gba, gbb, sa, sb, da, db,
               acc, gsa, gsb):
        c = lax.axis_index("c")
        s = lax.axis_index("s")
        pltpu.sync_copy(p_hbm.at[c, s], pslab)
        _fill(gba, K, 0.0)
        _zero_acc(gba, acc, s, rps)
        plsc.subcore_barrier()

        _unpack(pslab, 0, sa, da)
        pltpu.async_copy(table_hbm.at[sa], gba, gsa)

        @pl.loop(0, ch, step=2)
        def _go(j0):
            _unpack(pslab, j0 + 1, sb, db)
            pltpu.async_copy(table_hbm.at[sb], gbb, gsb)
            pltpu.make_async_copy(table_hbm.at[sa], gba, gsa).wait()
            pltpu.sync_copy(gba, acc.at[da], add=True)
            @pl.when(j0 + 2 < ch)
            def _next():
                _unpack(pslab, j0 + 2, sa, da)
                pltpu.async_copy(table_hbm.at[sa], gba, gsa)
            pltpu.make_async_copy(table_hbm.at[sb], gbb, gsb).wait()
            pltpu.sync_copy(gbb, acc.at[db], add=True)

        plsc.subcore_barrier()
        _acc_to_hbm(acc, gba, out_hbm, c, s, rps)

    return edge_k(table, packed4)


def _dinv_of(deg_ref, n):
    nw = deg_ref.shape[0]
    cnt = lax.dot_general(
        deg_ref[...], jnp.ones((nw, 1), jnp.float32),
        (((0,), (0,)), ((), ())),
        preferred_element_type=jnp.float32, precision=lax.Precision.HIGHEST,
    )
    return lax.rsqrt(cnt[:n] + 1.0)


def _mm(x, w):
    n = x.shape[0]

    def body(x_ref, w_ref, o_ref):
        o_ref[...] = jnp.dot(
            x_ref[...], w_ref[...],
            preferred_element_type=jnp.float32, precision=lax.Precision.HIGHEST,
        )

    return pl.pallas_call(
        body, out_shape=jax.ShapeDtypeStruct((n, w.shape[1]), jnp.float32)
    )(x, w)


def _scale(hmat, deg):
    n = hmat.shape[0]

    def body(h_ref, deg_ref, o_ref):
        o_ref[...] = h_ref[...] * _dinv_of(deg_ref, n)

    return pl.pallas_call(
        body, out_shape=jax.ShapeDtypeStruct(hmat.shape, jnp.float32)
    )(hmat, deg)


def _mid(accp, hp, deg, b, g, bt, w2):
    n = hp.shape[0]

    def body(acc_ref, h_ref, deg_ref, b_ref, g_ref, bt_ref, w2_ref, o_ref):
        dinv = _dinv_of(deg_ref, n)
        t = (acc_ref[0, :n, :] + acc_ref[1, :n, :] + h_ref[...]) * dinv + b_ref[...]
        mu = jnp.mean(t, axis=0, keepdims=True)
        xc = t - mu
        var = jnp.mean(xc * xc, axis=0, keepdims=True)
        z = xc * lax.rsqrt(var + 1e-5) * g_ref[...] + bt_ref[...]
        z = jnp.maximum(z, 0.0)
        o_ref[...] = jnp.dot(
            z, w2_ref[...],
            preferred_element_type=jnp.float32, precision=lax.Precision.HIGHEST,
        ) * dinv

    return pl.pallas_call(
        body, out_shape=jax.ShapeDtypeStruct((n, w2.shape[1]), jnp.float32)
    )(accp, hp, deg, b, g, bt, w2)


def _fin(accp, hp, deg, b, g, bt, wc, bc):
    n = hp.shape[0]

    def body(acc_ref, h_ref, deg_ref, b_ref, g_ref, bt_ref, wc_ref, bc_ref, o_ref):
        dinv = _dinv_of(deg_ref, n)
        t = (acc_ref[0, :n, :] + acc_ref[1, :n, :] + h_ref[...]) * dinv + b_ref[...]
        mu = jnp.mean(t, axis=0, keepdims=True)
        xc = t - mu
        var = jnp.mean(xc * xc, axis=0, keepdims=True)
        z = xc * lax.rsqrt(var + 1e-5) * g_ref[...] + bt_ref[...]
        z = jnp.maximum(z, 0.0)
        o_ref[...] = jnp.dot(
            z, wc_ref[...],
            preferred_element_type=jnp.float32, precision=lax.Precision.HIGHEST,
        ) + bc_ref[...]

    return pl.pallas_call(
        body, out_shape=jax.ShapeDtypeStruct((n, wc.shape[1]), jnp.float32)
    )(accp, hp, deg, b, g, bt, wc, bc)


def kernel(x, edge_index, W1, b1, g1, bt1, W2, b2, g2, bt2, Wc, bc):
    n = x.shape[0]
    e = edge_index.shape[1]
    npad = -(-(n + 1) // (NS * 8)) * (NS * 8)
    assert npad <= (1 << (31 - _SHIFT)) and n <= _MASK
    ch = -(-e // (NC * NS * K))
    ch += ch % 2
    pad = NC * NS * ch * K - e
    ar = jnp.arange(pad, dtype=edge_index.dtype)
    src = jnp.concatenate([edge_index[0], ar % 8])
    dst = jnp.concatenate([edge_index[1], n + ar % (npad - n)])
    packed4 = (src | (dst << _SHIFT)).reshape(NC, NS, ch, K)

    mm1 = _mm(x, W1)
    deg = _deg_pass(packed4, npad).reshape(NC * NS, npad)
    h1 = _scale(mm1, deg)
    acc1 = _edge_pass(h1, packed4, npad)
    h2 = _mid(
        acc1, h1, deg,
        b1.reshape(1, -1), g1.reshape(1, -1), bt1.reshape(1, -1), W2,
    )
    acc2 = _edge_pass(h2, packed4, npad)
    return _fin(
        acc2, h2, deg,
        b2.reshape(1, -1), g2.reshape(1, -1), bt2.reshape(1, -1), Wc,
        bc.reshape(1, -1),
    )

# --- scband reference (transcript-rebuilt; emitter-appended) ---
"""Pipeline reference for scband-gcn-82454782148692 (READ-ONLY COPY).

The authoritative reference and input builder live on the scoring server;
editing this copy changes nothing except your own understanding.
"""

import jax, jax.numpy as jnp
import numpy as np

N = 10000
E = 320000
D = 128
H = 128
C = 2


def setup_inputs(seed: int = 0) -> dict:
    key = jax.random.key(seed)
    ks = jax.random.split(key, 8)
    x = jax.random.normal(ks[0], (N, D), dtype=jnp.float32)
    edge_index = jax.random.randint(ks[1], (2, E), 0, N, dtype=jnp.int32)
    s1 = 1.0 / np.sqrt(D)
    s2 = 1.0 / np.sqrt(H)
    W1 = jax.random.normal(ks[2], (D, H), dtype=jnp.float32) * s1
    b1 = jnp.zeros((H,), dtype=jnp.float32)
    g1 = jnp.ones((H,), dtype=jnp.float32)
    bt1 = jnp.zeros((H,), dtype=jnp.float32)
    W2 = jax.random.normal(ks[3], (H, H), dtype=jnp.float32) * s2
    b2 = jnp.zeros((H,), dtype=jnp.float32)
    g2 = jnp.ones((H,), dtype=jnp.float32)
    bt2 = jnp.zeros((H,), dtype=jnp.float32)
    Wc = jax.random.normal(ks[4], (H, C), dtype=jnp.float32) * s2
    bc = jnp.zeros((C,), dtype=jnp.float32)
    return {"x": x, "edge_index": edge_index, "W1": W1, "b1": b1, "g1": g1, "bt1": bt1,
            "W2": W2, "b2": b2, "g2": g2, "bt2": bt2, "Wc": Wc, "bc": bc}


def gcn_conv(x, edge_index, W, b):
    n = x.shape[0]
    h = x @ W
    loop = jnp.arange(n, dtype=edge_index.dtype)
    src = jnp.concatenate([edge_index[0], loop])
    dst = jnp.concatenate([edge_index[1], loop])
    deg = jax.ops.segment_sum(jnp.ones(src.shape[0], dtype=h.dtype), dst, num_segments=n)
    dinv = jnp.where(deg > 0, 1.0 / jnp.sqrt(deg), 0.0)
    norm = dinv[src] * dinv[dst]
    msg = h[src] * norm[:, None]
    out = jax.ops.segment_sum(msg, dst, num_segments=n)
    return out + b


def batchnorm(x, g, b, eps=1e-5):
    mu = jnp.mean(x, axis=0)
    var = jnp.var(x, axis=0)
    return (x - mu) / jnp.sqrt(var + eps) * g + b


def reference(x, edge_index, W1, b1, g1, bt1, W2, b2, g2, bt2, Wc, bc):
    h = gcn_conv(x, edge_index, W1, b1)
    h = jax.nn.relu(batchnorm(h, g1, bt1))
    h = gcn_conv(h, edge_index, W2, b2)
    h = jax.nn.relu(batchnorm(h, g2, bt2))
    logits = h @ Wc + bc
    return logits

if __name__ == "__main__":
    import jax
    _d = setup_inputs()
    print(jax.jit(kernel)(*tuple(_d.values())))

</pallas_src>

<mosaic_0001>
#map = affine_map<(d0, d1) -> (0, 0)>
#map1 = affine_map<(d0, d1) -> (0, 0, 0, 0)>
#map2 = affine_map<(d0, d1) -> (0, 0, 0)>
module attributes {stable_mosaic.version = 14 : i64} {
  func.func @edge_k(%arg0: i32, %arg1: i32, %arg2: memref<10000x128xf32, #tpu.memory_space<hbm>>, %arg3: memref<2x16x80x128xi32, #tpu.memory_space<hbm>>, %arg4: memref<2x10112x128xf32, #tpu.memory_space<hbm>>, %arg5: memref<80x128xi32, #tpu.memory_space<vmem>>, %arg6: memref<128x128xf32, #tpu.memory_space<vmem>>, %arg7: memref<128x128xf32, #tpu.memory_space<vmem>>, %arg8: memref<128xi32, #tpu.memory_space<vmem>>, %arg9: memref<128xi32, #tpu.memory_space<vmem>>, %arg10: memref<128xi32, #tpu.memory_space<vmem>>, %arg11: memref<128xi32, #tpu.memory_space<vmem>>, %arg12: memref<10112x128xf32, #tpu.memory_space<vmem_shared>>, %arg13: memref<!tpu.dma_semaphore, #tpu.memory_space<semaphore_mem>>, %arg14: memref<!tpu.dma_semaphore, #tpu.memory_space<semaphore_mem>>) attributes {dimension_semantics = [#tpu.dimension_semantics<core_parallel>, #tpu.dimension_semantics<subcore_parallel>], iteration_bounds = array<i64: 2, 16>, scalar_prefetch = 0 : i64, scratch_operands = 10 : i64, tpu.core_type = #tpu.core_type<sc_vector_subcore>, window_params = [{transform_indices = #map}, {transform_indices = #map1}, {transform_indices = #map2}]} {
    "tpu.region"() ({
      %run_scoped3A = tpu.sem_alloc : memref<!tpu.dma_semaphore, #tpu.memory_space<semaphore_mem>>
      %dma_start3A_218 = arith.constant 0 : i32
      %dma_start3A_219 = arith.constant 0 : i32
      %dma_start3A_220 = tpu.memref_slice %arg3[%arg0, %arg1, %dma_start3A_218, %dma_start3A_219] : memref<2x16x80x128xi32, #tpu.memory_space<hbm>> -> memref<1x1x80x128xi32, #tpu.memory_space<hbm>>
      %dma_start3A_221 = tpu.memref_squeeze %dma_start3A_220 : memref<1x1x80x128xi32, #tpu.memory_space<hbm>> -> memref<80x128xi32, #tpu.memory_space<hbm>>
      %dma_start3A_222 = arith.constant 0 : i32
      %dma_start3A_223 = arith.constant 0 : i32
      %dma_start3A_224 = tpu.memref_slice %arg3[%arg0, %arg1, %dma_start3A_222, %dma_start3A_223] : memref<2x16x80x128xi32, #tpu.memory_space<hbm>> -> memref<1x1x80x128xi32, #tpu.memory_space<hbm>>
      %dma_start3A_225 = tpu.memref_squeeze %dma_start3A_224 : memref<1x1x80x128xi32, #tpu.memory_space<hbm>> -> memref<80x128xi32, #tpu.memory_space<hbm>>
      tpu.enqueue_dma source(%dma_start3A_225 : memref<80x128xi32, #tpu.memory_space<hbm>>) target(%arg5 : memref<80x128xi32, #tpu.memory_space<vmem>>) target_semaphore(%run_scoped3A : memref<!tpu.dma_semaphore, #tpu.memory_space<semaphore_mem>>)
      %dma_wait3A = arith.constant 0 : i32
      %dma_wait3A_226 = arith.constant 0 : i32
      %dma_wait3A_227 = tpu.memref_slice %arg3[%arg0, %arg1, %dma_wait3A, %dma_wait3A_226] : memref<2x16x80x128xi32, #tpu.memory_space<hbm>> -> memref<1x1x80x128xi32, #tpu.memory_space<hbm>>
      %dma_wait3A_228 = tpu.memref_squeeze %dma_wait3A_227 : memref<1x1x80x128xi32, #tpu.memory_space<hbm>> -> memref<80x128xi32, #tpu.memory_space<hbm>>
      %dma_wait3A_229 = arith.constant 0 : i32
      %dma_wait3A_230 = arith.constant 0 : i32
      %dma_wait3A_231 = tpu.memref_slice %arg3[%arg0, %arg1, %dma_wait3A_229, %dma_wait3A_230] : memref<2x16x80x128xi32, #tpu.memory_space<hbm>> -> memref<1x1x80x128xi32, #tpu.memory_space<hbm>>
      %dma_wait3A_232 = tpu.memref_squeeze %dma_wait3A_231 : memref<1x1x80x128xi32, #tpu.memory_space<hbm>> -> memref<80x128xi32, #tpu.memory_space<hbm>>
      tpu.wait_dma2 semaphore(%run_scoped3A : memref<!tpu.dma_semaphore, #tpu.memory_space<semaphore_mem>>) src(%dma_wait3A_232 : memref<80x128xi32, #tpu.memory_space<hbm>>) dst(%arg5 : memref<80x128xi32, #tpu.memory_space<vmem>>)
      tpu.yield
    }) : () -> ()
    %scan3A = arith.constant 0 : i32
    %scan3A_0 = arith.constant 128 : i32
    %scan3A_1 = arith.addi %scan3A, %scan3A_0 : i32
    %scan3A_2 = arith.constant 1 : i32
    scf.for %scan3A_218 = %scan3A to %scan3A_1 step %scan3A_2  : i32 {
      %mul3A_219 = arith.constant 1 : i32
      %mul3A_220 = arith.muli %scan3A_218, %mul3A_219 : i32
      %add3A_221 = arith.constant 0 : i32
      %add3A_222 = arith.addi %add3A_221, %mul3A_220 : i32
      %scan3A_223 = arith.constant 0 : i32
      %scan3A_224 = arith.constant 8 : i32
      %scan3A_225 = arith.addi %scan3A_223, %scan3A_224 : i32
      %scan3A_226 = arith.constant 1 : i32
      scf.for %scan3A_228 = %scan3A_223 to %scan3A_225 step %scan3A_226  : i32 {
        %mul3A_229 = arith.constant 1 : i32
        %mul3A_230 = arith.muli %scan3A_228, %mul3A_229 : i32
        %add3A_231 = arith.constant 0 : i32
        %add3A_232 = arith.addi %add3A_231, %mul3A_230 : i32
        %broadcast_in_dim3A = arith.constant 0.000000e+00 : f32
        %broadcast_in_dim3A_233 = vector.broadcast %broadcast_in_dim3A : f32 to vector<16xf32>
        %mul3A_234 = arith.constant 16 : i32
        %mul3A_235 = arith.muli %add3A_232, %mul3A_234 : i32
        %swap3A_236 = arith.index_cast %add3A_222 : i32 to index
        %swap3A_237 = arith.index_cast %mul3A_235 : i32 to index
        %swap3A_238 = tpu.vector_load %arg6[%swap3A_236, %swap3A_237] {strides = array<i32>} : memref<128x128xf32, #tpu.memory_space<vmem>>, vector<1x16xf32>,
        %swap3A_239 = vector.shape_cast %swap3A_238 : vector<1x16xf32> to vector<16xf32>
        %swap3A_240 = vector.shape_cast %broadcast_in_dim3A_233 : vector<16xf32> to vector<1x16xf32>
        tpu.vector_store %arg6[%swap3A_236, %swap3A_237], %swap3A_240 {strides = array<i32>} : memref<128x128xf32, #tpu.memory_space<vmem>>, vector<1x16xf32>,
      }
      %scan3A_227 = arith.constant 8 : i32
    }
    %scan3A_3 = arith.constant 128 : i32
    %mul3A = arith.constant 632 : i32
    %mul3A_4 = arith.muli %arg1, %mul3A : i32
    %add3A = arith.constant 0 : i32
    %add3A_5 = arith.addi %mul3A_4, %add3A : i32
    "tpu.region"() ({
      %run_scoped3A = tpu.sem_alloc : memref<!tpu.dma_semaphore, #tpu.memory_space<semaphore_mem>>
      %dma_start3A_218 = arith.constant 0 : i32
      %dma_start3A_219 = arith.constant 0 : i32
      %dma_start3A_220 = tpu.memref_slice %arg6[%dma_start3A_218, %dma_start3A_219] : memref<128x128xf32, #tpu.memory_space<vmem>> -> memref<128x128xf32, #tpu.memory_space<vmem>>
      %dma_start3A_221 = arith.constant 0 : i32
      %dma_start3A_222 = tpu.memref_slice %arg12[%add3A_5, %dma_start3A_221] : memref<10112x128xf32, #tpu.memory_space<vmem_shared>> -> memref<128x128xf32, #tpu.memory_space<vmem_shared>>
      %dma_start3A_223 = arith.constant 0 : i32
      %dma_start3A_224 = tpu.memref_slice %arg12[%add3A_5, %dma_start3A_223] : memref<10112x128xf32, #tpu.memory_space<vmem_shared>> -> memref<128x128xf32, #tpu.memory_space<vmem_shared>>
      %dma_start3A_225 = arith.constant 0 : i32
      %dma_start3A_226 = arith.constant 0 : i32
      %dma_start3A_227 = tpu.memref_slice %arg6[%dma_start3A_225, %dma_start3A_226] : memref<128x128xf32, #tpu.memory_space<vmem>> -> memref<128x128xf32, #tpu.memory_space<vmem>>
      tpu.enqueue_dma source(%dma_start3A_227 : memref<128x128xf32, #tpu.memory_space<vmem>>) target(%dma_start3A_224 : memref<128x128xf32, #tpu.memory_space<vmem_shared>>) target_semaphore(%run_scoped3A : memref<!tpu.dma_semaphore, #tpu.memory_space<semaphore_mem>>)
      %dma_wait3A = arith.constant 0 : i32
      %dma_wait3A_228 = arith.constant 0 : i32
      %dma_wait3A_229 = tpu.memref_slice %arg6[%dma_wait3A, %dma_wait3A_228] : memref<128x128xf32, #tpu.memory_space<vmem>> -> memref<128x128xf32, #tpu.memory_space<vmem>>
      %dma_wait3A_230 = arith.constant 0 : i32
      %dma_wait3A_231 = tpu.memref_slice %arg12[%add3A_5, %dma_wait3A_230] : memref<10112x128xf32, #tpu.memory_space<vmem_shared>> -> memref<128x128xf32, #tpu.memory_space<vmem_shared>>
      %dma_wait3A_232 = arith.constant 0 : i32
      %dma_wait3A_233 = tpu.memref_slice %arg12[%add3A_5, %dma_wait3A_232] : memref<10112x128xf32, #tpu.memory_space<vmem_shared>> -> memref<128x128xf32, #tpu.memory_space<vmem_shared>>
      %dma_wait3A_234 = arith.constant 0 : i32
      %dma_wait3A_235 = arith.constant 0 : i32
      %dma_wait3A_236 = tpu.memref_slice %arg6[%dma_wait3A_234, %dma_wait3A_235] : memref<128x128xf32, #tpu.memory_space<vmem>> -> memref<128x128xf32, #tpu.memory_space<vmem>>
      tpu.wait_dma2 semaphore(%run_scoped3A : memref<!tpu.dma_semaphore, #tpu.memory_space<semaphore_mem>>) src(%dma_wait3A_236 : memref<128x128xf32, #tpu.memory_space<vmem>>) dst(%dma_wait3A_233 : memref<128x128xf32, #tpu.memory_space<vmem_shared>>)
      tpu.yield
    }) : () -> ()
    %mul3A_6 = arith.constant 632 : i32
    %mul3A_7 = arith.muli %arg1, %mul3A_6 : i32
    %add3A_8 = arith.constant 128 : i32
    %add3A_9 = arith.addi %mul3A_7, %add3A_8 : i32
    "tpu.region"() ({
      %run_scoped3A = tpu.sem_alloc : memref<!tpu.dma_semaphore, #tpu.memory_space<semaphore_mem>>
      %dma_start3A_218 = arith.constant 0 : i32
      %dma_start3A_219 = arith.constant 0 : i32
      %dma_start3A_220 = tpu.memref_slice %arg6[%dma_start3A_218, %dma_start3A_219] : memref<128x128xf32, #tpu.memory_space<vmem>> -> memref<128x128xf32, #tpu.memory_space<vmem>>
      %dma_start3A_221 = arith.constant 0 : i32
      %dma_start3A_222 = tpu.memref_slice %arg12[%add3A_9, %dma_start3A_221] : memref<10112x128xf32, #tpu.memory_space<vmem_shared>> -> memref<128x128xf32, #tpu.memory_space<vmem_shared>>
      %dma_start3A_223 = arith.constant 0 : i32
      %dma_start3A_224 = tpu.memref_slice %arg12[%add3A_9, %dma_start3A_223] : memref<10112x128xf32, #tpu.memory_space<vmem_shared>> -> memref<128x128xf32, #tpu.memory_space<vmem_shared>>
      %dma_start3A_225 = arith.constant 0 : i32
      %dma_start3A_226 = arith.constant 0 : i32
      %dma_start3A_227 = tpu.memref_slice %arg6[%dma_start3A_225, %dma_start3A_226] : memref<128x128xf32, #tpu.memory_space<vmem>> -> memref<128x128xf32, #tpu.memory_space<vmem>>
      tpu.enqueue_dma source(%dma_start3A_227 : memref<128x128xf32, #tpu.memory_space<vmem>>) target(%dma_start3A_224 : memref<128x128xf32, #tpu.memory_space<vmem_shared>>) target_semaphore(%run_scoped3A : memref<!tpu.dma_semaphore, #tpu.memory_space<semaphore_mem>>)
      %dma_wait3A = arith.constant 0 : i32
      %dma_wait3A_228 = arith.constant 0 : i32
      %dma_wait3A_229 = tpu.memref_slice %arg6[%dma_wait3A, %dma_wait3A_228] : memref<128x128xf32, #tpu.memory_space<vmem>> -> memref<128x128xf32, #tpu.memory_space<vmem>>
      %dma_wait3A_230 = arith.constant 0 : i32
      %dma_wait3A_231 = tpu.memref_slice %arg12[%add3A_9, %dma_wait3A_230] : memref<10112x128xf32, #tpu.memory_space<vmem_shared>> -> memref<128x128xf32, #tpu.memory_space<vmem_shared>>
      %dma_wait3A_232 = arith.constant 0 : i32
      %dma_wait3A_233 = tpu.memref_slice %arg12[%add3A_9, %dma_wait3A_232] : memref<10112x128xf32, #tpu.memory_space<vmem_shared>> -> memref<128x128xf32, #tpu.memory_space<vmem_shared>>
      %dma_wait3A_234 = arith.constant 0 : i32
      %dma_wait3A_235 = arith.constant 0 : i32
      %dma_wait3A_236 = tpu.memref_slice %arg6[%dma_wait3A_234, %dma_wait3A_235] : memref<128x128xf32, #tpu.memory_space<vmem>> -> memref<128x128xf32, #tpu.memory_space<vmem>>
      tpu.wait_dma2 semaphore(%run_scoped3A : memref<!tpu.dma_semaphore, #tpu.memory_space<semaphore_mem>>) src(%dma_wait3A_236 : memref<128x128xf32, #tpu.memory_space<vmem>>) dst(%dma_wait3A_233 : memref<128x128xf32, #tpu.memory_space<vmem_shared>>)
      tpu.yield
    }) : () -> ()
    %mul3A_10 = arith.constant 632 : i32
    %mul3A_11 = arith.muli %arg1, %mul3A_10 : i32
    %add3A_12 = arith.constant 256 : i32
    %add3A_13 = arith.addi %mul3A_11, %add3A_12 : i32
    "tpu.region"() ({
      %run_scoped3A = tpu.sem_alloc : memref<!tpu.dma_semaphore, #tpu.memory_space<semaphore_mem>>
      %dma_start3A_218 = arith.constant 0 : i32
      %dma_start3A_219 = arith.constant 0 : i32
      %dma_start3A_220 = tpu.memref_slice %arg6[%dma_start3A_218, %dma_start3A_219] : memref<128x128xf32, #tpu.memory_space<vmem>> -> memref<128x128xf32, #tpu.memory_space<vmem>>
      %dma_start3A_221 = arith.constant 0 : i32
      %dma_start3A_222 = tpu.memref_slice %arg12[%add3A_13, %dma_start3A_221] : memref<10112x128xf32, #tpu.memory_space<vmem_shared>> -> memref<128x128xf32, #tpu.memory_space<vmem_shared>>
      %dma_start3A_223 = arith.constant 0 : i32
      %dma_start3A_224 = tpu.memref_slice %arg12[%add3A_13, %dma_start3A_223] : memref<10112x128xf32, #tpu.memory_space<vmem_shared>> -> memref<128x128xf32, #tpu.memory_space<vmem_shared>>
      %dma_start3A_225 = arith.constant 0 : i32
      %dma_start3A_226 = arith.constant 0 : i32
      %dma_start3A_227 = tpu.memref_slice %arg6[%dma_start3A_225, %dma_start3A_226] : memref<128x128xf32, #tpu.memory_space<vmem>> -> memref<128x128xf32, #tpu.memory_space<vmem>>
      tpu.enqueue_dma source(%dma_start3A_227 : memref<128x128xf32, #tpu.memory_space<vmem>>) target(%dma_start3A_224 : memref<128x128xf32, #tpu.memory_space<vmem_shared>>) target_semaphore(%run_scoped3A : memref<!tpu.dma_semaphore, #tpu.memory_space<semaphore_mem>>)
      %dma_wait3A = arith.constant 0 : i32
      %dma_wait3A_228 = arith.constant 0 : i32
      %dma_wait3A_229 = tpu.memref_slice %arg6[%dma_wait3A, %dma_wait3A_228] : memref<128x128xf32, #tpu.memory_space<vmem>> -> memref<128x128xf32, #tpu.memory_space<vmem>>
      %dma_wait3A_230 = arith.constant 0 : i32
      %dma_wait3A_231 = tpu.memref_slice %arg12[%add3A_13, %dma_wait3A_230] : memref<10112x128xf32, #tpu.memory_space<vmem_shared>> -> memref<128x128xf32, #tpu.memory_space<vmem_shared>>
      %dma_wait3A_232 = arith.constant 0 : i32
      %dma_wait3A_233 = tpu.memref_slice %arg12[%add3A_13, %dma_wait3A_232] : memref<10112x128xf32, #tpu.memory_space<vmem_shared>> -> memref<128x128xf32, #tpu.memory_space<vmem_shared>>
      %dma_wait3A_234 = arith.constant 0 : i32
      %dma_wait3A_235 = arith.constant 0 : i32
      %dma_wait3A_236 = tpu.memref_slice %arg6[%dma_wait3A_234, %dma_wait3A_235] : memref<128x128xf32, #tpu.memory_space<vmem>> -> memref<128x128xf32, #tpu.memory_space<vmem>>
      tpu.wait_dma2 semaphore(%run_scoped3A : memref<!tpu.dma_semaphore, #tpu.memory_space<semaphore_mem>>) src(%dma_wait3A_236 : memref<128x128xf32, #tpu.memory_space<vmem>>) dst(%dma_wait3A_233 : memref<128x128xf32, #tpu.memory_space<vmem_shared>>)
      tpu.yield
    }) : () -> ()
    %mul3A_14 = arith.constant 632 : i32
    %mul3A_15 = arith.muli %arg1, %mul3A_14 : i32
    %add3A_16 = arith.constant 384 : i32
    %add3A_17 = arith.addi %mul3A_15, %add3A_16 : i32
    "tpu.region"() ({
      %run_scoped3A = tpu.sem_alloc : memref<!tpu.dma_semaphore, #tpu.memory_space<semaphore_mem>>
      %dma_start3A_218 = arith.constant 0 : i32
      %dma_start3A_219 = arith.constant 0 : i32
      %dma_start3A_220 = tpu.memref_slice %arg6[%dma_start3A_218, %dma_start3A_219] : memref<128x128xf32, #tpu.memory_space<vmem>> -> memref<128x128xf32, #tpu.memory_space<vmem>>
      %dma_start3A_221 = arith.constant 0 : i32
      %dma_start3A_222 = tpu.memref_slice %arg12[%add3A_17, %dma_start3A_221] : memref<10112x128xf32, #tpu.memory_space<vmem_shared>> -> memref<128x128xf32, #tpu.memory_space<vmem_shared>>
      %dma_start3A_223 = arith.constant 0 : i32
      %dma_start3A_224 = tpu.memref_slice %arg12[%add3A_17, %dma_start3A_223] : memref<10112x128xf32, #tpu.memory_space<vmem_shared>> -> memref<128x128xf32, #tpu.memory_space<vmem_shared>>
      %dma_start3A_225 = arith.constant 0 : i32
      %dma_start3A_226 = arith.constant 0 : i32
      %dma_start3A_227 = tpu.memref_slice %arg6[%dma_start3A_225, %dma_start3A_226] : memref<128x128xf32, #tpu.memory_space<vmem>> -> memref<128x128xf32, #tpu.memory_space<vmem>>
      tpu.enqueue_dma source(%dma_start3A_227 : memref<128x128xf32, #tpu.memory_space<vmem>>) target(%dma_start3A_224 : memref<128x128xf32, #tpu.memory_space<vmem_shared>>) target_semaphore(%run_scoped3A : memref<!tpu.dma_semaphore, #tpu.memory_space<semaphore_mem>>)
      %dma_wait3A = arith.constant 0 : i32
      %dma_wait3A_228 = arith.constant 0 : i32
      %dma_wait3A_229 = tpu.memref_slice %arg6[%dma_wait3A, %dma_wait3A_228] : memref<128x128xf32, #tpu.memory_space<vmem>> -> memref<128x128xf32, #tpu.memory_space<vmem>>
      %dma_wait3A_230 = arith.constant 0 : i32
      %dma_wait3A_231 = tpu.memref_slice %arg12[%add3A_17, %dma_wait3A_230] : memref<10112x128xf32, #tpu.memory_space<vmem_shared>> -> memref<128x128xf32, #tpu.memory_space<vmem_shared>>
      %dma_wait3A_232 = arith.constant 0 : i32
      %dma_wait3A_233 = tpu.memref_slice %arg12[%add3A_17, %dma_wait3A_232] : memref<10112x128xf32, #tpu.memory_space<vmem_shared>> -> memref<128x128xf32, #tpu.memory_space<vmem_shared>>
      %dma_wait3A_234 = arith.constant 0 : i32
      %dma_wait3A_235 = arith.constant 0 : i32
      %dma_wait3A_236 = tpu.memref_slice %arg6[%dma_wait3A_234, %dma_wait3A_235] : memref<128x128xf32, #tpu.memory_space<vmem>> -> memref<128x128xf32, #tpu.memory_space<vmem>>
      tpu.wait_dma2 semaphore(%run_scoped3A : memref<!tpu.dma_semaphore, #tpu.memory_space<semaphore_mem>>) src(%dma_wait3A_236 : memref<128x128xf32, #tpu.memory_space<vmem>>) dst(%dma_wait3A_233 : memref<128x128xf32, #tpu.memory_space<vmem_shared>>)
      tpu.yield
    }) : () -> ()
    %mul3A_18 = arith.constant 632 : i32
    %mul3A_19 = arith.muli %arg1, %mul3A_18 : i32
    %add3A_20 = arith.constant 512 : i32
    %add3A_21 = arith.addi %mul3A_19, %add3A_20 : i32
    "tpu.region"() ({
      %run_scoped3A = tpu.sem_alloc : memref<!tpu.dma_semaphore, #tpu.memory_space<semaphore_mem>>
      %dma_start3A_218 = arith.constant 0 : i32
      %dma_start3A_219 = arith.constant 0 : i32
      %dma_start3A_220 = tpu.memref_slice %arg6[%dma_start3A_218, %dma_start3A_219] : memref<128x128xf32, #tpu.memory_space<vmem>> -> memref<120x128xf32, #tpu.memory_space<vmem>>
      %dma_start3A_221 = arith.constant 0 : i32
      %dma_start3A_222 = tpu.memref_slice %arg12[%add3A_21, %dma_start3A_221] : memref<10112x128xf32, #tpu.memory_space<vmem_shared>> -> memref<120x128xf32, #tpu.memory_space<vmem_shared>>
      %dma_start3A_223 = arith.constant 0 : i32
      %dma_start3A_224 = tpu.memref_slice %arg12[%add3A_21, %dma_start3A_223] : memref<10112x128xf32, #tpu.memory_space<vmem_shared>> -> memref<120x128xf32, #tpu.memory_space<vmem_shared>>
      %dma_start3A_225 = arith.constant 0 : i32
      %dma_start3A_226 = arith.constant 0 : i32
      %dma_start3A_227 = tpu.memref_slice %arg6[%dma_start3A_225, %dma_start3A_226] : memref<128x128xf32, #tpu.memory_space<vmem>> -> memref<120x128xf32, #tpu.memory_space<vmem>>
      tpu.enqueue_dma source(%dma_start3A_227 : memref<120x128xf32, #tpu.memory_space<vmem>>) target(%dma_start3A_224 : memref<120x128xf32, #tpu.memory_space<vmem_shared>>) target_semaphore(%run_scoped3A : memref<!tpu.dma_semaphore, #tpu.memory_space<semaphore_mem>>)
      %dma_wait3A = arith.constant 0 : i32
      %dma_wait3A_228 = arith.constant 0 : i32
      %dma_wait3A_229 = tpu.memref_slice %arg6[%dma_wait3A, %dma_wait3A_228] : memref<128x128xf32, #tpu.memory_space<vmem>> -> memref<120x128xf32, #tpu.memory_space<vmem>>
      %dma_wait3A_230 = arith.constant 0 : i32
      %dma_wait3A_231 = tpu.memref_slice %arg12[%add3A_21, %dma_wait3A_230] : memref<10112x128xf32, #tpu.memory_space<vmem_shared>> -> memref<120x128xf32, #tpu.memory_space<vmem_shared>>
      %dma_wait3A_232 = arith.constant 0 : i32
      %dma_wait3A_233 = tpu.memref_slice %arg12[%add3A_21, %dma_wait3A_232] : memref<10112x128xf32, #tpu.memory_space<vmem_shared>> -> memref<120x128xf32, #tpu.memory_space<vmem_shared>>
      %dma_wait3A_234 = arith.constant 0 : i32
      %dma_wait3A_235 = arith.constant 0 : i32
      %dma_wait3A_236 = tpu.memref_slice %arg6[%dma_wait3A_234, %dma_wait3A_235] : memref<128x128xf32, #tpu.memory_space<vmem>> -> memref<120x128xf32, #tpu.memory_space<vmem>>
      tpu.wait_dma2 semaphore(%run_scoped3A : memref<!tpu.dma_semaphore, #tpu.memory_space<semaphore_mem>>) src(%dma_wait3A_236 : memref<120x128xf32, #tpu.memory_space<vmem>>) dst(%dma_wait3A_233 : memref<120x128xf32, #tpu.memory_space<vmem_shared>>)
      tpu.yield
    }) : () -> ()
    %barrier3A = arith.constant 0 : index
    tpu.barrier barrier_id(%barrier3A)
    %get3A = arith.constant 0 : i32
    %get3A_22 = arith.index_cast %get3A : i32 to index
    %get3A_23 = arith.constant 0 : index
    %get3A_24 = tpu.vector_load %arg5[%get3A_22, %get3A_23] {strides = array<i32>} : memref<80x128xi32, #tpu.memory_space<vmem>>, vector<1x16xi32>,
    %get3A_25 = vector.shape_cast %get3A_24 : vector<1x16xi32> to vector<16xi32>
    %and3A = arith.constant 16383 : i32
    %and3A_26 = vector.broadcast %and3A : i32 to vector<16xi32>
    %and3A_27 = arith.andi %get3A_25, %and3A_26 : vector<16xi32>
    %swap3A = arith.constant 0 : index
    %swap3A_28 = tpu.vector_load %arg8[%swap3A] {strides = array<i32>} : memref<128xi32, #tpu.memory_space<vmem>>, vector<16xi32>,
    %swap3A_29 = vector.shape_cast %swap3A_28 : vector<16xi32> to vector<16xi32>
    %swap3A_30 = vector.shape_cast %and3A_27 : vector<16xi32> to vector<16xi32>
    tpu.vector_store %arg8[%swap3A], %swap3A_30 {strides = array<i32>} : memref<128xi32, #tpu.memory_space<vmem>>, vector<16xi32>,
    %shift_right_logical3A = arith.constant 14 : i32
    %shift_right_logical3A_31 = vector.broadcast %shift_right_logical3A : i32 to vector<16xi32>
    %shift_right_logical3A_32 = arith.shrui %get3A_25, %shift_right_logical3A_31 : vector<16xi32>
    %swap3A_33 = arith.constant 0 : index
    %swap3A_34 = tpu.vector_load %arg10[%swap3A_33] {strides = array<i32>} : memref<128xi32, #tpu.memory_space<vmem>>, vector<16xi32>,
    %swap3A_35 = vector.shape_cast %swap3A_34 : vector<16xi32> to vector<16xi32>
    %swap3A_36 = vector.shape_cast %shift_right_logical3A_32 : vector<16xi32> to vector<16xi32>
    tpu.vector_store %arg10[%swap3A_33], %swap3A_36 {strides = array<i32>} : memref<128xi32, #tpu.memory_space<vmem>>, vector<16xi32>,
    %get3A_37 = arith.constant 0 : i32
    %get3A_38 = arith.index_cast %get3A_37 : i32 to index
    %get3A_39 = arith.constant 16 : index
    %get3A_40 = tpu.vector_load %arg5[%get3A_38, %get3A_39] {strides = array<i32>} : memref<80x128xi32, #tpu.memory_space<vmem>>, vector<1x16xi32>,
    %get3A_41 = vector.shape_cast %get3A_40 : vector<1x16xi32> to vector<16xi32>
    %and3A_42 = arith.constant 16383 : i32
    %and3A_43 = vector.broadcast %and3A_42 : i32 to vector<16xi32>
    %and3A_44 = arith.andi %get3A_41, %and3A_43 : vector<16xi32>
    %swap3A_45 = arith.constant 16 : index
    %swap3A_46 = tpu.vector_load %arg8[%swap3A_45] {strides = array<i32>} : memref<128xi32, #tpu.memory_space<vmem>>, vector<16xi32>,
    %swap3A_47 = vector.shape_cast %swap3A_46 : vector<16xi32> to vector<16xi32>
    %swap3A_48 = vector.shape_cast %and3A_44 : vector<16xi32> to vector<16xi32>
    tpu.vector_store %arg8[%swap3A_45], %swap3A_48 {strides = array<i32>} : memref<128xi32, #tpu.memory_space<vmem>>, vector<16xi32>,
    %shift_right_logical3A_49 = arith.constant 14 : i32
    %shift_right_logical3A_50 = vector.broadcast %shift_right_logical3A_49 : i32 to vector<16xi32>
    %shift_right_logical3A_51 = arith.shrui %get3A_41, %shift_right_logical3A_50 : vector<16xi32>
    %swap3A_52 = arith.constant 16 : index
    %swap3A_53 = tpu.vector_load %arg10[%swap3A_52] {strides = array<i32>} : memref<128xi32, #tpu.memory_space<vmem>>, vector<16xi32>,
    %swap3A_54 = vector.shape_cast %swap3A_53 : vector<16xi32> to vector<16xi32>
    %swap3A_55 = vector.shape_cast %shift_right_logical3A_51 : vector<16xi32> to vector<16xi32>
    tpu.vector_store %arg10[%swap3A_52], %swap3A_55 {strides = array<i32>} : memref<128xi32, #tpu.memory_space<vmem>>, vector<16xi32>,
    %get3A_56 = arith.constant 0 : i32
    %get3A_57 = arith.index_cast %get3A_56 : i32 to index
    %get3A_58 = arith.constant 32 : index
    %get3A_59 = tpu.vector_load %arg5[%get3A_57, %get3A_58] {strides = array<i32>} : memref<80x128xi32, #tpu.memory_space<vmem>>, vector<1x16xi32>,
    %get3A_60 = vector.shape_cast %get3A_59 : vector<1x16xi32> to vector<16xi32>
    %and3A_61 = arith.constant 16383 : i32
    %and3A_62 = vector.broadcast %and3A_61 : i32 to vector<16xi32>
    %and3A_63 = arith.andi %get3A_60, %and3A_62 : vector<16xi32>
    %swap3A_64 = arith.constant 32 : index
    %swap3A_65 = tpu.vector_load %arg8[%swap3A_64] {strides = array<i32>} : memref<128xi32, #tpu.memory_space<vmem>>, vector<16xi32>,
    %swap3A_66 = vector.shape_cast %swap3A_65 : vector<16xi32> to vector<16xi32>
    %swap3A_67 = vector.shape_cast %and3A_63 : vector<16xi32> to vector<16xi32>
    tpu.vector_store %arg8[%swap3A_64], %swap3A_67 {strides = array<i32>} : memref<128xi32, #tpu.memory_space<vmem>>, vector<16xi32>,
    %shift_right_logical3A_68 = arith.constant 14 : i32
    %shift_right_logical3A_69 = vector.broadcast %shift_right_logical3A_68 : i32 to vector<16xi32>
    %shift_right_logical3A_70 = arith.shrui %get3A_60, %shift_right_logical3A_69 : vector<16xi32>
    %swap3A_71 = arith.constant 32 : index
    %swap3A_72 = tpu.vector_load %arg10[%swap3A_71] {strides = array<i32>} : memref<128xi32, #tpu.memory_space<vmem>>, vector<16xi32>,
    %swap3A_73 = vector.shape_cast %swap3A_72 : vector<16xi32> to vector<16xi32>
    %swap3A_74 = vector.shape_cast %shift_right_logical3A_70 : vector<16xi32> to vector<16xi32>
    tpu.vector_store %arg10[%swap3A_71], %swap3A_74 {strides = array<i32>} : memref<128xi32, #tpu.memory_space<vmem>>, vector<16xi32>,
    %get3A_75 = arith.constant 0 : i32
    %get3A_76 = arith.index_cast %get3A_75 : i32 to index
    %get3A_77 = arith.constant 48 : index
    %get3A_78 = tpu.vector_load %arg5[%get3A_76, %get3A_77] {strides = array<i32>} : memref<80x128xi32, #tpu.memory_space<vmem>>, vector<1x16xi32>,
    %get3A_79 = vector.shape_cast %get3A_78 : vector<1x16xi32> to vector<16xi32>
    %and3A_80 = arith.constant 16383 : i32
    %and3A_81 = vector.broadcast %and3A_80 : i32 to vector<16xi32>
    %and3A_82 = arith.andi %get3A_79, %and3A_81 : vector<16xi32>
    %swap3A_83 = arith.constant 48 : index
    %swap3A_84 = tpu.vector_load %arg8[%swap3A_83] {strides = array<i32>} : memref<128xi32, #tpu.memory_space<vmem>>, vector<16xi32>,
    %swap3A_85 = vector.shape_cast %swap3A_84 : vector<16xi32> to vector<16xi32>
    %swap3A_86 = vector.shape_cast %and3A_82 : vector<16xi32> to vector<16xi32>
    tpu.vector_store %arg8[%swap3A_83], %swap3A_86 {strides = array<i32>} : memref<128xi32, #tpu.memory_space<vmem>>, vector<16xi32>,
    %shift_right_logical3A_87 = arith.constant 14 : i32
    %shift_right_logical3A_88 = vector.broadcast %shift_right_logical3A_87 : i32 to vector<16xi32>
    %shift_right_logical3A_89 = arith.shrui %get3A_79, %shift_right_logical3A_88 : vector<16xi32>
    %swap3A_90 = arith.constant 48 : index
    %swap3A_91 = tpu.vector_load %arg10[%swap3A_90] {strides = array<i32>} : memref<128xi32, #tpu.memory_space<vmem>>, vector<16xi32>,
    %swap3A_92 = vector.shape_cast %swap3A_91 : vector<16xi32> to vector<16xi32>
    %swap3A_93 = vector.shape_cast %shift_right_logical3A_89 : vector<16xi32> to vector<16xi32>
    tpu.vector_store %arg10[%swap3A_90], %swap3A_93 {strides = array<i32>} : memref<128xi32, #tpu.memory_space<vmem>>, vector<16xi32>,
    %get3A_94 = arith.constant 0 : i32
    %get3A_95 = arith.index_cast %get3A_94 : i32 to index
    %get3A_96 = arith.constant 64 : index
    %get3A_97 = tpu.vector_load %arg5[%get3A_95, %get3A_96] {strides = array<i32>} : memref<80x128xi32, #tpu.memory_space<vmem>>, vector<1x16xi32>,
    %get3A_98 = vector.shape_cast %get3A_97 : vector<1x16xi32> to vector<16xi32>
    %and3A_99 = arith.constant 16383 : i32
    %and3A_100 = vector.broadcast %and3A_99 : i32 to vector<16xi32>
    %and3A_101 = arith.andi %get3A_98, %and3A_100 : vector<16xi32>
    %swap3A_102 = arith.constant 64 : index
    %swap3A_103 = tpu.vector_load %arg8[%swap3A_102] {strides = array<i32>} : memref<128xi32, #tpu.memory_space<vmem>>, vector<16xi32>,
    %swap3A_104 = vector.shape_cast %swap3A_103 : vector<16xi32> to vector<16xi32>
    %swap3A_105 = vector.shape_cast %and3A_101 : vector<16xi32> to vector<16xi32>
    tpu.vector_store %arg8[%swap3A_102], %swap3A_105 {strides = array<i32>} : memref<128xi32, #tpu.memory_space<vmem>>, vector<16xi32>,
    %shift_right_logical3A_106 = arith.constant 14 : i32
    %shift_right_logical3A_107 = vector.broadcast %shift_right_logical3A_106 : i32 to vector<16xi32>
    %shift_right_logical3A_108 = arith.shrui %get3A_98, %shift_right_logical3A_107 : vector<16xi32>
    %swap3A_109 = arith.constant 64 : index
    %swap3A_110 = tpu.vector_load %arg10[%swap3A_109] {strides = array<i32>} : memref<128xi32, #tpu.memory_space<vmem>>, vector<16xi32>,
    %swap3A_111 = vector.shape_cast %swap3A_110 : vector<16xi32> to vector<16xi32>
    %swap3A_112 = vector.shape_cast %shift_right_logical3A_108 : vector<16xi32> to vector<16xi32>
    tpu.vector_store %arg10[%swap3A_109], %swap3A_112 {strides = array<i32>} : memref<128xi32, #tpu.memory_space<vmem>>, vector<16xi32>,
    %get3A_113 = arith.constant 0 : i32
    %get3A_114 = arith.index_cast %get3A_113 : i32 to index
    %get3A_115 = arith.constant 80 : index
    %get3A_116 = tpu.vector_load %arg5[%get3A_114, %get3A_115] {strides = array<i32>} : memref<80x128xi32, #tpu.memory_space<vmem>>, vector<1x16xi32>,
    %get3A_117 = vector.shape_cast %get3A_116 : vector<1x16xi32> to vector<16xi32>
    %and3A_118 = arith.constant 16383 : i32
    %and3A_119 = vector.broadcast %and3A_118 : i32 to vector<16xi32>
    %and3A_120 = arith.andi %get3A_117, %and3A_119 : vector<16xi32>
    %swap3A_121 = arith.constant 80 : index
    %swap3A_122 = tpu.vector_load %arg8[%swap3A_121] {strides = array<i32>} : memref<128xi32, #tpu.memory_space<vmem>>, vector<16xi32>,
    %swap3A_123 = vector.shape_cast %swap3A_122 : vector<16xi32> to vector<16xi32>
    %swap3A_124 = vector.shape_cast %and3A_120 : vector<16xi32> to vector<16xi32>
    tpu.vector_store %arg8[%swap3A_121], %swap3A_124 {strides = array<i32>} : memref<128xi32, #tpu.memory_space<vmem>>, vector<16xi32>,
    %shift_right_logical3A_125 = arith.constant 14 : i32
    %shift_right_logical3A_126 = vector.broadcast %shift_right_logical3A_125 : i32 to vector<16xi32>
    %shift_right_logical3A_127 = arith.shrui %get3A_117, %shift_right_logical3A_126 : vector<16xi32>
    %swap3A_128 = arith.constant 80 : index
    %swap3A_129 = tpu.vector_load %arg10[%swap3A_128] {strides = array<i32>} : memref<128xi32, #tpu.memory_space<vmem>>, vector<16xi32>,
    %swap3A_130 = vector.shape_cast %swap3A_129 : vector<16xi32> to vector<16xi32>
    %swap3A_131 = vector.shape_cast %shift_right_logical3A_127 : vector<16xi32> to vector<16xi32>
    tpu.vector_store %arg10[%swap3A_128], %swap3A_131 {strides = array<i32>} : memref<128xi32, #tpu.memory_space<vmem>>, vector<16xi32>,
    %get3A_132 = arith.constant 0 : i32
    %get3A_133 = arith.index_cast %get3A_132 : i32 to index
    %get3A_134 = arith.constant 96 : index
    %get3A_135 = tpu.vector_load %arg5[%get3A_133, %get3A_134] {strides = array<i32>} : memref<80x128xi32, #tpu.memory_space<vmem>>, vector<1x16xi32>,
    %get3A_136 = vector.shape_cast %get3A_135 : vector<1x16xi32> to vector<16xi32>
    %and3A_137 = arith.constant 16383 : i32
    %and3A_138 = vector.broadcast %and3A_137 : i32 to vector<16xi32>
    %and3A_139 = arith.andi %get3A_136, %and3A_138 : vector<16xi32>
    %swap3A_140 = arith.constant 96 : index
    %swap3A_141 = tpu.vector_load %arg8[%swap3A_140] {strides = array<i32>} : memref<128xi32, #tpu.memory_space<vmem>>, vector<16xi32>,
    %swap3A_142 = vector.shape_cast %swap3A_141 : vector<16xi32> to vector<16xi32>
    %swap3A_143 = vector.shape_cast %and3A_139 : vector<16xi32> to vector<16xi32>
    tpu.vector_store %arg8[%swap3A_140], %swap3A_143 {strides = array<i32>} : memref<128xi32, #tpu.memory_space<vmem>>, vector<16xi32>,
    %shift_right_logical3A_144 = arith.constant 14 : i32
    %shift_right_logical3A_145 = vector.broadcast %shift_right_logical3A_144 : i32 to vector<16xi32>
    %shift_right_logical3A_146 = arith.shrui %get3A_136, %shift_right_logical3A_145 : vector<16xi32>
    %swap3A_147 = arith.constant 96 : index
    %swap3A_148 = tpu.vector_load %arg10[%swap3A_147] {strides = array<i32>} : memref<128xi32, #tpu.memory_space<vmem>>, vector<16xi32>,
    %swap3A_149 = vector.shape_cast %swap3A_148 : vector<16xi32> to vector<16xi32>
    %swap3A_150 = vector.shape_cast %shift_right_logical3A_146 : vector<16xi32> to vector<16xi32>
    tpu.vector_store %arg10[%swap3A_147], %swap3A_150 {strides = array<i32>} : memref<128xi32, #tpu.memory_space<vmem>>, vector<16xi32>,
    %get3A_151 = arith.constant 0 : i32
    %get3A_152 = arith.index_cast %get3A_151 : i32 to index
    %get3A_153 = arith.constant 112 : index
    %get3A_154 = tpu.vector_load %arg5[%get3A_152, %get3A_153] {strides = array<i32>} : memref<80x128xi32, #tpu.memory_space<vmem>>, vector<1x16xi32>,
    %get3A_155 = vector.shape_cast %get3A_154 : vector<1x16xi32> to vector<16xi32>
    %and3A_156 = arith.constant 16383 : i32
    %and3A_157 = vector.broadcast %and3A_156 : i32 to vector<16xi32>
    %and3A_158 = arith.andi %get3A_155, %and3A_157 : vector<16xi32>
    %swap3A_159 = arith.constant 112 : index
    %swap3A_160 = tpu.vector_load %arg8[%swap3A_159] {strides = array<i32>} : memref<128xi32, #tpu.memory_space<vmem>>, vector<16xi32>,
    %swap3A_161 = vector.shape_cast %swap3A_160 : vector<16xi32> to vector<16xi32>
    %swap3A_162 = vector.shape_cast %and3A_158 : vector<16xi32> to vector<16xi32>
    tpu.vector_store %arg8[%swap3A_159], %swap3A_162 {strides = array<i32>} : memref<128xi32, #tpu.memory_space<vmem>>, vector<16xi32>,
    %shift_right_logical3A_163 = arith.constant 14 : i32
    %shift_right_logical3A_164 = vector.broadcast %shift_right_logical3A_163 : i32 to vector<16xi32>
    %shift_right_logical3A_165 = arith.shrui %get3A_155, %shift_right_logical3A_164 : vector<16xi32>
    %swap3A_166 = arith.constant 112 : index
    %swap3A_167 = tpu.vector_load %arg10[%swap3A_166] {strides = array<i32>} : memref<128xi32, #tpu.memory_space<vmem>>, vector<16xi32>,
    %swap3A_168 = vector.shape_cast %swap3A_167 : vector<16xi32> to vector<16xi32>
    %swap3A_169 = vector.shape_cast %shift_right_logical3A_165 : vector<16xi32> to vector<16xi32>
    tpu.vector_store %arg10[%swap3A_166], %swap3A_169 {strides = array<i32>} : memref<128xi32, #tpu.memory_space<vmem>>, vector<16xi32>,
    %dma_start3A = arith.constant 0 : i32
    %dma_start3A_170 = arith.constant 0 : i32
    %dma_start3A_171 = tpu.memref_slice %arg2[%dma_start3A, %dma_start3A_170] : memref<10000x128xf32, #tpu.memory_space<hbm>> -> memref<10000x128xf32, #tpu.memory_space<hbm>>
    tpu.enqueue_indirect_dma source(%dma_start3A_171 : memref<10000x128xf32, #tpu.memory_space<hbm>>) target(%arg6 : memref<128x128xf32, #tpu.memory_space<vmem>>) offsets(%arg8 : memref<128xi32, #tpu.memory_space<vmem>>) semaphore(%arg13 : memref<!tpu.dma_semaphore, #tpu.memory_space<semaphore_mem>>)
    %scan3A_172 = arith.constant 0 : i32
    %scan3A_173 = arith.constant 40 : i32
    %scan3A_174 = arith.addi %scan3A_172, %scan3A_173 : i32
    %scan3A_175 = arith.constant 1 : i32
    scf.for %scan3A_218 = %scan3A_172 to %scan3A_174 step %scan3A_175  : i32 {
      %mul3A_219 = arith.constant 2 : i32
      %mul3A_220 = arith.muli %scan3A_218, %mul3A_219 : i32
      %add3A_221 = arith.constant 0 : i32
      %add3A_222 = arith.addi %add3A_221, %mul3A_220 : i32
      %add3A_223 = arith.constant 1 : i32
      %add3A_224 = arith.addi %add3A_222, %add3A_223 : i32
      %get3A_225 = arith.index_cast %add3A_224 : i32 to index
      %get3A_226 = arith.constant 0 : index
      %get3A_227 = tpu.vector_load %arg5[%get3A_225, %get3A_226] {strides = array<i32>} : memref<80x128xi32, #tpu.memory_space<vmem>>, vector<1x16xi32>,
      %get3A_228 = vector.shape_cast %get3A_227 : vector<1x16xi32> to vector<16xi32>
      %and3A_229 = arith.constant 16383 : i32
      %and3A_230 = vector.broadcast %and3A_229 : i32 to vector<16xi32>
      %and3A_231 = arith.andi %get3A_228, %and3A_230 : vector<16xi32>
      %swap3A_232 = arith.constant 0 : index
      %swap3A_233 = tpu.vector_load %arg9[%swap3A_232] {strides = array<i32>} : memref<128xi32, #tpu.memory_space<vmem>>, vector<16xi32>,
      %swap3A_234 = vector.shape_cast %swap3A_233 : vector<16xi32> to vector<16xi32>
      %swap3A_235 = vector.shape_cast %and3A_231 : vector<16xi32> to vector<16xi32>
      tpu.vector_store %arg9[%swap3A_232], %swap3A_235 {strides = array<i32>} : memref<128xi32, #tpu.memory_space<vmem>>, vector<16xi32>,
      %shift_right_logical3A_236 = arith.constant 14 : i32
      %shift_right_logical3A_237 = vector.broadcast %shift_right_logical3A_236 : i32 to vector<16xi32>
      %shift_right_logical3A_238 = arith.shrui %get3A_228, %shift_right_logical3A_237 : vector<16xi32>
      %swap3A_239 = arith.constant 0 : index
      %swap3A_240 = tpu.vector_load %arg11[%swap3A_239] {strides = array<i32>} : memref<128xi32, #tpu.memory_space<vmem>>, vector<16xi32>,
      %swap3A_241 = vector.shape_cast %swap3A_240 : vector<16xi32> to vector<16xi32>
      %swap3A_242 = vector.shape_cast %shift_right_logical3A_238 : vector<16xi32> to vector<16xi32>
      tpu.vector_store %arg11[%swap3A_239], %swap3A_242 {strides = array<i32>} : memref<128xi32, #tpu.memory_space<vmem>>, vector<16xi32>,
      %get3A_243 = arith.index_cast %add3A_224 : i32 to index
      %get3A_244 = arith.constant 16 : index
      %get3A_245 = tpu.vector_load %arg5[%get3A_243, %get3A_244] {strides = array<i32>} : memref<80x128xi32, #tpu.memory_space<vmem>>, vector<1x16xi32>,
      %get3A_246 = vector.shape_cast %get3A_245 : vector<1x16xi32> to vector<16xi32>
      %and3A_247 = arith.constant 16383 : i32
      %and3A_248 = vector.broadcast %and3A_247 : i32 to vector<16xi32>
      %and3A_249 = arith.andi %get3A_246, %and3A_248 : vector<16xi32>
      %swap3A_250 = arith.constant 16 : index
      %swap3A_251 = tpu.vector_load %arg9[%swap3A_250] {strides = array<i32>} : memref<128xi32, #tpu.memory_space<vmem>>, vector<16xi32>,
      %swap3A_252 = vector.shape_cast %swap3A_251 : vector<16xi32> to vector<16xi32>
      %swap3A_253 = vector.shape_cast %and3A_249 : vector<16xi32> to vector<16xi32>
      tpu.vector_store %arg9[%swap3A_250], %swap3A_253 {strides = array<i32>} : memref<128xi32, #tpu.memory_space<vmem>>, vector<16xi32>,
      %shift_right_logical3A_254 = arith.constant 14 : i32
      %shift_right_logical3A_255 = vector.broadcast %shift_right_logical3A_254 : i32 to vector<16xi32>
      %shift_right_logical3A_256 = arith.shrui %get3A_246, %shift_right_logical3A_255 : vector<16xi32>
      %swap3A_257 = arith.constant 16 : index
      %swap3A_258 = tpu.vector_load %arg11[%swap3A_257] {strides = array<i32>} : memref<128xi32, #tpu.memory_space<vmem>>, vector<16xi32>,
      %swap3A_259 = vector.shape_cast %swap3A_258 : vector<16xi32> to vector<16xi32>
      %swap3A_260 = vector.shape_cast %shift_right_logical3A_256 : vector<16xi32> to vector<16xi32>
      tpu.vector_store %arg11[%swap3A_257], %swap3A_260 {strides = array<i32>} : memref<128xi32, #tpu.memory_space<vmem>>, vector<16xi32>,
      %get3A_261 = arith.index_cast %add3A_224 : i32 to index
      %get3A_262 = arith.constant 32 : index
      %get3A_263 = tpu.vector_load %arg5[%get3A_261, %get3A_262] {strides = array<i32>} : memref<80x128xi32, #tpu.memory_space<vmem>>, vector<1x16xi32>,
      %get3A_264 = vector.shape_cast %get3A_263 : vector<1x16xi32> to vector<16xi32>
      %and3A_265 = arith.constant 16383 : i32
      %and3A_266 = vector.broadcast %and3A_265 : i32 to vector<16xi32>
      %and3A_267 = arith.andi %get3A_264, %and3A_266 : vector<16xi32>
      %swap3A_268 = arith.constant 32 : index
      %swap3A_269 = tpu.vector_load %arg9[%swap3A_268] {strides = array<i32>} : memref<128xi32, #tpu.memory_space<vmem>>, vector<16xi32>,
      %swap3A_270 = vector.shape_cast %swap3A_269 : vector<16xi32> to vector<16xi32>
      %swap3A_271 = vector.shape_cast %and3A_267 : vector<16xi32> to vector<16xi32>
      tpu.vector_store %arg9[%swap3A_268], %swap3A_271 {strides = array<i32>} : memref<128xi32, #tpu.memory_space<vmem>>, vector<16xi32>,
      %shift_right_logical3A_272 = arith.constant 14 : i32
      %shift_right_logical3A_273 = vector.broadcast %shift_right_logical3A_272 : i32 to vector<16xi32>
      %shift_right_logical3A_274 = arith.shrui %get3A_264, %shift_right_logical3A_273 : vector<16xi32>
      %swap3A_275 = arith.constant 32 : index
      %swap3A_276 = tpu.vector_load %arg11[%swap3A_275] {strides = array<i32>} : memref<128xi32, #tpu.memory_space<vmem>>, vector<16xi32>,
      %swap3A_277 = vector.shape_cast %swap3A_276 : vector<16xi32> to vector<16xi32>
      %swap3A_278 = vector.shape_cast %shift_right_logical3A_274 : vector<16xi32> to vector<16xi32>
      tpu.vector_store %arg11[%swap3A_275], %swap3A_278 {strides = array<i32>} : memref<128xi32, #tpu.memory_space<vmem>>, vector<16xi32>,
      %get3A_279 = arith.index_cast %add3A_224 : i32 to index
      %get3A_280 = arith.constant 48 : index
      %get3A_281 = tpu.vector_load %arg5[%get3A_279, %get3A_280] {strides = array<i32>} : memref<80x128xi32, #tpu.memory_space<vmem>>, vector<1x16xi32>,
      %get3A_282 = vector.shape_cast %get3A_281 : vector<1x16xi32> to vector<16xi32>
      %and3A_283 = arith.constant 16383 : i32
      %and3A_284 = vector.broadcast %and3A_283 : i32 to vector<16xi32>
      %and3A_285 = arith.andi %get3A_282, %and3A_284 : vector<16xi32>
      %swap3A_286 = arith.constant 48 : index
      %swap3A_287 = tpu.vector_load %arg9[%swap3A_286] {strides = array<i32>} : memref<128xi32, #tpu.memory_space<vmem>>, vector<16xi32>,
      %swap3A_288 = vector.shape_cast %swap3A_287 : vector<16xi32> to vector<16xi32>
      %swap3A_289 = vector.shape_cast %and3A_285 : vector<16xi32> to vector<16xi32>
      tpu.vector_store %arg9[%swap3A_286], %swap3A_289 {strides = array<i32>} : memref<128xi32, #tpu.memory_space<vmem>>, vector<16xi32>,
      %shift_right_logical3A_290 = arith.constant 14 : i32
      %shift_right_logical3A_291 = vector.broadcast %shift_right_logical3A_290 : i32 to vector<16xi32>
      %shift_right_logical3A_292 = arith.shrui %get3A_282, %shift_right_logical3A_291 : vector<16xi32>
      %swap3A_293 = arith.constant 48 : index
      %swap3A_294 = tpu.vector_load %arg11[%swap3A_293] {strides = array<i32>} : memref<128xi32, #tpu.memory_space<vmem>>, vector<16xi32>,
      %swap3A_295 = vector.shape_cast %swap3A_294 : vector<16xi32> to vector<16xi32>
      %swap3A_296 = vector.shape_cast %shift_right_logical3A_292 : vector<16xi32> to vector<16xi32>
      tpu.vector_store %arg11[%swap3A_293], %swap3A_296 {strides = array<i32>} : memref<128xi32, #tpu.memory_space<vmem>>, vector<16xi32>,
      %get3A_297 = arith.index_cast %add3A_224 : i32 to index
      %get3A_298 = arith.constant 64 : index
      %get3A_299 = tpu.vector_load %arg5[%get3A_297, %get3A_298] {strides = array<i32>} : memref<80x128xi32, #tpu.memory_space<vmem>>, vector<1x16xi32>,
      %get3A_300 = vector.shape_cast %get3A_299 : vector<1x16xi32> to vector<16xi32>
      %and3A_301 = arith.constant 16383 : i32
      %and3A_302 = vector.broadcast %and3A_301 : i32 to vector<16xi32>
      %and3A_303 = arith.andi %get3A_300, %and3A_302 : vector<16xi32>
      %swap3A_304 = arith.constant 64 : index
      %swap3A_305 = tpu.vector_load %arg9[%swap3A_304] {strides = array<i32>} : memref<128xi32, #tpu.memory_space<vmem>>, vector<16xi32>,
      %swap3A_306 = vector.shape_cast %swap3A_305 : vector<16xi32> to vector<16xi32>
      %swap3A_307 = vector.shape_cast %and3A_303 : vector<16xi32> to vector<16xi32>
      tpu.vector_store %arg9[%swap3A_304], %swap3A_307 {strides = array<i32>} : memref<128xi32, #tpu.memory_space<vmem>>, vector<16xi32>,
      %shift_right_logical3A_308 = arith.constant 14 : i32
      %shift_right_logical3A_309 = vector.broadcast %shift_right_logical3A_308 : i32 to vector<16xi32>
      %shift_right_logical3A_310 = arith.shrui %get3A_300, %shift_right_logical3A_309 : vector<16xi32>
      %swap3A_311 = arith.constant 64 : index
      %swap3A_312 = tpu.vector_load %arg11[%swap3A_311] {strides = array<i32>} : memref<128xi32, #tpu.memory_space<vmem>>, vector<16xi32>,
      %swap3A_313 = vector.shape_cast %swap3A_312 : vector<16xi32> to vector<16xi32>
      %swap3A_314 = vector.shape_cast %shift_right_logical3A_310 : vector<16xi32> to vector<16xi32>
      tpu.vector_store %arg11[%swap3A_311], %swap3A_314 {strides = array<i32>} : memref<128xi32, #tpu.memory_space<vmem>>, vector<16xi32>,
      %get3A_315 = arith.index_cast %add3A_224 : i32 to index
      %get3A_316 = arith.constant 80 : index
      %get3A_317 = tpu.vector_load %arg5[%get3A_315, %get3A_316] {strides = array<i32>} : memref<80x128xi32, #tpu.memory_space<vmem>>, vector<1x16xi32>,
      %get3A_318 = vector.shape_cast %get3A_317 : vector<1x16xi32> to vector<16xi32>
      %and3A_319 = arith.constant 16383 : i32
      %and3A_320 = vector.broadcast %and3A_319 : i32 to vector<16xi32>
      %and3A_321 = arith.andi %get3A_318, %and3A_320 : vector<16xi32>
      %swap3A_322 = arith.constant 80 : index
      %swap3A_323 = tpu.vector_load %arg9[%swap3A_322] {strides = array<i32>} : memref<128xi32, #tpu.memory_space<vmem>>, vector<16xi32>,
      %swap3A_324 = vector.shape_cast %swap3A_323 : vector<16xi32> to vector<16xi32>
      %swap3A_325 = vector.shape_cast %and3A_321 : vector<16xi32> to vector<16xi32>
      tpu.vector_store %arg9[%swap3A_322], %swap3A_325 {strides = array<i32>} : memref<128xi32, #tpu.memory_space<vmem>>, vector<16xi32>,
      %shift_right_logical3A_326 = arith.constant 14 : i32
      %shift_right_logical3A_327 = vector.broadcast %shift_right_logical3A_326 : i32 to vector<16xi32>
      %shift_right_logical3A_328 = arith.shrui %get3A_318, %shift_right_logical3A_327 : vector<16xi32>
      %swap3A_329 = arith.constant 80 : index
      %swap3A_330 = tpu.vector_load %arg11[%swap3A_329] {strides = array<i32>} : memref<128xi32, #tpu.memory_space<vmem>>, vector<16xi32>,
      %swap3A_331 = vector.shape_cast %swap3A_330 : vector<16xi32> to vector<16xi32>
      %swap3A_332 = vector.shape_cast %shift_right_logical3A_328 : vector<16xi32> to vector<16xi32>
      tpu.vector_store %arg11[%swap3A_329], %swap3A_332 {strides = array<i32>} : memref<128xi32, #tpu.memory_space<vmem>>, vector<16xi32>,
      %get3A_333 = arith.index_cast %add3A_224 : i32 to index
      %get3A_334 = arith.constant 96 : index
      %get3A_335 = tpu.vector_load %arg5[%get3A_333, %get3A_334] {strides = array<i32>} : memref<80x128xi32, #tpu.memory_space<vmem>>, vector<1x16xi32>,
      %get3A_336 = vector.shape_cast %get3A_335 : vector<1x16xi32> to vector<16xi32>
      %and3A_337 = arith.constant 16383 : i32
      %and3A_338 = vector.broadcast %and3A_337 : i32 to vector<16xi32>
      %and3A_339 = arith.andi %get3A_336, %and3A_338 : vector<16xi32>
      %swap3A_340 = arith.constant 96 : index
      %swap3A_341 = tpu.vector_load %arg9[%swap3A_340] {strides = array<i32>} : memref<128xi32, #tpu.memory_space<vmem>>, vector<16xi32>,
      %swap3A_342 = vector.shape_cast %swap3A_341 : vector<16xi32> to vector<16xi32>
      %swap3A_343 = vector.shape_cast %and3A_339 : vector<16xi32> to vector<16xi32>
      tpu.vector_store %arg9[%swap3A_340], %swap3A_343 {strides = array<i32>} : memref<128xi32, #tpu.memory_space<vmem>>, vector<16xi32>,
      %shift_right_logical3A_344 = arith.constant 14 : i32
      %shift_right_logical3A_345 = vector.broadcast %shift_right_logical3A_344 : i32 to vector<16xi32>
      %shift_right_logical3A_346 = arith.shrui %get3A_336, %shift_right_logical3A_345 : vector<16xi32>
      %swap3A_347 = arith.constant 96 : index
      %swap3A_348 = tpu.vector_load %arg11[%swap3A_347] {strides = array<i32>} : memref<128xi32, #tpu.memory_space<vmem>>, vector<16xi32>,
      %swap3A_349 = vector.shape_cast %swap3A_348 : vector<16xi32> to vector<16xi32>
      %swap3A_350 = vector.shape_cast %shift_right_logical3A_346 : vector<16xi32> to vector<16xi32>
      tpu.vector_store %arg11[%swap3A_347], %swap3A_350 {strides = array<i32>} : memref<128xi32, #tpu.memory_space<vmem>>, vector<16xi32>,
      %get3A_351 = arith.index_cast %add3A_224 : i32 to index
      %get3A_352 = arith.constant 112 : index
      %get3A_353 = tpu.vector_load %arg5[%get3A_351, %get3A_352] {strides = array<i32>} : memref<80x128xi32, #tpu.memory_space<vmem>>, vector<1x16xi32>,
      %get3A_354 = vector.shape_cast %get3A_353 : vector<1x16xi32> to vector<16xi32>
      %and3A_355 = arith.constant 16383 : i32
      %and3A_356 = vector.broadcast %and3A_355 : i32 to vector<16xi32>
      %and3A_357 = arith.andi %get3A_354, %and3A_356 : vector<16xi32>
      %swap3A_358 = arith.constant 112 : index
      %swap3A_359 = tpu.vector_load %arg9[%swap3A_358] {strides = array<i32>} : memref<128xi32, #tpu.memory_space<vmem>>, vector<16xi32>,
      %swap3A_360 = vector.shape_cast %swap3A_359 : vector<16xi32> to vector<16xi32>
      %swap3A_361 = vector.shape_cast %and3A_357 : vector<16xi32> to vector<16xi32>
      tpu.vector_store %arg9[%swap3A_358], %swap3A_361 {strides = array<i32>} : memref<128xi32, #tpu.memory_space<vmem>>, vector<16xi32>,
      %shift_right_logical3A_362 = arith.constant 14 : i32
      %shift_right_logical3A_363 = vector.broadcast %shift_right_logical3A_362 : i32 to vector<16xi32>
      %shift_right_logical3A_364 = arith.shrui %get3A_354, %shift_right_logical3A_363 : vector<16xi32>
      %swap3A_365 = arith.constant 112 : index
      %swap3A_366 = tpu.vector_load %arg11[%swap3A_365] {strides = array<i32>} : memref<128xi32, #tpu.memory_space<vmem>>, vector<16xi32>,
      %swap3A_367 = vector.shape_cast %swap3A_366 : vector<16xi32> to vector<16xi32>
      %swap3A_368 = vector.shape_cast %shift_right_logical3A_364 : vector<16xi32> to vector<16xi32>
      tpu.vector_store %arg11[%swap3A_365], %swap3A_368 {strides = array<i32>} : memref<128xi32, #tpu.memory_space<vmem>>, vector<16xi32>,
      %dma_start3A_369 = arith.constant 0 : i32
      %dma_start3A_370 = arith.constant 0 : i32
      %dma_start3A_371 = tpu.memref_slice %arg2[%dma_start3A_369, %dma_start3A_370] : memref<10000x128xf32, #tpu.memory_space<hbm>> -> memref<10000x128xf32, #tpu.memory_space<hbm>>
      tpu.enqueue_indirect_dma source(%dma_start3A_371 : memref<10000x128xf32, #tpu.memory_space<hbm>>) target(%arg7 : memref<128x128xf32, #tpu.memory_space<vmem>>) offsets(%arg9 : memref<128xi32, #tpu.memory_space<vmem>>) semaphore(%arg14 : memref<!tpu.dma_semaphore, #tpu.memory_space<semaphore_mem>>)
      %dma_wait3A = arith.constant 0 : i32
      %dma_wait3A_372 = arith.constant 0 : i32
      %dma_wait3A_373 = tpu.memref_slice %arg2[%dma_wait3A, %dma_wait3A_372] : memref<10000x128xf32, #tpu.memory_space<hbm>> -> memref<10000x128xf32, #tpu.memory_space<hbm>>
      tpu.wait_indirect_dma semaphore(%arg13 : memref<!tpu.dma_semaphore, #tpu.memory_space<semaphore_mem>>) src(%dma_wait3A_373 : memref<10000x128xf32, #tpu.memory_space<hbm>>) dst(%arg6 : memref<128x128xf32, #tpu.memory_space<vmem>>)
      "tpu.region"() ({
        %run_scoped3A = tpu.sem_alloc : memref<!tpu.dma_semaphore, #tpu.memory_space<semaphore_mem>>
        %dma_start3A_381 = arith.constant 0 : i32
        %dma_start3A_382 = arith.constant 0 : i32
        %dma_start3A_383 = tpu.memref_slice %arg12[%dma_start3A_381, %dma_start3A_382] : memref<10112x128xf32, #tpu.memory_space<vmem_shared>> -> memref<10112x128xf32, #tpu.memory_space<vmem_shared>>
        tpu.enqueue_indirect_dma source(%arg6 : memref<128x128xf32, #tpu.memory_space<vmem>>) target(%dma_start3A_383 : memref<10112x128xf32, #tpu.memory_space<vmem_shared>>) offsets(%arg10 : memref<128xi32, #tpu.memory_space<vmem>>) semaphore(%run_scoped3A : memref<!tpu.dma_semaphore, #tpu.memory_space<semaphore_mem>>) {add = true}
        %dma_wait3A_384 = arith.constant 0 : i32
        %dma_wait3A_385 = arith.constant 0 : i32
        %dma_wait3A_386 = tpu.memref_slice %arg12[%dma_wait3A_384, %dma_wait3A_385] : memref<10112x128xf32, #tpu.memory_space<vmem_shared>> -> memref<10112x128xf32, #tpu.memory_space<vmem_shared>>
        tpu.wait_indirect_dma semaphore(%run_scoped3A : memref<!tpu.dma_semaphore, #tpu.memory_space<semaphore_mem>>) src(%arg6 : memref<128x128xf32, #tpu.memory_space<vmem>>) dst(%dma_wait3A_386 : memref<10112x128xf32, #tpu.memory_space<vmem_shared>>)
        tpu.yield
      }) : () -> ()
      %add3A_374 = arith.constant 2 : i32
      %add3A_375 = arith.addi %add3A_222, %add3A_374 : i32
      %lt3A = arith.constant 80 : i32
      %lt3A_376 = arith.cmpi slt, %add3A_375, %lt3A : i32
      %convert_element_type3A = arith.extui %lt3A_376 : i1 to i32
      %cond3A = arith.constant 0 : i32
      %cond3A_377 = arith.cmpi ne, %convert_element_type3A, %cond3A : i32
      scf.if %cond3A_377 {
        %add3A_381 = arith.constant 2 : i32
        %add3A_382 = arith.addi %add3A_222, %add3A_381 : i32
        %get3A_383 = arith.index_cast %add3A_382 : i32 to index
        %get3A_384 = arith.constant 0 : index
        %get3A_385 = tpu.vector_load %arg5[%get3A_383, %get3A_384] {strides = array<i32>} : memref<80x128xi32, #tpu.memory_space<vmem>>, vector<1x16xi32>,
        %get3A_386 = vector.shape_cast %get3A_385 : vector<1x16xi32> to vector<16xi32>
        %and3A_387 = arith.constant 16383 : i32
        %and3A_388 = vector.broadcast %and3A_387 : i32 to vector<16xi32>
        %and3A_389 = arith.andi %get3A_386, %and3A_388 : vector<16xi32>
        %swap3A_390 = arith.constant 0 : index
        %swap3A_391 = tpu.vector_load %arg8[%swap3A_390] {strides = array<i32>} : memref<128xi32, #tpu.memory_space<vmem>>, vector<16xi32>,
        %swap3A_392 = vector.shape_cast %swap3A_391 : vector<16xi32> to vector<16xi32>
        %swap3A_393 = vector.shape_cast %and3A_389 : vector<16xi32> to vector<16xi32>
        tpu.vector_store %arg8[%swap3A_390], %swap3A_393 {strides = array<i32>} : memref<128xi32, #tpu.memory_space<vmem>>, vector<16xi32>,
        %shift_right_logical3A_394 = arith.constant 14 : i32
        %shift_right_logical3A_395 = vector.broadcast %shift_right_logical3A_394 : i32 to vector<16xi32>
        %shift_right_logical3A_396 = arith.shrui %get3A_386, %shift_right_logical3A_395 : vector<16xi32>
        %swap3A_397 = arith.constant 0 : index
        %swap3A_398 = tpu.vector_load %arg10[%swap3A_397] {strides = array<i32>} : memref<128xi32, #tpu.memory_space<vmem>>, vector<16xi32>,
        %swap3A_399 = vector.shape_cast %swap3A_398 : vector<16xi32> to vector<16xi32>
        %swap3A_400 = vector.shape_cast %shift_right_logical3A_396 : vector<16xi32> to vector<16xi32>
        tpu.vector_store %arg10[%swap3A_397], %swap3A_400 {strides = array<i32>} : memref<128xi32, #tpu.memory_space<vmem>>, vector<16xi32>,
        %get3A_401 = arith.index_cast %add3A_382 : i32 to index
        %get3A_402 = arith.constant 16 : index
        %get3A_403 = tpu.vector_load %arg5[%get3A_401, %get3A_402] {strides = array<i32>} : memref<80x128xi32, #tpu.memory_space<vmem>>, vector<1x16xi32>,
        %get3A_404 = vector.shape_cast %get3A_403 : vector<1x16xi32> to vector<16xi32>
        %and3A_405 = arith.constant 16383 : i32
        %and3A_406 = vector.broadcast %and3A_405 : i32 to vector<16xi32>
        %and3A_407 = arith.andi %get3A_404, %and3A_406 : vector<16xi32>
        %swap3A_408 = arith.constant 16 : index
        %swap3A_409 = tpu.vector_load %arg8[%swap3A_408] {strides = array<i32>} : memref<128xi32, #tpu.memory_space<vmem>>, vector<16xi32>,
        %swap3A_410 = vector.shape_cast %swap3A_409 : vector<16xi32> to vector<16xi32>
        %swap3A_411 = vector.shape_cast %and3A_407 : vector<16xi32> to vector<16xi32>
        tpu.vector_store %arg8[%swap3A_408], %swap3A_411 {strides = array<i32>} : memref<128xi32, #tpu.memory_space<vmem>>, vector<16xi32>,
        %shift_right_logical3A_412 = arith.constant 14 : i32
        %shift_right_logical3A_413 = vector.broadcast %shift_right_logical3A_412 : i32 to vector<16xi32>
        %shift_right_logical3A_414 = arith.shrui %get3A_404, %shift_right_logical3A_413 : vector<16xi32>
        %swap3A_415 = arith.constant 16 : index
        %swap3A_416 = tpu.vector_load %arg10[%swap3A_415] {strides = array<i32>} : memref<128xi32, #tpu.memory_space<vmem>>, vector<16xi32>,
        %swap3A_417 = vector.shape_cast %swap3A_416 : vector<16xi32> to vector<16xi32>
        %swap3A_418 = vector.shape_cast %shift_right_logical3A_414 : vector<16xi32> to vector<16xi32>
        tpu.vector_store %arg10[%swap3A_415], %swap3A_418 {strides = array<i32>} : memref<128xi32, #tpu.memory_space<vmem>>, vector<16xi32>,
        %get3A_419 = arith.index_cast %add3A_382 : i32 to index
        %get3A_420 = arith.constant 32 : index
        %get3A_421 = tpu.vector_load %arg5[%get3A_419, %get3A_420] {strides = array<i32>} : memref<80x128xi32, #tpu.memory_space<vmem>>, vector<1x16xi32>,
        %get3A_422 = vector.shape_cast %get3A_421 : vector<1x16xi32> to vector<16xi32>
        %and3A_423 = arith.constant 16383 : i32
        %and3A_424 = vector.broadcast %and3A_423 : i32 to vector<16xi32>
        %and3A_425 = arith.andi %get3A_422, %and3A_424 : vector<16xi32>
        %swap3A_426 = arith.constant 32 : index
        %swap3A_427 = tpu.vector_load %arg8[%swap3A_426] {strides = array<i32>} : memref<128xi32, #tpu.memory_space<vmem>>, vector<16xi32>,
        %swap3A_428 = vector.shape_cast %swap3A_427 : vector<16xi32> to vector<16xi32>
        %swap3A_429 = vector.shape_cast %and3A_425 : vector<16xi32> to vector<16xi32>
        tpu.vector_store %arg8[%swap3A_426], %swap3A_429 {strides = array<i32>} : memref<128xi32, #tpu.memory_space<vmem>>, vector<16xi32>,
        %shift_right_logical3A_430 = arith.constant 14 : i32
        %shift_right_logical3A_431 = vector.broadcast %shift_right_logical3A_430 : i32 to vector<16xi32>
        %shift_right_logical3A_432 = arith.shrui %get3A_422, %shift_right_logical3A_431 : vector<16xi32>
        %swap3A_433 = arith.constant 32 : index
        %swap3A_434 = tpu.vector_load %arg10[%swap3A_433] {strides = array<i32>} : memref<128xi32, #tpu.memory_space<vmem>>, vector<16xi32>,
        %swap3A_435 = vector.shape_cast %swap3A_434 : vector<16xi32> to vector<16xi32>
        %swap3A_436 = vector.shape_cast %shift_right_logical3A_432 : vector<16xi32> to vector<16xi32>
        tpu.vector_store %arg10[%swap3A_433], %swap3A_436 {strides = array<i32>} : memref<128xi32, #tpu.memory_space<vmem>>, vector<16xi32>,
        %get3A_437 = arith.index_cast %add3A_382 : i32 to index
        %get3A_438 = arith.constant 48 : index
        %get3A_439 = tpu.vector_load %arg5[%get3A_437, %get3A_438] {strides = array<i32>} : memref<80x128xi32, #tpu.memory_space<vmem>>, vector<1x16xi32>,
        %get3A_440 = vector.shape_cast %get3A_439 : vector<1x16xi32> to vector<16xi32>
        %and3A_441 = arith.constant 16383 : i32
        %and3A_442 = vector.broadcast %and3A_441 : i32 to vector<16xi32>
        %and3A_443 = arith.andi %get3A_440, %and3A_442 : vector<16xi32>
        %swap3A_444 = arith.constant 48 : index
        %swap3A_445 = tpu.vector_load %arg8[%swap3A_444] {strides = array<i32>} : memref<128xi32, #tpu.memory_space<vmem>>, vector<16xi32>,
        %swap3A_446 = vector.shape_cast %swap3A_445 : vector<16xi32> to vector<16xi32>
        %swap3A_447 = vector.shape_cast %and3A_443 : vector<16xi32> to vector<16xi32>
        tpu.vector_store %arg8[%swap3A_444], %swap3A_447 {strides = array<i32>} : memref<128xi32, #tpu.memory_space<vmem>>, vector<16xi32>,
        %shift_right_logical3A_448 = arith.constant 14 : i32
        %shift_right_logical3A_449 = vector.broadcast %shift_right_logical3A_448 : i32 to vector<16xi32>
        %shift_right_logical3A_450 = arith.shrui %get3A_440, %shift_right_logical3A_449 : vector<16xi32>
        %swap3A_451 = arith.constant 48 : index
        %swap3A_452 = tpu.vector_load %arg10[%swap3A_451] {strides = array<i32>} : memref<128xi32, #tpu.memory_space<vmem>>, vector<16xi32>,
        %swap3A_453 = vector.shape_cast %swap3A_452 : vector<16xi32> to vector<16xi32>
        %swap3A_454 = vector.shape_cast %shift_right_logical3A_450 : vector<16xi32> to vector<16xi32>
        tpu.vector_store %arg10[%swap3A_451], %swap3A_454 {strides = array<i32>} : memref<128xi32, #tpu.memory_space<vmem>>, vector<16xi32>,
        %get3A_455 = arith.index_cast %add3A_382 : i32 to index
        %get3A_456 = arith.constant 64 : index
        %get3A_457 = tpu.vector_load %arg5[%get3A_455, %get3A_456] {strides = array<i32>} : memref<80x128xi32, #tpu.memory_space<vmem>>, vector<1x16xi32>,
        %get3A_458 = vector.shape_cast %get3A_457 : vector<1x16xi32> to vector<16xi32>
        %and3A_459 = arith.constant 16383 : i32
        %and3A_460 = vector.broadcast %and3A_459 : i32 to vector<16xi32>
        %and3A_461 = arith.andi %get3A_458, %and3A_460 : vector<16xi32>
        %swap3A_462 = arith.constant 64 : index
        %swap3A_463 = tpu.vector_load %arg8[%swap3A_462] {strides = array<i32>} : memref<128xi32, #tpu.memory_space<vmem>>, vector<16xi32>,
        %swap3A_464 = vector.shape_cast %swap3A_463 : vector<16xi32> to vector<16xi32>
        %swap3A_465 = vector.shape_cast %and3A_461 : vector<16xi32> to vector<16xi32>
        tpu.vector_store %arg8[%swap3A_462], %swap3A_465 {strides = array<i32>} : memref<128xi32, #tpu.memory_space<vmem>>, vector<16xi32>,
        %shift_right_logical3A_466 = arith.constant 14 : i32
        %shift_right_logical3A_467 = vector.broadcast %shift_right_logical3A_466 : i32 to vector<16xi32>
        %shift_right_logical3A_468 = arith.shrui %get3A_458, %shift_right_logical3A_467 : vector<16xi32>
        %swap3A_469 = arith.constant 64 : index
        %swap3A_470 = tpu.vector_load %arg10[%swap3A_469] {strides = array<i32>} : memref<128xi32, #tpu.memory_space<vmem>>, vector<16xi32>,
        %swap3A_471 = vector.shape_cast %swap3A_470 : vector<16xi32> to vector<16xi32>
        %swap3A_472 = vector.shape_cast %shift_right_logical3A_468 : vector<16xi32> to vector<16xi32>
        tpu.vector_store %arg10[%swap3A_469], %swap3A_472 {strides = array<i32>} : memref<128xi32, #tpu.memory_space<vmem>>, vector<16xi32>,
        %get3A_473 = arith.index_cast %add3A_382 : i32 to index
        %get3A_474 = arith.constant 80 : index
        %get3A_475 = tpu.vector_load %arg5[%get3A_473, %get3A_474] {strides = array<i32>} : memref<80x128xi32, #tpu.memory_space<vmem>>, vector<1x16xi32>,
        %get3A_476 = vector.shape_cast %get3A_475 : vector<1x16xi32> to vector<16xi32>
        %and3A_477 = arith.constant 16383 : i32
        %and3A_478 = vector.broadcast %and3A_477 : i32 to vector<16xi32>
        %and3A_479 = arith.andi %get3A_476, %and3A_478 : vector<16xi32>
        %swap3A_480 = arith.constant 80 : index
        %swap3A_481 = tpu.vector_load %arg8[%swap3A_480] {strides = array<i32>} : memref<128xi32, #tpu.memory_space<vmem>>, vector<16xi32>,
        %swap3A_482 = vector.shape_cast %swap3A_481 : vector<16xi32> to vector<16xi32>
        %swap3A_483 = vector.shape_cast %and3A_479 : vector<16xi32> to vector<16xi32>
        tpu.vector_store %arg8[%swap3A_480], %swap3A_483 {strides = array<i32>} : memref<128xi32, #tpu.memory_space<vmem>>, vector<16xi32>,
        %shift_right_logical3A_484 = arith.constant 14 : i32
        %shift_right_logical3A_485 = vector.broadcast %shift_right_logical3A_484 : i32 to vector<16xi32>
        %shift_right_logical3A_486 = arith.shrui %get3A_476, %shift_right_logical3A_485 : vector<16xi32>
        %swap3A_487 = arith.constant 80 : index
        %swap3A_488 = tpu.vector_load %arg10[%swap3A_487] {strides = array<i32>} : memref<128xi32, #tpu.memory_space<vmem>>, vector<16xi32>,
        %swap3A_489 = vector.shape_cast %swap3A_488 : vector<16xi32> to vector<16xi32>
        %swap3A_490 = vector.shape_cast %shift_right_logical3A_486 : vector<16xi32> to vector<16xi32>
        tpu.vector_store %arg10[%swap3A_487], %swap3A_490 {strides = array<i32>} : memref<128xi32, #tpu.memory_space<vmem>>, vector<16xi32>,
        %get3A_491 = arith.index_cast %add3A_382 : i32 to index
        %get3A_492 = arith.constant 96 : index
        %get3A_493 = tpu.vector_load %arg5[%get3A_491, %get3A_492] {strides = array<i32>} : memref<80x128xi32, #tpu.memory_space<vmem>>, vector<1x16xi32>,
        %get3A_494 = vector.shape_cast %get3A_493 : vector<1x16xi32> to vector<16xi32>
        %and3A_495 = arith.constant 16383 : i32
        %and3A_496 = vector.broadcast %and3A_495 : i32 to vector<16xi32>
        %and3A_497 = arith.andi %get3A_494, %and3A_496 : vector<16xi32>
        %swap3A_498 = arith.constant 96 : index
        %swap3A_499 = tpu.vector_load %arg8[%swap3A_498] {strides = array<i32>} : memref<128xi32, #tpu.memory_space<vmem>>, vector<16xi32>,
        %swap3A_500 = vector.shape_cast %swap3A_499 : vector<16xi32> to vector<16xi32>
        %swap3A_501 = vector.shape_cast %and3A_497 : vector<16xi32> to vector<16xi32>
        tpu.vector_store %arg8[%swap3A_498], %swap3A_501 {strides = array<i32>} : memref<128xi32, #tpu.memory_space<vmem>>, vector<16xi32>,
        %shift_right_logical3A_502 = arith.constant 14 : i32
        %shift_right_logical3A_503 = vector.broadcast %shift_right_logical3A_502 : i32 to vector<16xi32>
        %shift_right_logical3A_504 = arith.shrui %get3A_494, %shift_right_logical3A_503 : vector<16xi32>
        %swap3A_505 = arith.constant 96 : index
        %swap3A_506 = tpu.vector_load %arg10[%swap3A_505] {strides = array<i32>} : memref<128xi32, #tpu.memory_space<vmem>>, vector<16xi32>,
        %swap3A_507 = vector.shape_cast %swap3A_506 : vector<16xi32> to vector<16xi32>
        %swap3A_508 = vector.shape_cast %shift_right_logical3A_504 : vector<16xi32> to vector<16xi32>
        tpu.vector_store %arg10[%swap3A_505], %swap3A_508 {strides = array<i32>} : memref<128xi32, #tpu.memory_space<vmem>>, vector<16xi32>,
        %get3A_509 = arith.index_cast %add3A_382 : i32 to index
        %get3A_510 = arith.constant 112 : index
        %get3A_511 = tpu.vector_load %arg5[%get3A_509, %get3A_510] {strides = array<i32>} : memref<80x128xi32, #tpu.memory_space<vmem>>, vector<1x16xi32>,
        %get3A_512 = vector.shape_cast %get3A_511 : vector<1x16xi32> to vector<16xi32>
        %and3A_513 = arith.constant 16383 : i32
        %and3A_514 = vector.broadcast %and3A_513 : i32 to vector<16xi32>
        %and3A_515 = arith.andi %get3A_512, %and3A_514 : vector<16xi32>
        %swap3A_516 = arith.constant 112 : index
        %swap3A_517 = tpu.vector_load %arg8[%swap3A_516] {strides = array<i32>} : memref<128xi32, #tpu.memory_space<vmem>>, vector<16xi32>,
        %swap3A_518 = vector.shape_cast %swap3A_517 : vector<16xi32> to vector<16xi32>
        %swap3A_519 = vector.shape_cast %and3A_515 : vector<16xi32> to vector<16xi32>
        tpu.vector_store %arg8[%swap3A_516], %swap3A_519 {strides = array<i32>} : memref<128xi32, #tpu.memory_space<vmem>>, vector<16xi32>,
        %shift_right_logical3A_520 = arith.constant 14 : i32
        %shift_right_logical3A_521 = vector.broadcast %shift_right_logical3A_520 : i32 to vector<16xi32>
        %shift_right_logical3A_522 = arith.shrui %get3A_512, %shift_right_logical3A_521 : vector<16xi32>
        %swap3A_523 = arith.constant 112 : index
        %swap3A_524 = tpu.vector_load %arg10[%swap3A_523] {strides = array<i32>} : memref<128xi32, #tpu.memory_space<vmem>>, vector<16xi32>,
        %swap3A_525 = vector.shape_cast %swap3A_524 : vector<16xi32> to vector<16xi32>
        %swap3A_526 = vector.shape_cast %shift_right_logical3A_522 : vector<16xi32> to vector<16xi32>
        tpu.vector_store %arg10[%swap3A_523], %swap3A_526 {strides = array<i32>} : memref<128xi32, #tpu.memory_space<vmem>>, vector<16xi32>,
        %dma_start3A_527 = arith.constant 0 : i32
        %dma_start3A_528 = arith.constant 0 : i32
        %dma_start3A_529 = tpu.memref_slice %arg2[%dma_start3A_527, %dma_start3A_528] : memref<10000x128xf32, #tpu.memory_space<hbm>> -> memref<10000x128xf32, #tpu.memory_space<hbm>>
        tpu.enqueue_indirect_dma source(%dma_start3A_529 : memref<10000x128xf32, #tpu.memory_space<hbm>>) target(%arg6 : memref<128x128xf32, #tpu.memory_space<vmem>>) offsets(%arg8 : memref<128xi32, #tpu.memory_space<vmem>>) semaphore(%arg13 : memref<!tpu.dma_semaphore, #tpu.memory_space<semaphore_mem>>)
      } else {
      }
      %dma_wait3A_378 = arith.constant 0 : i32
      %dma_wait3A_379 = arith.constant 0 : i32
      %dma_wait3A_380 = tpu.memref_slice %arg2[%dma_wait3A_378, %dma_wait3A_379] : memref<10000x128xf32, #tpu.memory_space<hbm>> -> memref<10000x128xf32, #tpu.memory_space<hbm>>
      tpu.wait_indirect_dma semaphore(%arg14 : memref<!tpu.dma_semaphore, #tpu.memory_space<semaphore_mem>>) src(%dma_wait3A_380 : memref<10000x128xf32, #tpu.memory_space<hbm>>) dst(%arg7 : memref<128x128xf32, #tpu.memory_space<vmem>>)
      "tpu.region"() ({
        %run_scoped3A = tpu.sem_alloc : memref<!tpu.dma_semaphore, #tpu.memory_space<semaphore_mem>>
        %dma_start3A_381 = arith.constant 0 : i32
        %dma_start3A_382 = arith.constant 0 : i32
        %dma_start3A_383 = tpu.memref_slice %arg12[%dma_start3A_381, %dma_start3A_382] : memref<10112x128xf32, #tpu.memory_space<vmem_shared>> -> memref<10112x128xf32, #tpu.memory_space<vmem_shared>>
        tpu.enqueue_indirect_dma source(%arg7 : memref<128x128xf32, #tpu.memory_space<vmem>>) target(%dma_start3A_383 : memref<10112x128xf32, #tpu.memory_space<vmem_shared>>) offsets(%arg11 : memref<128xi32, #tpu.memory_space<vmem>>) semaphore(%run_scoped3A : memref<!tpu.dma_semaphore, #tpu.memory_space<semaphore_mem>>) {add = true}
        %dma_wait3A_384 = arith.constant 0 : i32
        %dma_wait3A_385 = arith.constant 0 : i32
        %dma_wait3A_386 = tpu.memref_slice %arg12[%dma_wait3A_384, %dma_wait3A_385] : memref<10112x128xf32, #tpu.memory_space<vmem_shared>> -> memref<10112x128xf32, #tpu.memory_space<vmem_shared>>
        tpu.wait_indirect_dma semaphore(%run_scoped3A : memref<!tpu.dma_semaphore, #tpu.memory_space<semaphore_mem>>) src(%arg7 : memref<128x128xf32, #tpu.memory_space<vmem>>) dst(%dma_wait3A_386 : memref<10112x128xf32, #tpu.memory_space<vmem_shared>>)
        tpu.yield
      }) : () -> ()
    }
    %scan3A_176 = arith.constant 40 : i32
    %barrier3A_177 = arith.constant 0 : index
    tpu.barrier barrier_id(%barrier3A_177)
    %mul3A_178 = arith.constant 632 : i32
    %mul3A_179 = arith.muli %arg1, %mul3A_178 : i32
    %add3A_180 = arith.constant 0 : i32
    %add3A_181 = arith.addi %mul3A_179, %add3A_180 : i32
    "tpu.region"() ({
      %run_scoped3A = tpu.sem_alloc : memref<!tpu.dma_semaphore, #tpu.memory_space<semaphore_mem>>
      %dma_start3A_218 = arith.constant 0 : i32
      %dma_start3A_219 = arith.constant 0 : i32
      %dma_start3A_220 = tpu.memref_slice %arg6[%dma_start3A_218, %dma_start3A_219] : memref<128x128xf32, #tpu.memory_space<vmem>> -> memref<128x128xf32, #tpu.memory_space<vmem>>
      %dma_start3A_221 = arith.constant 0 : i32
      %dma_start3A_222 = tpu.memref_slice %arg12[%add3A_181, %dma_start3A_221] : memref<10112x128xf32, #tpu.memory_space<vmem_shared>> -> memref<128x128xf32, #tpu.memory_space<vmem_shared>>
      %dma_start3A_223 = arith.constant 0 : i32
      %dma_start3A_224 = arith.constant 0 : i32
      %dma_start3A_225 = tpu.memref_slice %arg6[%dma_start3A_223, %dma_start3A_224] : memref<128x128xf32, #tpu.memory_space<vmem>> -> memref<128x128xf32, #tpu.memory_space<vmem>>
      %dma_start3A_226 = arith.constant 0 : i32
      %dma_start3A_227 = tpu.memref_slice %arg12[%add3A_181, %dma_start3A_226] : memref<10112x128xf32, #tpu.memory_space<vmem_shared>> -> memref<128x128xf32, #tpu.memory_space<vmem_shared>>
      tpu.enqueue_dma source(%dma_start3A_227 : memref<128x128xf32, #tpu.memory_space<vmem_shared>>) target(%dma_start3A_225 : memref<128x128xf32, #tpu.memory_space<vmem>>) target_semaphore(%run_scoped3A : memref<!tpu.dma_semaphore, #tpu.memory_space<semaphore_mem>>)
      %dma_wait3A = arith.constant 0 : i32
      %dma_wait3A_228 = arith.constant 0 : i32
      %dma_wait3A_229 = tpu.memref_slice %arg6[%dma_wait3A, %dma_wait3A_228] : memref<128x128xf32, #tpu.memory_space<vmem>> -> memref<128x128xf32, #tpu.memory_space<vmem>>
      %dma_wait3A_230 = arith.constant 0 : i32
      %dma_wait3A_231 = tpu.memref_slice %arg12[%add3A_181, %dma_wait3A_230] : memref<10112x128xf32, #tpu.memory_space<vmem_shared>> -> memref<128x128xf32, #tpu.memory_space<vmem_shared>>
      %dma_wait3A_232 = arith.constant 0 : i32
      %dma_wait3A_233 = arith.constant 0 : i32
      %dma_wait3A_234 = tpu.memref_slice %arg6[%dma_wait3A_232, %dma_wait3A_233] : memref<128x128xf32, #tpu.memory_space<vmem>> -> memref<128x128xf32, #tpu.memory_space<vmem>>
      %dma_wait3A_235 = arith.constant 0 : i32
      %dma_wait3A_236 = tpu.memref_slice %arg12[%add3A_181, %dma_wait3A_235] : memref<10112x128xf32, #tpu.memory_space<vmem_shared>> -> memref<128x128xf32, #tpu.memory_space<vmem_shared>>
      tpu.wait_dma2 semaphore(%run_scoped3A : memref<!tpu.dma_semaphore, #tpu.memory_space<semaphore_mem>>) src(%dma_wait3A_236 : memref<128x128xf32, #tpu.memory_space<vmem_shared>>) dst(%dma_wait3A_234 : memref<128x128xf32, #tpu.memory_space<vmem>>)
      tpu.yield
    }) : () -> ()
    %mul3A_182 = arith.constant 632 : i32
    %mul3A_183 = arith.muli %arg1, %mul3A_182 : i32
    %add3A_184 = arith.constant 0 : i32
    %add3A_185 = arith.addi %mul3A_183, %add3A_184 : i32
    "tpu.region"() ({
      %run_scoped3A = tpu.sem_alloc : memref<!tpu.dma_semaphore, #tpu.memory_space<semaphore_mem>>
      %dma_start3A_218 = arith.constant 0 : i32
      %dma_start3A_219 = arith.constant 0 : i32
      %dma_start3A_220 = tpu.memref_slice %arg6[%dma_start3A_218, %dma_start3A_219] : memref<128x128xf32, #tpu.memory_space<vmem>> -> memref<128x128xf32, #tpu.memory_space<vmem>>
      %dma_start3A_221 = arith.constant 0 : i32
      %dma_start3A_222 = tpu.memref_slice %arg4[%arg0, %add3A_185, %dma_start3A_221] : memref<2x10112x128xf32, #tpu.memory_space<hbm>> -> memref<1x128x128xf32, #tpu.memory_space<hbm>>
      %dma_start3A_223 = tpu.memref_squeeze %dma_start3A_222 : memref<1x128x128xf32, #tpu.memory_space<hbm>> -> memref<128x128xf32, #tpu.memory_space<hbm>>
      %dma_start3A_224 = arith.constant 0 : i32
      %dma_start3A_225 = tpu.memref_slice %arg4[%arg0, %add3A_185, %dma_start3A_224] : memref<2x10112x128xf32, #tpu.memory_space<hbm>> -> memref<1x128x128xf32, #tpu.memory_space<hbm>>
      %dma_start3A_226 = tpu.memref_squeeze %dma_start3A_225 : memref<1x128x128xf32, #tpu.memory_space<hbm>> -> memref<128x128xf32, #tpu.memory_space<hbm>>
      %dma_start3A_227 = arith.constant 0 : i32
      %dma_start3A_228 = arith.constant 0 : i32
      %dma_start3A_229 = tpu.memref_slice %arg6[%dma_start3A_227, %dma_start3A_228] : memref<128x128xf32, #tpu.memory_space<vmem>> -> memref<128x128xf32, #tpu.memory_space<vmem>>
      tpu.enqueue_dma source(%dma_start3A_229 : memref<128x128xf32, #tpu.memory_space<vmem>>) target(%dma_start3A_226 : memref<128x128xf32, #tpu.memory_space<hbm>>) target_semaphore(%run_scoped3A : memref<!tpu.dma_semaphore, #tpu.memory_space<semaphore_mem>>)
      %dma_wait3A = arith.constant 0 : i32
      %dma_wait3A_230 = arith.constant 0 : i32
      %dma_wait3A_231 = tpu.memref_slice %arg6[%dma_wait3A, %dma_wait3A_230] : memref<128x128xf32, #tpu.memory_space<vmem>> -> memref<128x128xf32, #tpu.memory_space<vmem>>
      %dma_wait3A_232 = arith.constant 0 : i32
      %dma_wait3A_233 = tpu.memref_slice %arg4[%arg0, %add3A_185, %dma_wait3A_232] : memref<2x10112x128xf32, #tpu.memory_space<hbm>> -> memref<1x128x128xf32, #tpu.memory_space<hbm>>
      %dma_wait3A_234 = tpu.memref_squeeze %dma_wait3A_233 : memref<1x128x128xf32, #tpu.memory_space<hbm>> -> memref<128x128xf32, #tpu.memory_space<hbm>>
      %dma_wait3A_235 = arith.constant 0 : i32
      %dma_wait3A_236 = tpu.memref_slice %arg4[%arg0, %add3A_185, %dma_wait3A_235] : memref<2x10112x128xf32, #tpu.memory_space<hbm>> -> memref<1x128x128xf32, #tpu.memory_space<hbm>>
      %dma_wait3A_237 = tpu.memref_squeeze %dma_wait3A_236 : memref<1x128x128xf32, #tpu.memory_space<hbm>> -> memref<128x128xf32, #tpu.memory_space<hbm>>
      %dma_wait3A_238 = arith.constant 0 : i32
      %dma_wait3A_239 = arith.constant 0 : i32
      %dma_wait3A_240 = tpu.memref_slice %arg6[%dma_wait3A_238, %dma_wait3A_239] : memref<128x128xf32, #tpu.memory_space<vmem>> -> memref<128x128xf32, #tpu.memory_space<vmem>>
      tpu.wait_dma2 semaphore(%run_scoped3A : memref<!tpu.dma_semaphore, #tpu.memory_space<semaphore_mem>>) src(%dma_wait3A_240 : memref<128x128xf32, #tpu.memory_space<vmem>>) dst(%dma_wait3A_237 : memref<128x128xf32, #tpu.memory_space<hbm>>)
      tpu.yield
    }) : () -> ()
    %mul3A_186 = arith.constant 632 : i32
    %mul3A_187 = arith.muli %arg1, %mul3A_186 : i32
    %add3A_188 = arith.constant 128 : i32
    %add3A_189 = arith.addi %mul3A_187, %add3A_188 : i32
    "tpu.region"() ({
      %run_scoped3A = tpu.sem_alloc : memref<!tpu.dma_semaphore, #tpu.memory_space<semaphore_mem>>
      %dma_start3A_218 = arith.constant 0 : i32
      %dma_start3A_219 = arith.constant 0 : i32
      %dma_start3A_220 = tpu.memref_slice %arg6[%dma_start3A_218, %dma_start3A_219] : memref<128x128xf32, #tpu.memory_space<vmem>> -> memref<128x128xf32, #tpu.memory_space<vmem>>
      %dma_start3A_221 = arith.constant 0 : i32
      %dma_start3A_222 = tpu.memref_slice %arg12[%add3A_189, %dma_start3A_221] : memref<10112x128xf32, #tpu.memory_space<vmem_shared>> -> memref<128x128xf32, #tpu.memory_space<vmem_shared>>
      %dma_start3A_223 = arith.constant 0 : i32
      %dma_start3A_224 = arith.constant 0 : i32
      %dma_start3A_225 = tpu.memref_slice %arg6[%dma_start3A_223, %dma_start3A_224] : memref<128x128xf32, #tpu.memory_space<vmem>> -> memref<128x128xf32, #tpu.memory_space<vmem>>
      %dma_start3A_226 = arith.constant 0 : i32
      %dma_start3A_227 = tpu.memref_slice %arg12[%add3A_189, %dma_start3A_226] : memref<10112x128xf32, #tpu.memory_space<vmem_shared>> -> memref<128x128xf32, #tpu.memory_space<vmem_shared>>
      tpu.enqueue_dma source(%dma_start3A_227 : memref<128x128xf32, #tpu.memory_space<vmem_shared>>) target(%dma_start3A_225 : memref<128x128xf32, #tpu.memory_space<vmem>>) target_semaphore(%run_scoped3A : memref<!tpu.dma_semaphore, #tpu.memory_space<semaphore_mem>>)
      %dma_wait3A = arith.constant 0 : i32
      %dma_wait3A_228 = arith.constant 0 : i32
      %dma_wait3A_229 = tpu.memref_slice %arg6[%dma_wait3A, %dma_wait3A_228] : memref<128x128xf32, #tpu.memory_space<vmem>> -> memref<128x128xf32, #tpu.memory_space<vmem>>
      %dma_wait3A_230 = arith.constant 0 : i32
      %dma_wait3A_231 = tpu.memref_slice %arg12[%add3A_189, %dma_wait3A_230] : memref<10112x128xf32, #tpu.memory_space<vmem_shared>> -> memref<128x128xf32, #tpu.memory_space<vmem_shared>>
      %dma_wait3A_232 = arith.constant 0 : i32
      %dma_wait3A_233 = arith.constant 0 : i32
      %dma_wait3A_234 = tpu.memref_slice %arg6[%dma_wait3A_232, %dma_wait3A_233] : memref<128x128xf32, #tpu.memory_space<vmem>> -> memref<128x128xf32, #tpu.memory_space<vmem>>
      %dma_wait3A_235 = arith.constant 0 : i32
      %dma_wait3A_236 = tpu.memref_slice %arg12[%add3A_189, %dma_wait3A_235] : memref<10112x128xf32, #tpu.memory_space<vmem_shared>> -> memref<128x128xf32, #tpu.memory_space<vmem_shared>>
      tpu.wait_dma2 semaphore(%run_scoped3A : memref<!tpu.dma_semaphore, #tpu.memory_space<semaphore_mem>>) src(%dma_wait3A_236 : memref<128x128xf32, #tpu.memory_space<vmem_shared>>) dst(%dma_wait3A_234 : memref<128x128xf32, #tpu.memory_space<vmem>>)
      tpu.yield
    }) : () -> ()
    %mul3A_190 = arith.constant 632 : i32
    %mul3A_191 = arith.muli %arg1, %mul3A_190 : i32
    %add3A_192 = arith.constant 128 : i32
    %add3A_193 = arith.addi %mul3A_191, %add3A_192 : i32
    "tpu.region"() ({
      %run_scoped3A = tpu.sem_alloc : memref<!tpu.dma_semaphore, #tpu.memory_space<semaphore_mem>>
      %dma_start3A_218 = arith.constant 0 : i32
      %dma_start3A_219 = arith.constant 0 : i32
      %dma_start3A_220 = tpu.memref_slice %arg6[%dma_start3A_218, %dma_start3A_219] : memref<128x128xf32, #tpu.memory_space<vmem>> -> memref<128x128xf32, #tpu.memory_space<vmem>>
      %dma_start3A_221 = arith.constant 0 : i32
      %dma_start3A_222 = tpu.memref_slice %arg4[%arg0, %add3A_193, %dma_start3A_221] : memref<2x10112x128xf32, #tpu.memory_space<hbm>> -> memref<1x128x128xf32, #tpu.memory_space<hbm>>
      %dma_start3A_223 = tpu.memref_squeeze %dma_start3A_222 : memref<1x128x128xf32, #tpu.memory_space<hbm>> -> memref<128x128xf32, #tpu.memory_space<hbm>>
      %dma_start3A_224 = arith.constant 0 : i32
      %dma_start3A_225 = tpu.memref_slice %arg4[%arg0, %add3A_193, %dma_start3A_224] : memref<2x10112x128xf32, #tpu.memory_space<hbm>> -> memref<1x128x128xf32, #tpu.memory_space<hbm>>
      %dma_start3A_226 = tpu.memref_squeeze %dma_start3A_225 : memref<1x128x128xf32, #tpu.memory_space<hbm>> -> memref<128x128xf32, #tpu.memory_space<hbm>>
      %dma_start3A_227 = arith.constant 0 : i32
      %dma_start3A_228 = arith.constant 0 : i32
      %dma_start3A_229 = tpu.memref_slice %arg6[%dma_start3A_227, %dma_start3A_228] : memref<128x128xf32, #tpu.memory_space<vmem>> -> memref<128x128xf32, #tpu.memory_space<vmem>>
      tpu.enqueue_dma source(%dma_start3A_229 : memref<128x128xf32, #tpu.memory_space<vmem>>) target(%dma_start3A_226 : memref<128x128xf32, #tpu.memory_space<hbm>>) target_semaphore(%run_scoped3A : memref<!tpu.dma_semaphore, #tpu.memory_space<semaphore_mem>>)
      %dma_wait3A = arith.constant 0 : i32
      %dma_wait3A_230 = arith.constant 0 : i32
      %dma_wait3A_231 = tpu.memref_slice %arg6[%dma_wait3A, %dma_wait3A_230] : memref<128x128xf32, #tpu.memory_space<vmem>> -> memref<128x128xf32, #tpu.memory_space<vmem>>
      %dma_wait3A_232 = arith.constant 0 : i32
      %dma_wait3A_233 = tpu.memref_slice %arg4[%arg0, %add3A_193, %dma_wait3A_232] : memref<2x10112x128xf32, #tpu.memory_space<hbm>> -> memref<1x128x128xf32, #tpu.memory_space<hbm>>
      %dma_wait3A_234 = tpu.memref_squeeze %dma_wait3A_233 : memref<1x128x128xf32, #tpu.memory_space<hbm>> -> memref<128x128xf32, #tpu.memory_space<hbm>>
      %dma_wait3A_235 = arith.constant 0 : i32
      %dma_wait3A_236 = tpu.memref_slice %arg4[%arg0, %add3A_193, %dma_wait3A_235] : memref<2x10112x128xf32, #tpu.memory_space<hbm>> -> memref<1x128x128xf32, #tpu.memory_space<hbm>>
      %dma_wait3A_237 = tpu.memref_squeeze %dma_wait3A_236 : memref<1x128x128xf32, #tpu.memory_space<hbm>> -> memref<128x128xf32, #tpu.memory_space<hbm>>
      %dma_wait3A_238 = arith.constant 0 : i32
      %dma_wait3A_239 = arith.constant 0 : i32
      %dma_wait3A_240 = tpu.memref_slice %arg6[%dma_wait3A_238, %dma_wait3A_239] : memref<128x128xf32, #tpu.memory_space<vmem>> -> memref<128x128xf32, #tpu.memory_space<vmem>>
      tpu.wait_dma2 semaphore(%run_scoped3A : memref<!tpu.dma_semaphore, #tpu.memory_space<semaphore_mem>>) src(%dma_wait3A_240 : memref<128x128xf32, #tpu.memory_space<vmem>>) dst(%dma_wait3A_237 : memref<128x128xf32, #tpu.memory_space<hbm>>)
      tpu.yield
    }) : () -> ()
    %mul3A_194 = arith.constant 632 : i32
    %mul3A_195 = arith.muli %arg1, %mul3A_194 : i32
    %add3A_196 = arith.constant 256 : i32
    %add3A_197 = arith.addi %mul3A_195, %add3A_196 : i32
    "tpu.region"() ({
      %run_scoped3A = tpu.sem_alloc : memref<!tpu.dma_semaphore, #tpu.memory_space<semaphore_mem>>
      %dma_start3A_218 = arith.constant 0 : i32
      %dma_start3A_219 = arith.constant 0 : i32
      %dma_start3A_220 = tpu.memref_slice %arg6[%dma_start3A_218, %dma_start3A_219] : memref<128x128xf32, #tpu.memory_space<vmem>> -> memref<128x128xf32, #tpu.memory_space<vmem>>
      %dma_start3A_221 = arith.constant 0 : i32
      %dma_start3A_222 = tpu.memref_slice %arg12[%add3A_197, %dma_start3A_221] : memref<10112x128xf32, #tpu.memory_space<vmem_shared>> -> memref<128x128xf32, #tpu.memory_space<vmem_shared>>
      %dma_start3A_223 = arith.constant 0 : i32
      %dma_start3A_224 = arith.constant 0 : i32
      %dma_start3A_225 = tpu.memref_slice %arg6[%dma_start3A_223, %dma_start3A_224] : memref<128x128xf32, #tpu.memory_space<vmem>> -> memref<128x128xf32, #tpu.memory_space<vmem>>
      %dma_start3A_226 = arith.constant 0 : i32
      %dma_start3A_227 = tpu.memref_slice %arg12[%add3A_197, %dma_start3A_226] : memref<10112x128xf32, #tpu.memory_space<vmem_shared>> -> memref<128x128xf32, #tpu.memory_space<vmem_shared>>
      tpu.enqueue_dma source(%dma_start3A_227 : memref<128x128xf32, #tpu.memory_space<vmem_shared>>) target(%dma_start3A_225 : memref<128x128xf32, #tpu.memory_space<vmem>>) target_semaphore(%run_scoped3A : memref<!tpu.dma_semaphore, #tpu.memory_space<semaphore_mem>>)
      %dma_wait3A = arith.constant 0 : i32
      %dma_wait3A_228 = arith.constant 0 : i32
      %dma_wait3A_229 = tpu.memref_slice %arg6[%dma_wait3A, %dma_wait3A_228] : memref<128x128xf32, #tpu.memory_space<vmem>> -> memref<128x128xf32, #tpu.memory_space<vmem>>
      %dma_wait3A_230 = arith.constant 0 : i32
      %dma_wait3A_231 = tpu.memref_slice %arg12[%add3A_197, %dma_wait3A_230] : memref<10112x128xf32, #tpu.memory_space<vmem_shared>> -> memref<128x128xf32, #tpu.memory_space<vmem_shared>>
      %dma_wait3A_232 = arith.constant 0 : i32
      %dma_wait3A_233 = arith.constant 0 : i32
      %dma_wait3A_234 = tpu.memref_slice %arg6[%dma_wait3A_232, %dma_wait3A_233] : memref<128x128xf32, #tpu.memory_space<vmem>> -> memref<128x128xf32, #tpu.memory_space<vmem>>
      %dma_wait3A_235 = arith.constant 0 : i32
      %dma_wait3A_236 = tpu.memref_slice %arg12[%add3A_197, %dma_wait3A_235] : memref<10112x128xf32, #tpu.memory_space<vmem_shared>> -> memref<128x128xf32, #tpu.memory_space<vmem_shared>>
      tpu.wait_dma2 semaphore(%run_scoped3A : memref<!tpu.dma_semaphore, #tpu.memory_space<semaphore_mem>>) src(%dma_wait3A_236 : memref<128x128xf32, #tpu.memory_space<vmem_shared>>) dst(%dma_wait3A_234 : memref<128x128xf32, #tpu.memory_space<vmem>>)
      tpu.yield
    }) : () -> ()
    %mul3A_198 = arith.constant 632 : i32
    %mul3A_199 = arith.muli %arg1, %mul3A_198 : i32
    %add3A_200 = arith.constant 256 : i32
    %add3A_201 = arith.addi %mul3A_199, %add3A_200 : i32
    "tpu.region"() ({
      %run_scoped3A = tpu.sem_alloc : memref<!tpu.dma_semaphore, #tpu.memory_space<semaphore_mem>>
      %dma_start3A_218 = arith.constant 0 : i32
      %dma_start3A_219 = arith.constant 0 : i32
      %dma_start3A_220 = tpu.memref_slice %arg6[%dma_start3A_218, %dma_start3A_219] : memref<128x128xf32, #tpu.memory_space<vmem>> -> memref<128x128xf32, #tpu.memory_space<vmem>>
      %dma_start3A_221 = arith.constant 0 : i32
      %dma_start3A_222 = tpu.memref_slice %arg4[%arg0, %add3A_201, %dma_start3A_221] : memref<2x10112x128xf32, #tpu.memory_space<hbm>> -> memref<1x128x128xf32, #tpu.memory_space<hbm>>
      %dma_start3A_223 = tpu.memref_squeeze %dma_start3A_222 : memref<1x128x128xf32, #tpu.memory_space<hbm>> -> memref<128x128xf32, #tpu.memory_space<hbm>>
      %dma_start3A_224 = arith.constant 0 : i32
      %dma_start3A_225 = tpu.memref_slice %arg4[%arg0, %add3A_201, %dma_start3A_224] : memref<2x10112x128xf32, #tpu.memory_space<hbm>> -> memref<1x128x128xf32, #tpu.memory_space<hbm>>
      %dma_start3A_226 = tpu.memref_squeeze %dma_start3A_225 : memref<1x128x128xf32, #tpu.memory_space<hbm>> -> memref<128x128xf32, #tpu.memory_space<hbm>>
      %dma_start3A_227 = arith.constant 0 : i32
      %dma_start3A_228 = arith.constant 0 : i32
      %dma_start3A_229 = tpu.memref_slice %arg6[%dma_start3A_227, %dma_start3A_228] : memref<128x128xf32, #tpu.memory_space<vmem>> -> memref<128x128xf32, #tpu.memory_space<vmem>>
      tpu.enqueue_dma source(%dma_start3A_229 : memref<128x128xf32, #tpu.memory_space<vmem>>) target(%dma_start3A_226 : memref<128x128xf32, #tpu.memory_space<hbm>>) target_semaphore(%run_scoped3A : memref<!tpu.dma_semaphore, #tpu.memory_space<semaphore_mem>>)
      %dma_wait3A = arith.constant 0 : i32
      %dma_wait3A_230 = arith.constant 0 : i32
      %dma_wait3A_231 = tpu.memref_slice %arg6[%dma_wait3A, %dma_wait3A_230] : memref<128x128xf32, #tpu.memory_space<vmem>> -> memref<128x128xf32, #tpu.memory_space<vmem>>
      %dma_wait3A_232 = arith.constant 0 : i32
      %dma_wait3A_233 = tpu.memref_slice %arg4[%arg0, %add3A_201, %dma_wait3A_232] : memref<2x10112x128xf32, #tpu.memory_space<hbm>> -> memref<1x128x128xf32, #tpu.memory_space<hbm>>
      %dma_wait3A_234 = tpu.memref_squeeze %dma_wait3A_233 : memref<1x128x128xf32, #tpu.memory_space<hbm>> -> memref<128x128xf32, #tpu.memory_space<hbm>>
      %dma_wait3A_235 = arith.constant 0 : i32
      %dma_wait3A_236 = tpu.memref_slice %arg4[%arg0, %add3A_201, %dma_wait3A_235] : memref<2x10112x128xf32, #tpu.memory_space<hbm>> -> memref<1x128x128xf32, #tpu.memory_space<hbm>>
      %dma_wait3A_237 = tpu.memref_squeeze %dma_wait3A_236 : memref<1x128x128xf32, #tpu.memory_space<hbm>> -> memref<128x128xf32, #tpu.memory_space<hbm>>
      %dma_wait3A_238 = arith.constant 0 : i32
      %dma_wait3A_239 = arith.constant 0 : i32
      %dma_wait3A_240 = tpu.memref_slice %arg6[%dma_wait3A_238, %dma_wait3A_239] : memref<128x128xf32, #tpu.memory_space<vmem>> -> memref<128x128xf32, #tpu.memory_space<vmem>>
      tpu.wait_dma2 semaphore(%run_scoped3A : memref<!tpu.dma_semaphore, #tpu.memory_space<semaphore_mem>>) src(%dma_wait3A_240 : memref<128x128xf32, #tpu.memory_space<vmem>>) dst(%dma_wait3A_237 : memref<128x128xf32, #tpu.memory_space<hbm>>)
      tpu.yield
    }) : () -> ()
    %mul3A_202 = arith.constant 632 : i32
    %mul3A_203 = arith.muli %arg1, %mul3A_202 : i32
    %add3A_204 = arith.constant 384 : i32
    %add3A_205 = arith.addi %mul3A_203, %add3A_204 : i32
    "tpu.region"() ({
      %run_scoped3A = tpu.sem_alloc : memref<!tpu.dma_semaphore, #tpu.memory_space<semaphore_mem>>
      %dma_start3A_218 = arith.constant 0 : i32
      %dma_start3A_219 = arith.constant 0 : i32
      %dma_start3A_220 = tpu.memref_slice %arg6[%dma_start3A_218, %dma_start3A_219] : memref<128x128xf32, #tpu.memory_space<vmem>> -> memref<128x128xf32, #tpu.memory_space<vmem>>
      %dma_start3A_221 = arith.constant 0 : i32
      %dma_start3A_222 = tpu.memref_slice %arg12[%add3A_205, %dma_start3A_221] : memref<10112x128xf32, #tpu.memory_space<vmem_shared>> -> memref<128x128xf32, #tpu.memory_space<vmem_shared>>
      %dma_start3A_223 = arith.constant 0 : i32
      %dma_start3A_224 = arith.constant 0 : i32
      %dma_start3A_225 = tpu.memref_slice %arg6[%dma_start3A_223, %dma_start3A_224] : memref<128x128xf32, #tpu.memory_space<vmem>> -> memref<128x128xf32, #tpu.memory_space<vmem>>
      %dma_start3A_226 = arith.constant 0 : i32
      %dma_start3A_227 = tpu.memref_slice %arg12[%add3A_205, %dma_start3A_226] : memref<10112x128xf32, #tpu.memory_space<vmem_shared>> -> memref<128x128xf32, #tpu.memory_space<vmem_shared>>
      tpu.enqueue_dma source(%dma_start3A_227 : memref<128x128xf32, #tpu.memory_space<vmem_shared>>) target(%dma_start3A_225 : memref<128x128xf32, #tpu.memory_space<vmem>>) target_semaphore(%run_scoped3A : memref<!tpu.dma_semaphore, #tpu.memory_space<semaphore_mem>>)
      %dma_wait3A = arith.constant 0 : i32
      %dma_wait3A_228 = arith.constant 0 : i32
      %dma_wait3A_229 = tpu.memref_slice %arg6[%dma_wait3A, %dma_wait3A_228] : memref<128x128xf32, #tpu.memory_space<vmem>> -> memref<128x128xf32, #tpu.memory_space<vmem>>
      %dma_wait3A_230 = arith.constant 0 : i32
      %dma_wait3A_231 = tpu.memref_slice %arg12[%add3A_205, %dma_wait3A_230] : memref<10112x128xf32, #tpu.memory_space<vmem_shared>> -> memref<128x128xf32, #tpu.memory_space<vmem_shared>>
      %dma_wait3A_232 = arith.constant 0 : i32
      %dma_wait3A_233 = arith.constant 0 : i32
      %dma_wait3A_234 = tpu.memref_slice %arg6[%dma_wait3A_232, %dma_wait3A_233] : memref<128x128xf32, #tpu.memory_space<vmem>> -> memref<128x128xf32, #tpu.memory_space<vmem>>
      %dma_wait3A_235 = arith.constant 0 : i32
      %dma_wait3A_236 = tpu.memref_slice %arg12[%add3A_205, %dma_wait3A_235] : memref<10112x128xf32, #tpu.memory_space<vmem_shared>> -> memref<128x128xf32, #tpu.memory_space<vmem_shared>>
      tpu.wait_dma2 semaphore(%run_scoped3A : memref<!tpu.dma_semaphore, #tpu.memory_space<semaphore_mem>>) src(%dma_wait3A_236 : memref<128x128xf32, #tpu.memory_space<vmem_shared>>) dst(%dma_wait3A_234 : memref<128x128xf32, #tpu.memory_space<vmem>>)
      tpu.yield
    }) : () -> ()
    %mul3A_206 = arith.constant 632 : i32
    %mul3A_207 = arith.muli %arg1, %mul3A_206 : i32
    %add3A_208 = arith.constant 384 : i32
    %add3A_209 = arith.addi %mul3A_207, %add3A_208 : i32
    "tpu.region"() ({
      %run_scoped3A = tpu.sem_alloc : memref<!tpu.dma_semaphore, #tpu.memory_space<semaphore_mem>>
      %dma_start3A_218 = arith.constant 0 : i32
      %dma_start3A_219 = arith.constant 0 : i32
      %dma_start3A_220 = tpu.memref_slice %arg6[%dma_start3A_218, %dma_start3A_219] : memref<128x128xf32, #tpu.memory_space<vmem>> -> memref<128x128xf32, #tpu.memory_space<vmem>>
      %dma_start3A_221 = arith.constant 0 : i32
      %dma_start3A_222 = tpu.memref_slice %arg4[%arg0, %add3A_209, %dma_start3A_221] : memref<2x10112x128xf32, #tpu.memory_space<hbm>> -> memref<1x128x128xf32, #tpu.memory_space<hbm>>
      %dma_start3A_223 = tpu.memref_squeeze %dma_start3A_222 : memref<1x128x128xf32, #tpu.memory_space<hbm>> -> memref<128x128xf32, #tpu.memory_space<hbm>>
      %dma_start3A_224 = arith.constant 0 : i32
      %dma_start3A_225 = tpu.memref_slice %arg4[%arg0, %add3A_209, %dma_start3A_224] : memref<2x10112x128xf32, #tpu.memory_space<hbm>> -> memref<1x128x128xf32, #tpu.memory_space<hbm>>
      %dma_start3A_226 = tpu.memref_squeeze %dma_start3A_225 : memref<1x128x128xf32, #tpu.memory_space<hbm>> -> memref<128x128xf32, #tpu.memory_space<hbm>>
      %dma_start3A_227 = arith.constant 0 : i32
      %dma_start3A_228 = arith.constant 0 : i32
      %dma_start3A_229 = tpu.memref_slice %arg6[%dma_start3A_227, %dma_start3A_228] : memref<128x128xf32, #tpu.memory_space<vmem>> -> memref<128x128xf32, #tpu.memory_space<vmem>>
      tpu.enqueue_dma source(%dma_start3A_229 : memref<128x128xf32, #tpu.memory_space<vmem>>) target(%dma_start3A_226 : memref<128x128xf32, #tpu.memory_space<hbm>>) target_semaphore(%run_scoped3A : memref<!tpu.dma_semaphore, #tpu.memory_space<semaphore_mem>>)
      %dma_wait3A = arith.constant 0 : i32
      %dma_wait3A_230 = arith.constant 0 : i32
      %dma_wait3A_231 = tpu.memref_slice %arg6[%dma_wait3A, %dma_wait3A_230] : memref<128x128xf32, #tpu.memory_space<vmem>> -> memref<128x128xf32, #tpu.memory_space<vmem>>
      %dma_wait3A_232 = arith.constant 0 : i32
      %dma_wait3A_233 = tpu.memref_slice %arg4[%arg0, %add3A_209, %dma_wait3A_232] : memref<2x10112x128xf32, #tpu.memory_space<hbm>> -> memref<1x128x128xf32, #tpu.memory_space<hbm>>
      %dma_wait3A_234 = tpu.memref_squeeze %dma_wait3A_233 : memref<1x128x128xf32, #tpu.memory_space<hbm>> -> memref<128x128xf32, #tpu.memory_space<hbm>>
      %dma_wait3A_235 = arith.constant 0 : i32
      %dma_wait3A_236 = tpu.memref_slice %arg4[%arg0, %add3A_209, %dma_wait3A_235] : memref<2x10112x128xf32, #tpu.memory_space<hbm>> -> memref<1x128x128xf32, #tpu.memory_space<hbm>>
      %dma_wait3A_237 = tpu.memref_squeeze %dma_wait3A_236 : memref<1x128x128xf32, #tpu.memory_space<hbm>> -> memref<128x128xf32, #tpu.memory_space<hbm>>
      %dma_wait3A_238 = arith.constant 0 : i32
      %dma_wait3A_239 = arith.constant 0 : i32
      %dma_wait3A_240 = tpu.memref_slice %arg6[%dma_wait3A_238, %dma_wait3A_239] : memref<128x128xf32, #tpu.memory_space<vmem>> -> memref<128x128xf32, #tpu.memory_space<vmem>>
      tpu.wait_dma2 semaphore(%run_scoped3A : memref<!tpu.dma_semaphore, #tpu.memory_space<semaphore_mem>>) src(%dma_wait3A_240 : memref<128x128xf32, #tpu.memory_space<vmem>>) dst(%dma_wait3A_237 : memref<128x128xf32, #tpu.memory_space<hbm>>)
      tpu.yield
    }) : () -> ()
    %mul3A_210 = arith.constant 632 : i32
    %mul3A_211 = arith.muli %arg1, %mul3A_210 : i32
    %add3A_212 = arith.constant 512 : i32
    %add3A_213 = arith.addi %mul3A_211, %add3A_212 : i32
    "tpu.region"() ({
      %run_scoped3A = tpu.sem_alloc : memref<!tpu.dma_semaphore, #tpu.memory_space<semaphore_mem>>
      %dma_start3A_218 = arith.constant 0 : i32
      %dma_start3A_219 = arith.constant 0 : i32
      %dma_start3A_220 = tpu.memref_slice %arg6[%dma_start3A_218, %dma_start3A_219] : memref<128x128xf32, #tpu.memory_space<vmem>> -> memref<120x128xf32, #tpu.memory_space<vmem>>
      %dma_start3A_221 = arith.constant 0 : i32
      %dma_start3A_222 = tpu.memref_slice %arg12[%add3A_213, %dma_start3A_221] : memref<10112x128xf32, #tpu.memory_space<vmem_shared>> -> memref<120x128xf32, #tpu.memory_space<vmem_shared>>
      %dma_start3A_223 = arith.constant 0 : i32
      %dma_start3A_224 = arith.constant 0 : i32
      %dma_start3A_225 = tpu.memref_slice %arg6[%dma_start3A_223, %dma_start3A_224] : memref<128x128xf32, #tpu.memory_space<vmem>> -> memref<120x128xf32, #tpu.memory_space<vmem>>
      %dma_start3A_226 = arith.constant 0 : i32
      %dma_start3A_227 = tpu.memref_slice %arg12[%add3A_213, %dma_start3A_226] : memref<10112x128xf32, #tpu.memory_space<vmem_shared>> -> memref<120x128xf32, #tpu.memory_space<vmem_shared>>
      tpu.enqueue_dma source(%dma_start3A_227 : memref<120x128xf32, #tpu.memory_space<vmem_shared>>) target(%dma_start3A_225 : memref<120x128xf32, #tpu.memory_space<vmem>>) target_semaphore(%run_scoped3A : memref<!tpu.dma_semaphore, #tpu.memory_space<semaphore_mem>>)
      %dma_wait3A = arith.constant 0 : i32
      %dma_wait3A_228 = arith.constant 0 : i32
      %dma_wait3A_229 = tpu.memref_slice %arg6[%dma_wait3A, %dma_wait3A_228] : memref<128x128xf32, #tpu.memory_space<vmem>> -> memref<120x128xf32, #tpu.memory_space<vmem>>
      %dma_wait3A_230 = arith.constant 0 : i32
      %dma_wait3A_231 = tpu.memref_slice %arg12[%add3A_213, %dma_wait3A_230] : memref<10112x128xf32, #tpu.memory_space<vmem_shared>> -> memref<120x128xf32, #tpu.memory_space<vmem_shared>>
      %dma_wait3A_232 = arith.constant 0 : i32
      %dma_wait3A_233 = arith.constant 0 : i32
      %dma_wait3A_234 = tpu.memref_slice %arg6[%dma_wait3A_232, %dma_wait3A_233] : memref<128x128xf32, #tpu.memory_space<vmem>> -> memref<120x128xf32, #tpu.memory_space<vmem>>
      %dma_wait3A_235 = arith.constant 0 : i32
      %dma_wait3A_236 = tpu.memref_slice %arg12[%add3A_213, %dma_wait3A_235] : memref<10112x128xf32, #tpu.memory_space<vmem_shared>> -> memref<120x128xf32, #tpu.memory_space<vmem_shared>>
      tpu.wait_dma2 semaphore(%run_scoped3A : memref<!tpu.dma_semaphore, #tpu.memory_space<semaphore_mem>>) src(%dma_wait3A_236 : memref<120x128xf32, #tpu.memory_space<vmem_shared>>) dst(%dma_wait3A_234 : memref<120x128xf32, #tpu.memory_space<vmem>>)
      tpu.yield
    }) : () -> ()
    %mul3A_214 = arith.constant 632 : i32
    %mul3A_215 = arith.muli %arg1, %mul3A_214 : i32
    %add3A_216 = arith.constant 512 : i32
    %add3A_217 = arith.addi %mul3A_215, %add3A_216 : i32
    "tpu.region"() ({
      %run_scoped3A = tpu.sem_alloc : memref<!tpu.dma_semaphore, #tpu.memory_space<semaphore_mem>>
      %dma_start3A_218 = arith.constant 0 : i32
      %dma_start3A_219 = arith.constant 0 : i32
      %dma_start3A_220 = tpu.memref_slice %arg6[%dma_start3A_218, %dma_start3A_219] : memref<128x128xf32, #tpu.memory_space<vmem>> -> memref<120x128xf32, #tpu.memory_space<vmem>>
      %dma_start3A_221 = arith.constant 0 : i32
      %dma_start3A_222 = tpu.memref_slice %arg4[%arg0, %add3A_217, %dma_start3A_221] : memref<2x10112x128xf32, #tpu.memory_space<hbm>> -> memref<1x120x128xf32, #tpu.memory_space<hbm>>
      %dma_start3A_223 = tpu.memref_squeeze %dma_start3A_222 : memref<1x120x128xf32, #tpu.memory_space<hbm>> -> memref<120x128xf32, #tpu.memory_space<hbm>>
      %dma_start3A_224 = arith.constant 0 : i32
      %dma_start3A_225 = tpu.memref_slice %arg4[%arg0, %add3A_217, %dma_start3A_224] : memref<2x10112x128xf32, #tpu.memory_space<hbm>> -> memref<1x120x128xf32, #tpu.memory_space<hbm>>
      %dma_start3A_226 = tpu.memref_squeeze %dma_start3A_225 : memref<1x120x128xf32, #tpu.memory_space<hbm>> -> memref<120x128xf32, #tpu.memory_space<hbm>>
      %dma_start3A_227 = arith.constant 0 : i32
      %dma_start3A_228 = arith.constant 0 : i32
      %dma_start3A_229 = tpu.memref_slice %arg6[%dma_start3A_227, %dma_start3A_228] : memref<128x128xf32, #tpu.memory_space<vmem>> -> memref<120x128xf32, #tpu.memory_space<vmem>>
      tpu.enqueue_dma source(%dma_start3A_229 : memref<120x128xf32, #tpu.memory_space<vmem>>) target(%dma_start3A_226 : memref<120x128xf32, #tpu.memory_space<hbm>>) target_semaphore(%run_scoped3A : memref<!tpu.dma_semaphore, #tpu.memory_space<semaphore_mem>>)
      %dma_wait3A = arith.constant 0 : i32
      %dma_wait3A_230 = arith.constant 0 : i32
      %dma_wait3A_231 = tpu.memref_slice %arg6[%dma_wait3A, %dma_wait3A_230] : memref<128x128xf32, #tpu.memory_space<vmem>> -> memref<120x128xf32, #tpu.memory_space<vmem>>
      %dma_wait3A_232 = arith.constant 0 : i32
      %dma_wait3A_233 = tpu.memref_slice %arg4[%arg0, %add3A_217, %dma_wait3A_232] : memref<2x10112x128xf32, #tpu.memory_space<hbm>> -> memref<1x120x128xf32, #tpu.memory_space<hbm>>
      %dma_wait3A_234 = tpu.memref_squeeze %dma_wait3A_233 : memref<1x120x128xf32, #tpu.memory_space<hbm>> -> memref<120x128xf32, #tpu.memory_space<hbm>>
      %dma_wait3A_235 = arith.constant 0 : i32
      %dma_wait3A_236 = tpu.memref_slice %arg4[%arg0, %add3A_217, %dma_wait3A_235] : memref<2x10112x128xf32, #tpu.memory_space<hbm>> -> memref<1x120x128xf32, #tpu.memory_space<hbm>>
      %dma_wait3A_237 = tpu.memref_squeeze %dma_wait3A_236 : memref<1x120x128xf32, #tpu.memory_space<hbm>> -> memref<120x128xf32, #tpu.memory_space<hbm>>
      %dma_wait3A_238 = arith.constant 0 : i32
      %dma_wait3A_239 = arith.constant 0 : i32
      %dma_wait3A_240 = tpu.memref_slice %arg6[%dma_wait3A_238, %dma_wait3A_239] : memref<128x128xf32, #tpu.memory_space<vmem>> -> memref<120x128xf32, #tpu.memory_space<vmem>>
      tpu.wait_dma2 semaphore(%run_scoped3A : memref<!tpu.dma_semaphore, #tpu.memory_space<semaphore_mem>>) src(%dma_wait3A_240 : memref<120x128xf32, #tpu.memory_space<vmem>>) dst(%dma_wait3A_237 : memref<120x128xf32, #tpu.memory_space<hbm>>)
      tpu.yield
    }) : () -> ()
    return
  }
}

#map = affine_map<(d0, d1) -> (0, 0, 0)>
module attributes {stable_mosaic.version = 14 : i64} {
  func.func @deg_k(%arg0: i32, %arg1: i32, %arg2: memref<2x16x10240xi32, #tpu.memory_space<hbm>>, %arg3: memref<2x16x10112xf32, #tpu.memory_space<hbm>>, %arg4: memref<10240xi32, #tpu.memory_space<vmem>>, %arg5: memref<10112xf32, #tpu.memory_space<vmem>>) attributes {dimension_semantics = [#tpu.dimension_semantics<core_parallel>, #tpu.dimension_semantics<subcore_parallel>], iteration_bounds = array<i64: 2, 16>, scalar_prefetch = 0 : i64, scratch_operands = 2 : i64, tpu.core_type = #tpu.core_type<sc_vector_subcore>, window_params = [{transform_indices = #map}, {transform_indices = #map}]} {
    "tpu.region"() ({
      %run_scoped3A = tpu.sem_alloc : memref<!tpu.dma_semaphore, #tpu.memory_space<semaphore_mem>>
      %dma_start3A = arith.constant 0 : i32
      %dma_start3A_10 = tpu.memref_slice %arg2[%arg0, %arg1, %dma_start3A] : memref<2x16x10240xi32, #tpu.memory_space<hbm>> -> memref<1x1x10240xi32, #tpu.memory_space<hbm>>
      %dma_start3A_11 = tpu.memref_squeeze %dma_start3A_10 : memref<1x1x10240xi32, #tpu.memory_space<hbm>> -> memref<10240xi32, #tpu.memory_space<hbm>>
      %dma_start3A_12 = arith.constant 0 : i32
      %dma_start3A_13 = tpu.memref_slice %arg2[%arg0, %arg1, %dma_start3A_12] : memref<2x16x10240xi32, #tpu.memory_space<hbm>> -> memref<1x1x10240xi32, #tpu.memory_space<hbm>>
      %dma_start3A_14 = tpu.memref_squeeze %dma_start3A_13 : memref<1x1x10240xi32, #tpu.memory_space<hbm>> -> memref<10240xi32, #tpu.memory_space<hbm>>
      tpu.enqueue_dma source(%dma_start3A_14 : memref<10240xi32, #tpu.memory_space<hbm>>) target(%arg4 : memref<10240xi32, #tpu.memory_space<vmem>>) target_semaphore(%run_scoped3A : memref<!tpu.dma_semaphore, #tpu.memory_space<semaphore_mem>>)
      %dma_wait3A = arith.constant 0 : i32
      %dma_wait3A_15 = tpu.memref_slice %arg2[%arg0, %arg1, %dma_wait3A] : memref<2x16x10240xi32, #tpu.memory_space<hbm>> -> memref<1x1x10240xi32, #tpu.memory_space<hbm>>
      %dma_wait3A_16 = tpu.memref_squeeze %dma_wait3A_15 : memref<1x1x10240xi32, #tpu.memory_space<hbm>> -> memref<10240xi32, #tpu.memory_space<hbm>>
      %dma_wait3A_17 = arith.constant 0 : i32
      %dma_wait3A_18 = tpu.memref_slice %arg2[%arg0, %arg1, %dma_wait3A_17] : memref<2x16x10240xi32, #tpu.memory_space<hbm>> -> memref<1x1x10240xi32, #tpu.memory_space<hbm>>
      %dma_wait3A_19 = tpu.memref_squeeze %dma_wait3A_18 : memref<1x1x10240xi32, #tpu.memory_space<hbm>> -> memref<10240xi32, #tpu.memory_space<hbm>>
      tpu.wait_dma2 semaphore(%run_scoped3A : memref<!tpu.dma_semaphore, #tpu.memory_space<semaphore_mem>>) src(%dma_wait3A_19 : memref<10240xi32, #tpu.memory_space<hbm>>) dst(%arg4 : memref<10240xi32, #tpu.memory_space<vmem>>)
      tpu.yield
    }) : () -> ()
    %scan3A = arith.constant 0 : i32
    %scan3A_0 = arith.constant 632 : i32
    %scan3A_1 = arith.addi %scan3A, %scan3A_0 : i32
    %scan3A_2 = arith.constant 1 : i32
    scf.for %scan3A_10 = %scan3A to %scan3A_1 step %scan3A_2  : i32 {
      %mul3A = arith.constant 1 : i32
      %mul3A_11 = arith.muli %scan3A_10, %mul3A : i32
      %add3A = arith.constant 0 : i32
      %add3A_12 = arith.addi %add3A, %mul3A_11 : i32
      %broadcast_in_dim3A_13 = arith.constant 0.000000e+00 : f32
      %broadcast_in_dim3A_14 = vector.broadcast %broadcast_in_dim3A_13 : f32 to vector<16xf32>
      %mul3A_15 = arith.constant 16 : i32
      %mul3A_16 = arith.muli %add3A_12, %mul3A_15 : i32
      %swap3A = arith.index_cast %mul3A_16 : i32 to index
      %swap3A_17 = tpu.vector_load %arg5[%swap3A] {strides = array<i32>} : memref<10112xf32, #tpu.memory_space<vmem>>, vector<16xf32>,
      tpu.vector_store %arg5[%swap3A], %broadcast_in_dim3A_14 {strides = array<i32>} : memref<10112xf32, #tpu.memory_space<vmem>>, vector<16xf32>,
    }
    %scan3A_3 = arith.constant 632 : i32
    %broadcast_in_dim3A = arith.constant 1.000000e+00 : f32
    %broadcast_in_dim3A_4 = vector.broadcast %broadcast_in_dim3A : f32 to vector<16xf32>
    %scan3A_5 = arith.constant 0 : i32
    %scan3A_6 = arith.constant 640 : i32
    %scan3A_7 = arith.addi %scan3A_5, %scan3A_6 : i32
    %scan3A_8 = arith.constant 1 : i32
    scf.for %scan3A_10 = %scan3A_5 to %scan3A_7 step %scan3A_8  : i32 {
      %mul3A = arith.constant 1 : i32
      %mul3A_11 = arith.muli %scan3A_10, %mul3A : i32
      %add3A = arith.constant 0 : i32
      %add3A_12 = arith.addi %add3A, %mul3A_11 : i32
      %mul3A_13 = arith.constant 16 : i32
      %mul3A_14 = arith.muli %add3A_12, %mul3A_13 : i32
      %get3A = arith.index_cast %mul3A_14 : i32 to index
      %get3A_15 = tpu.vector_load %arg4[%get3A] {strides = array<i32>} : memref<10240xi32, #tpu.memory_space<vmem>>, vector<16xi32>,
      %shift_right_logical3A = arith.constant 14 : i32
      %shift_right_logical3A_16 = vector.broadcast %shift_right_logical3A : i32 to vector<16xi32>
      %shift_right_logical3A_17 = arith.shrui %get3A_15, %shift_right_logical3A_16 : vector<16xi32>
      tpu.vector_store_idx %arg5[%shift_right_logical3A_17], %broadcast_in_dim3A_4 {add = true} : memref<10112xf32, #tpu.memory_space<vmem>>[vector<16xi32>], vector<16xf32>,
    }
    %scan3A_9 = arith.constant 640 : i32
    "tpu.region"() ({
      %run_scoped3A = tpu.sem_alloc : memref<!tpu.dma_semaphore, #tpu.memory_space<semaphore_mem>>
      %dma_start3A = arith.constant 0 : i32
      %dma_start3A_10 = tpu.memref_slice %arg3[%arg0, %arg1, %dma_start3A] : memref<2x16x10112xf32, #tpu.memory_space<hbm>> -> memref<1x1x10112xf32, #tpu.memory_space<hbm>>
      %dma_start3A_11 = tpu.memref_squeeze %dma_start3A_10 : memref<1x1x10112xf32, #tpu.memory_space<hbm>> -> memref<10112xf32, #tpu.memory_space<hbm>>
      %dma_start3A_12 = arith.constant 0 : i32
      %dma_start3A_13 = tpu.memref_slice %arg3[%arg0, %arg1, %dma_start3A_12] : memref<2x16x10112xf32, #tpu.memory_space<hbm>> -> memref<1x1x10112xf32, #tpu.memory_space<hbm>>
      %dma_start3A_14 = tpu.memref_squeeze %dma_start3A_13 : memref<1x1x10112xf32, #tpu.memory_space<hbm>> -> memref<10112xf32, #tpu.memory_space<hbm>>
      tpu.enqueue_dma source(%arg5 : memref<10112xf32, #tpu.memory_space<vmem>>) target(%dma_start3A_14 : memref<10112xf32, #tpu.memory_space<hbm>>) target_semaphore(%run_scoped3A : memref<!tpu.dma_semaphore, #tpu.memory_space<semaphore_mem>>)
      %dma_wait3A = arith.constant 0 : i32
      %dma_wait3A_15 = tpu.memref_slice %arg3[%arg0, %arg1, %dma_wait3A] : memref<2x16x10112xf32, #tpu.memory_space<hbm>> -> memref<1x1x10112xf32, #tpu.memory_space<hbm>>
      %dma_wait3A_16 = tpu.memref_squeeze %dma_wait3A_15 : memref<1x1x10112xf32, #tpu.memory_space<hbm>> -> memref<10112xf32, #tpu.memory_space<hbm>>
      %dma_wait3A_17 = arith.constant 0 : i32
      %dma_wait3A_18 = tpu.memref_slice %arg3[%arg0, %arg1, %dma_wait3A_17] : memref<2x16x10112xf32, #tpu.memory_space<hbm>> -> memref<1x1x10112xf32, #tpu.memory_space<hbm>>
      %dma_wait3A_19 = tpu.memref_squeeze %dma_wait3A_18 : memref<1x1x10112xf32, #tpu.memory_space<hbm>> -> memref<10112xf32, #tpu.memory_space<hbm>>
      tpu.wait_dma2 semaphore(%run_scoped3A : memref<!tpu.dma_semaphore, #tpu.memory_space<semaphore_mem>>) src(%arg5 : memref<10112xf32, #tpu.memory_space<vmem>>) dst(%dma_wait3A_19 : memref<10112xf32, #tpu.memory_space<hbm>>)
      tpu.yield
    }) : () -> ()
    return
  }
}

#map = affine_map<(d0, d1) -> (0, 0)>
#map1 = affine_map<(d0, d1) -> (0, 0, 0, 0)>
#map2 = affine_map<(d0, d1) -> (0, 0, 0)>
module attributes {stable_mosaic.version = 14 : i64} {
  func.func @edge_k(%arg0: i32, %arg1: i32, %arg2: memref<10000x128xf32, #tpu.memory_space<hbm>>, %arg3: memref<2x16x80x128xi32, #tpu.memory_space<hbm>>, %arg4: memref<2x10112x128xf32, #tpu.memory_space<hbm>>, %arg5: memref<80x128xi32, #tpu.memory_space<vmem>>, %arg6: memref<128x128xf32, #tpu.memory_space<vmem>>, %arg7: memref<128x128xf32, #tpu.memory_space<vmem>>, %arg8: memref<128xi32, #tpu.memory_space<vmem>>, %arg9: memref<128xi32, #tpu.memory_space<vmem>>, %arg10: memref<128xi32, #tpu.memory_space<vmem>>, %arg11: memref<128xi32, #tpu.memory_space<vmem>>, %arg12: memref<10112x128xf32, #tpu.memory_space<vmem_shared>>, %arg13: memref<!tpu.dma_semaphore, #tpu.memory_space<semaphore_mem>>, %arg14: memref<!tpu.dma_semaphore, #tpu.memory_space<semaphore_mem>>) attributes {dimension_semantics = [#tpu.dimension_semantics<core_parallel>, #tpu.dimension_semantics<subcore_parallel>], iteration_bounds = array<i64: 2, 16>, scalar_prefetch = 0 : i64, scratch_operands = 10 : i64, tpu.core_type = #tpu.core_type<sc_vector_subcore>, window_params = [{transform_indices = #map}, {transform_indices = #map1}, {transform_indices = #map2}]} {
    "tpu.region"() ({
      %run_scoped3A = tpu.sem_alloc : memref<!tpu.dma_semaphore, #tpu.memory_space<semaphore_mem>>
      %dma_start3A_218 = arith.constant 0 : i32
      %dma_start3A_219 = arith.constant 0 : i32
      %dma_start3A_220 = tpu.memref_slice %arg3[%arg0, %arg1, %dma_start3A_218, %dma_start3A_219] : memref<2x16x80x128xi32, #tpu.memory_space<hbm>> -> memref<1x1x80x128xi32, #tpu.memory_space<hbm>>
      %dma_start3A_221 = tpu.memref_squeeze %dma_start3A_220 : memref<1x1x80x128xi32, #tpu.memory_space<hbm>> -> memref<80x128xi32, #tpu.memory_space<hbm>>
      %dma_start3A_222 = arith.constant 0 : i32
      %dma_start3A_223 = arith.constant 0 : i32
      %dma_start3A_224 = tpu.memref_slice %arg3[%arg0, %arg1, %dma_start3A_222, %dma_start3A_223] : memref<2x16x80x128xi32, #tpu.memory_space<hbm>> -> memref<1x1x80x128xi32, #tpu.memory_space<hbm>>
      %dma_start3A_225 = tpu.memref_squeeze %dma_start3A_224 : memref<1x1x80x128xi32, #tpu.memory_space<hbm>> -> memref<80x128xi32, #tpu.memory_space<hbm>>
      tpu.enqueue_dma source(%dma_start3A_225 : memref<80x128xi32, #tpu.memory_space<hbm>>) target(%arg5 : memref<80x128xi32, #tpu.memory_space<vmem>>) target_semaphore(%run_scoped3A : memref<!tpu.dma_semaphore, #tpu.memory_space<semaphore_mem>>)
      %dma_wait3A = arith.constant 0 : i32
      %dma_wait3A_226 = arith.constant 0 : i32
      %dma_wait3A_227 = tpu.memref_slice %arg3[%arg0, %arg1, %dma_wait3A, %dma_wait3A_226] : memref<2x16x80x128xi32, #tpu.memory_space<hbm>> -> memref<1x1x80x128xi32, #tpu.memory_space<hbm>>
      %dma_wait3A_228 = tpu.memref_squeeze %dma_wait3A_227 : memref<1x1x80x128xi32, #tpu.memory_space<hbm>> -> memref<80x128xi32, #tpu.memory_space<hbm>>
      %dma_wait3A_229 = arith.constant 0 : i32
      %dma_wait3A_230 = arith.constant 0 : i32
      %dma_wait3A_231 = tpu.memref_slice %arg3[%arg0, %arg1, %dma_wait3A_229, %dma_wait3A_230] : memref<2x16x80x128xi32, #tpu.memory_space<hbm>> -> memref<1x1x80x128xi32, #tpu.memory_space<hbm>>
      %dma_wait3A_232 = tpu.memref_squeeze %dma_wait3A_231 : memref<1x1x80x128xi32, #tpu.memory_space<hbm>> -> memref<80x128xi32, #tpu.memory_space<hbm>>
      tpu.wait_dma2 semaphore(%run_scoped3A : memref<!tpu.dma_semaphore, #tpu.memory_space<semaphore_mem>>) src(%dma_wait3A_232 : memref<80x128xi32, #tpu.memory_space<hbm>>) dst(%arg5 : memref<80x128xi32, #tpu.memory_space<vmem>>)
      tpu.yield
    }) : () -> ()
    %scan3A = arith.constant 0 : i32
    %scan3A_0 = arith.constant 128 : i32
    %scan3A_1 = arith.addi %scan3A, %scan3A_0 : i32
    %scan3A_2 = arith.constant 1 : i32
    scf.for %scan3A_218 = %scan3A to %scan3A_1 step %scan3A_2  : i32 {
      %mul3A_219 = arith.constant 1 : i32
      %mul3A_220 = arith.muli %scan3A_218, %mul3A_219 : i32
      %add3A_221 = arith.constant 0 : i32
      %add3A_222 = arith.addi %add3A_221, %mul3A_220 : i32
      %scan3A_223 = arith.constant 0 : i32
      %scan3A_224 = arith.constant 8 : i32
      %scan3A_225 = arith.addi %scan3A_223, %scan3A_224 : i32
      %scan3A_226 = arith.constant 1 : i32
      scf.for %scan3A_228 = %scan3A_223 to %scan3A_225 step %scan3A_226  : i32 {
        %mul3A_229 = arith.constant 1 : i32
        %mul3A_230 = arith.muli %scan3A_228, %mul3A_229 : i32
        %add3A_231 = arith.constant 0 : i32
        %add3A_232 = arith.addi %add3A_231, %mul3A_230 : i32
        %broadcast_in_dim3A = arith.constant 0.000000e+00 : f32
        %broadcast_in_dim3A_233 = vector.broadcast %broadcast_in_dim3A : f32 to vector<16xf32>
        %mul3A_234 = arith.constant 16 : i32
        %mul3A_235 = arith.muli %add3A_232, %mul3A_234 : i32
        %swap3A_236 = arith.index_cast %add3A_222 : i32 to index
        %swap3A_237 = arith.index_cast %mul3A_235 : i32 to index
        %swap3A_238 = tpu.vector_load %arg6[%swap3A_236, %swap3A_237] {strides = array<i32>} : memref<128x128xf32, #tpu.memory_space<vmem>>, vector<1x16xf32>,
        %swap3A_239 = vector.shape_cast %swap3A_238 : vector<1x16xf32> to vector<16xf32>
        %swap3A_240 = vector.shape_cast %broadcast_in_dim3A_233 : vector<16xf32> to vector<1x16xf32>
        tpu.vector_store %arg6[%swap3A_236, %swap3A_237], %swap3A_240 {strides = array<i32>} : memref<128x128xf32, #tpu.memory_space<vmem>>, vector<1x16xf32>,
      }
      %scan3A_227 = arith.constant 8 : i32
    }
    %scan3A_3 = arith.constant 128 : i32
    %mul3A = arith.constant 632 : i32
    %mul3A_4 = arith.muli %arg1, %mul3A : i32
    %add3A = arith.constant 0 : i32
    %add3A_5 = arith.addi %mul3A_4, %add3A : i32
    "tpu.region"() ({
      %run_scoped3A = tpu.sem_alloc : memref<!tpu.dma_semaphore, #tpu.memory_space<semaphore_mem>>
      %dma_start3A_218 = arith.constant 0 : i32
      %dma_start3A_219 = arith.constant 0 : i32
      %dma_start3A_220 = tpu.memref_slice %arg6[%dma_start3A_218, %dma_start3A_219] : memref<128x128xf32, #tpu.memory_space<vmem>> -> memref<128x128xf32, #tpu.memory_space<vmem>>
      %dma_start3A_221 = arith.constant 0 : i32
      %dma_start3A_222 = tpu.memref_slice %arg12[%add3A_5, %dma_start3A_221] : memref<10112x128xf32, #tpu.memory_space<vmem_shared>> -> memref<128x128xf32, #tpu.memory_space<vmem_shared>>
      %dma_start3A_223 = arith.constant 0 : i32
      %dma_start3A_224 = tpu.memref_slice %arg12[%add3A_5, %dma_start3A_223] : memref<10112x128xf32, #tpu.memory_space<vmem_shared>> -> memref<128x128xf32, #tpu.memory_space<vmem_shared>>
      %dma_start3A_225 = arith.constant 0 : i32
      %dma_start3A_226 = arith.constant 0 : i32
      %dma_start3A_227 = tpu.memref_slice %arg6[%dma_start3A_225, %dma_start3A_226] : memref<128x128xf32, #tpu.memory_space<vmem>> -> memref<128x128xf32, #tpu.memory_space<vmem>>
      tpu.enqueue_dma source(%dma_start3A_227 : memref<128x128xf32, #tpu.memory_space<vmem>>) target(%dma_start3A_224 : memref<128x128xf32, #tpu.memory_space<vmem_shared>>) target_semaphore(%run_scoped3A : memref<!tpu.dma_semaphore, #tpu.memory_space<semaphore_mem>>)
      %dma_wait3A = arith.constant 0 : i32
      %dma_wait3A_228 = arith.constant 0 : i32
      %dma_wait3A_229 = tpu.memref_slice %arg6[%dma_wait3A, %dma_wait3A_228] : memref<128x128xf32, #tpu.memory_space<vmem>> -> memref<128x128xf32, #tpu.memory_space<vmem>>
      %dma_wait3A_230 = arith.constant 0 : i32
      %dma_wait3A_231 = tpu.memref_slice %arg12[%add3A_5, %dma_wait3A_230] : memref<10112x128xf32, #tpu.memory_space<vmem_shared>> -> memref<128x128xf32, #tpu.memory_space<vmem_shared>>
      %dma_wait3A_232 = arith.constant 0 : i32
      %dma_wait3A_233 = tpu.memref_slice %arg12[%add3A_5, %dma_wait3A_232] : memref<10112x128xf32, #tpu.memory_space<vmem_shared>> -> memref<128x128xf32, #tpu.memory_space<vmem_shared>>
      %dma_wait3A_234 = arith.constant 0 : i32
      %dma_wait3A_235 = arith.constant 0 : i32
      %dma_wait3A_236 = tpu.memref_slice %arg6[%dma_wait3A_234, %dma_wait3A_235] : memref<128x128xf32, #tpu.memory_space<vmem>> -> memref<128x128xf32, #tpu.memory_space<vmem>>
      tpu.wait_dma2 semaphore(%run_scoped3A : memref<!tpu.dma_semaphore, #tpu.memory_space<semaphore_mem>>) src(%dma_wait3A_236 : memref<128x128xf32, #tpu.memory_space<vmem>>) dst(%dma_wait3A_233 : memref<128x128xf32, #tpu.memory_space<vmem_shared>>)
      tpu.yield
    }) : () -> ()
    %mul3A_6 = arith.constant 632 : i32
    %mul3A_7 = arith.muli %arg1, %mul3A_6 : i32
    %add3A_8 = arith.constant 128 : i32
    %add3A_9 = arith.addi %mul3A_7, %add3A_8 : i32
    "tpu.region"() ({
      %run_scoped3A = tpu.sem_alloc : memref<!tpu.dma_semaphore, #tpu.memory_space<semaphore_mem>>
      %dma_start3A_218 = arith.constant 0 : i32
      %dma_start3A_219 = arith.constant 0 : i32
      %dma_start3A_220 = tpu.memref_slice %arg6[%dma_start3A_218, %dma_start3A_219] : memref<128x128xf32, #tpu.memory_space<vmem>> -> memref<128x128xf32, #tpu.memory_space<vmem>>
      %dma_start3A_221 = arith.constant 0 : i32
      %dma_start3A_222 = tpu.memref_slice %arg12[%add3A_9, %dma_start3A_221] : memref<10112x128xf32, #tpu.memory_space<vmem_shared>> -> memref<128x128xf32, #tpu.memory_space<vmem_shared>>
      %dma_start3A_223 = arith.constant 0 : i32
      %dma_start3A_224 = tpu.memref_slice %arg12[%add3A_9, %dma_start3A_223] : memref<10112x128xf32, #tpu.memory_space<vmem_shared>> -> memref<128x128xf32, #tpu.memory_space<vmem_shared>>
      %dma_start3A_225 = arith.constant 0 : i32
      %dma_start3A_226 = arith.constant 0 : i32
      %dma_start3A_227 = tpu.memref_slice %arg6[%dma_start3A_225, %dma_start3A_226] : memref<128x128xf32, #tpu.memory_space<vmem>> -> memref<128x128xf32, #tpu.memory_space<vmem>>
      tpu.enqueue_dma source(%dma_start3A_227 : memref<128x128xf32, #tpu.memory_space<vmem>>) target(%dma_start3A_224 : memref<128x128xf32, #tpu.memory_space<vmem_shared>>) target_semaphore(%run_scoped3A : memref<!tpu.dma_semaphore, #tpu.memory_space<semaphore_mem>>)
      %dma_wait3A = arith.constant 0 : i32
      %dma_wait3A_228 = arith.constant 0 : i32
      %dma_wait3A_229 = tpu.memref_slice %arg6[%dma_wait3A, %dma_wait3A_228] : memref<128x128xf32, #tpu.memory_space<vmem>> -> memref<128x128xf32, #tpu.memory_space<vmem>>
      %dma_wait3A_230 = arith.constant 0 : i32
      %dma_wait3A_231 = tpu.memref_slice %arg12[%add3A_9, %dma_wait3A_230] : memref<10112x128xf32, #tpu.memory_space<vmem_shared>> -> memref<128x128xf32, #tpu.memory_space<vmem_shared>>
      %dma_wait3A_232 = arith.constant 0 : i32
      %dma_wait3A_233 = tpu.memref_slice %arg12[%add3A_9, %dma_wait3A_232] : memref<10112x128xf32, #tpu.memory_space<vmem_shared>> -> memref<128x128xf32, #tpu.memory_space<vmem_shared>>
      %dma_wait3A_234 = arith.constant 0 : i32
      %dma_wait3A_235 = arith.constant 0 : i32
      %dma_wait3A_236 = tpu.memref_slice %arg6[%dma_wait3A_234, %dma_wait3A_235] : memref<128x128xf32, #tpu.memory_space<vmem>> -> memref<128x128xf32, #tpu.memory_space<vmem>>
      tpu.wait_dma2 semaphore(%run_scoped3A : memref<!tpu.dma_semaphore, #tpu.memory_space<semaphore_mem>>) src(%dma_wait3A_236 : memref<128x128xf32, #tpu.memory_space<vmem>>) dst(%dma_wait3A_233 : memref<128x128xf32, #tpu.memory_space<vmem_shared>>)
      tpu.yield
    }) : () -> ()
    %mul3A_10 = arith.constant 632 : i32
    %mul3A_11 = arith.muli %arg1, %mul3A_10 : i32
    %add3A_12 = arith.constant 256 : i32
    %add3A_13 = arith.addi %mul3A_11, %add3A_12 : i32
    "tpu.region"() ({
      %run_scoped3A = tpu.sem_alloc : memref<!tpu.dma_semaphore, #tpu.memory_space<semaphore_mem>>
      %dma_start3A_218 = arith.constant 0 : i32
      %dma_start3A_219 = arith.constant 0 : i32
      %dma_start3A_220 = tpu.memref_slice %arg6[%dma_start3A_218, %dma_start3A_219] : memref<128x128xf32, #tpu.memory_space<vmem>> -> memref<128x128xf32, #tpu.memory_space<vmem>>
      %dma_start3A_221 = arith.constant 0 : i32
      %dma_start3A_222 = tpu.memref_slice %arg12[%add3A_13, %dma_start3A_221] : memref<10112x128xf32, #tpu.memory_space<vmem_shared>> -> memref<128x128xf32, #tpu.memory_space<vmem_shared>>
      %dma_start3A_223 = arith.constant 0 : i32
      %dma_start3A_224 = tpu.memref_slice %arg12[%add3A_13, %dma_start3A_223] : memref<10112x128xf32, #tpu.memory_space<vmem_shared>> -> memref<128x128xf32, #tpu.memory_space<vmem_shared>>
      %dma_start3A_225 = arith.constant 0 : i32
      %dma_start3A_226 = arith.constant 0 : i32
      %dma_start3A_227 = tpu.memref_slice %arg6[%dma_start3A_225, %dma_start3A_226] : memref<128x128xf32, #tpu.memory_space<vmem>> -> memref<128x128xf32, #tpu.memory_space<vmem>>
      tpu.enqueue_dma source(%dma_start3A_227 : memref<128x128xf32, #tpu.memory_space<vmem>>) target(%dma_start3A_224 : memref<128x128xf32, #tpu.memory_space<vmem_shared>>) target_semaphore(%run_scoped3A : memref<!tpu.dma_semaphore, #tpu.memory_space<semaphore_mem>>)
      %dma_wait3A = arith.constant 0 : i32
      %dma_wait3A_228 = arith.constant 0 : i32
      %dma_wait3A_229 = tpu.memref_slice %arg6[%dma_wait3A, %dma_wait3A_228] : memref<128x128xf32, #tpu.memory_space<vmem>> -> memref<128x128xf32, #tpu.memory_space<vmem>>
      %dma_wait3A_230 = arith.constant 0 : i32
      %dma_wait3A_231 = tpu.memref_slice %arg12[%add3A_13, %dma_wait3A_230] : memref<10112x128xf32, #tpu.memory_space<vmem_shared>> -> memref<128x128xf32, #tpu.memory_space<vmem_shared>>
      %dma_wait3A_232 = arith.constant 0 : i32
      %dma_wait3A_233 = tpu.memref_slice %arg12[%add3A_13, %dma_wait3A_232] : memref<10112x128xf32, #tpu.memory_space<vmem_shared>> -> memref<128x128xf32, #tpu.memory_space<vmem_shared>>
      %dma_wait3A_234 = arith.constant 0 : i32
      %dma_wait3A_235 = arith.constant 0 : i32
      %dma_wait3A_236 = tpu.memref_slice %arg6[%dma_wait3A_234, %dma_wait3A_235] : memref<128x128xf32, #tpu.memory_space<vmem>> -> memref<128x128xf32, #tpu.memory_space<vmem>>
      tpu.wait_dma2 semaphore(%run_scoped3A : memref<!tpu.dma_semaphore, #tpu.memory_space<semaphore_mem>>) src(%dma_wait3A_236 : memref<128x128xf32, #tpu.memory_space<vmem>>) dst(%dma_wait3A_233 : memref<128x128xf32, #tpu.memory_space<vmem_shared>>)
      tpu.yield
    }) : () -> ()
    %mul3A_14 = arith.constant 632 : i32
    %mul3A_15 = arith.muli %arg1, %mul3A_14 : i32
    %add3A_16 = arith.constant 384 : i32
    %add3A_17 = arith.addi %mul3A_15, %add3A_16 : i32
    "tpu.region"() ({
      %run_scoped3A = tpu.sem_alloc : memref<!tpu.dma_semaphore, #tpu.memory_space<semaphore_mem>>
      %dma_start3A_218 = arith.constant 0 : i32
      %dma_start3A_219 = arith.constant 0 : i32
      %dma_start3A_220 = tpu.memref_slice %arg6[%dma_start3A_218, %dma_start3A_219] : memref<128x128xf32, #tpu.memory_space<vmem>> -> memref<128x128xf32, #tpu.memory_space<vmem>>
      %dma_start3A_221 = arith.constant 0 : i32
      %dma_start3A_222 = tpu.memref_slice %arg12[%add3A_17, %dma_start3A_221] : memref<10112x128xf32, #tpu.memory_space<vmem_shared>> -> memref<128x128xf32, #tpu.memory_space<vmem_shared>>
      %dma_start3A_223 = arith.constant 0 : i32
      %dma_start3A_224 = tpu.memref_slice %arg12[%add3A_17, %dma_start3A_223] : memref<10112x128xf32, #tpu.memory_space<vmem_shared>> -> memref<128x128xf32, #tpu.memory_space<vmem_shared>>
      %dma_start3A_225 = arith.constant 0 : i32
      %dma_start3A_226 = arith.constant 0 : i32
      %dma_start3A_227 = tpu.memref_slice %arg6[%dma_start3A_225, %dma_start3A_226] : memref<128x128xf32, #tpu.memory_space<vmem>> -> memref<128x128xf32, #tpu.memory_space<vmem>>
      tpu.enqueue_dma source(%dma_start3A_227 : memref<128x128xf32, #tpu.memory_space<vmem>>) target(%dma_start3A_224 : memref<128x128xf32, #tpu.memory_space<vmem_shared>>) target_semaphore(%run_scoped3A : memref<!tpu.dma_semaphore, #tpu.memory_space<semaphore_mem>>)
      %dma_wait3A = arith.constant 0 : i32
      %dma_wait3A_228 = arith.constant 0 : i32
      %dma_wait3A_229 = tpu.memref_slice %arg6[%dma_wait3A, %dma_wait3A_228] : memref<128x128xf32, #tpu.memory_space<vmem>> -> memref<128x128xf32, #tpu.memory_space<vmem>>
      %dma_wait3A_230 = arith.constant 0 : i32
      %dma_wait3A_231 = tpu.memref_slice %arg12[%add3A_17, %dma_wait3A_230] : memref<10112x128xf32, #tpu.memory_space<vmem_shared>> -> memref<128x128xf32, #tpu.memory_space<vmem_shared>>
      %dma_wait3A_232 = arith.constant 0 : i32
      %dma_wait3A_233 = tpu.memref_slice %arg12[%add3A_17, %dma_wait3A_232] : memref<10112x128xf32, #tpu.memory_space<vmem_shared>> -> memref<128x128xf32, #tpu.memory_space<vmem_shared>>
      %dma_wait3A_234 = arith.constant 0 : i32
      %dma_wait3A_235 = arith.constant 0 : i32
      %dma_wait3A_236 = tpu.memref_slice %arg6[%dma_wait3A_234, %dma_wait3A_235] : memref<128x128xf32, #tpu.memory_space<vmem>> -> memref<128x128xf32, #tpu.memory_space<vmem>>
      tpu.wait_dma2 semaphore(%run_scoped3A : memref<!tpu.dma_semaphore, #tpu.memory_space<semaphore_mem>>) src(%dma_wait3A_236 : memref<128x128xf32, #tpu.memory_space<vmem>>) dst(%dma_wait3A_233 : memref<128x128xf32, #tpu.memory_space<vmem_shared>>)
      tpu.yield
    }) : () -> ()
    %mul3A_18 = arith.constant 632 : i32
    %mul3A_19 = arith.muli %arg1, %mul3A_18 : i32
    %add3A_20 = arith.constant 512 : i32
    %add3A_21 = arith.addi %mul3A_19, %add3A_20 : i32
    "tpu.region"() ({
      %run_scoped3A = tpu.sem_alloc : memref<!tpu.dma_semaphore, #tpu.memory_space<semaphore_mem>>
      %dma_start3A_218 = arith.constant 0 : i32
      %dma_start3A_219 = arith.constant 0 : i32
      %dma_start3A_220 = tpu.memref_slice %arg6[%dma_start3A_218, %dma_start3A_219] : memref<128x128xf32, #tpu.memory_space<vmem>> -> memref<120x128xf32, #tpu.memory_space<vmem>>
      %dma_start3A_221 = arith.constant 0 : i32
      %dma_start3A_222 = tpu.memref_slice %arg12[%add3A_21, %dma_start3A_221] : memref<10112x128xf32, #tpu.memory_space<vmem_shared>> -> memref<120x128xf32, #tpu.memory_space<vmem_shared>>
      %dma_start3A_223 = arith.constant 0 : i32
      %dma_start3A_224 = tpu.memref_slice %arg12[%add3A_21, %dma_start3A_223] : memref<10112x128xf32, #tpu.memory_space<vmem_shared>> -> memref<120x128xf32, #tpu.memory_space<vmem_shared>>
      %dma_start3A_225 = arith.constant 0 : i32
      %dma_start3A_226 = arith.constant 0 : i32
      %dma_start3A_227 = tpu.memref_slice %arg6[%dma_start3A_225, %dma_start3A_226] : memref<128x128xf32, #tpu.memory_space<vmem>> -> memref<120x128xf32, #tpu.memory_space<vmem>>
      tpu.enqueue_dma source(%dma_start3A_227 : memref<120x128xf32, #tpu.memory_space<vmem>>) target(%dma_start3A_224 : memref<120x128xf32, #tpu.memory_space<vmem_shared>>) target_semaphore(%run_scoped3A : memref<!tpu.dma_semaphore, #tpu.memory_space<semaphore_mem>>)
      %dma_wait3A = arith.constant 0 : i32
      %dma_wait3A_228 = arith.constant 0 : i32
      %dma_wait3A_229 = tpu.memref_slice %arg6[%dma_wait3A, %dma_wait3A_228] : memref<128x128xf32, #tpu.memory_space<vmem>> -> memref<120x128xf32, #tpu.memory_space<vmem>>
      %dma_wait3A_230 = arith.constant 0 : i32
      %dma_wait3A_231 = tpu.memref_slice %arg12[%add3A_21, %dma_wait3A_230] : memref<10112x128xf32, #tpu.memory_space<vmem_shared>> -> memref<120x128xf32, #tpu.memory_space<vmem_shared>>
      %dma_wait3A_232 = arith.constant 0 : i32
      %dma_wait3A_233 = tpu.memref_slice %arg12[%add3A_21, %dma_wait3A_232] : memref<10112x128xf32, #tpu.memory_space<vmem_shared>> -> memref<120x128xf32, #tpu.memory_space<vmem_shared>>
      %dma_wait3A_234 = arith.constant 0 : i32
      %dma_wait3A_235 = arith.constant 0 : i32
      %dma_wait3A_236 = tpu.memref_slice %arg6[%dma_wait3A_234, %dma_wait3A_235] : memref<128x128xf32, #tpu.memory_space<vmem>> -> memref<120x128xf32, #tpu.memory_space<vmem>>
      tpu.wait_dma2 semaphore(%run_scoped3A : memref<!tpu.dma_semaphore, #tpu.memory_space<semaphore_mem>>) src(%dma_wait3A_236 : memref<120x128xf32, #tpu.memory_space<vmem>>) dst(%dma_wait3A_233 : memref<120x128xf32, #tpu.memory_space<vmem_shared>>)
      tpu.yield
    }) : () -> ()
    %barrier3A = arith.constant 0 : index
    tpu.barrier barrier_id(%barrier3A)
    %get3A = arith.constant 0 : i32
    %get3A_22 = arith.index_cast %get3A : i32 to index
    %get3A_23 = arith.constant 0 : index
    %get3A_24 = tpu.vector_load %arg5[%get3A_22, %get3A_23] {strides = array<i32>} : memref<80x128xi32, #tpu.memory_space<vmem>>, vector<1x16xi32>,
    %get3A_25 = vector.shape_cast %get3A_24 : vector<1x16xi32> to vector<16xi32>
    %and3A = arith.constant 16383 : i32
    %and3A_26 = vector.broadcast %and3A : i32 to vector<16xi32>
    %and3A_27 = arith.andi %get3A_25, %and3A_26 : vector<16xi32>
    %swap3A = arith.constant 0 : index
    %swap3A_28 = tpu.vector_load %arg8[%swap3A] {strides = array<i32>} : memref<128xi32, #tpu.memory_space<vmem>>, vector<16xi32>,
    %swap3A_29 = vector.shape_cast %swap3A_28 : vector<16xi32> to vector<16xi32>
    %swap3A_30 = vector.shape_cast %and3A_27 : vector<16xi32> to vector<16xi32>
    tpu.vector_store %arg8[%swap3A], %swap3A_30 {strides = array<i32>} : memref<128xi32, #tpu.memory_space<vmem>>, vector<16xi32>,
    %shift_right_logical3A = arith.constant 14 : i32
    %shift_right_logical3A_31 = vector.broadcast %shift_right_logical3A : i32 to vector<16xi32>
    %shift_right_logical3A_32 = arith.shrui %get3A_25, %shift_right_logical3A_31 : vector<16xi32>
    %swap3A_33 = arith.constant 0 : index
    %swap3A_34 = tpu.vector_load %arg10[%swap3A_33] {strides = array<i32>} : memref<128xi32, #tpu.memory_space<vmem>>, vector<16xi32>,
    %swap3A_35 = vector.shape_cast %swap3A_34 : vector<16xi32> to vector<16xi32>
    %swap3A_36 = vector.shape_cast %shift_right_logical3A_32 : vector<16xi32> to vector<16xi32>
    tpu.vector_store %arg10[%swap3A_33], %swap3A_36 {strides = array<i32>} : memref<128xi32, #tpu.memory_space<vmem>>, vector<16xi32>,
    %get3A_37 = arith.constant 0 : i32
    %get3A_38 = arith.index_cast %get3A_37 : i32 to index
    %get3A_39 = arith.constant 16 : index
    %get3A_40 = tpu.vector_load %arg5[%get3A_38, %get3A_39] {strides = array<i32>} : memref<80x128xi32, #tpu.memory_space<vmem>>, vector<1x16xi32>,
    %get3A_41 = vector.shape_cast %get3A_40 : vector<1x16xi32> to vector<16xi32>
    %and3A_42 = arith.constant 16383 : i32
    %and3A_43 = vector.broadcast %and3A_42 : i32 to vector<16xi32>
    %and3A_44 = arith.andi %get3A_41, %and3A_43 : vector<16xi32>
    %swap3A_45 = arith.constant 16 : index
    %swap3A_46 = tpu.vector_load %arg8[%swap3A_45] {strides = array<i32>} : memref<128xi32, #tpu.memory_space<vmem>>, vector<16xi32>,
    %swap3A_47 = vector.shape_cast %swap3A_46 : vector<16xi32> to vector<16xi32>
    %swap3A_48 = vector.shape_cast %and3A_44 : vector<16xi32> to vector<16xi32>
    tpu.vector_store %arg8[%swap3A_45], %swap3A_48 {strides = array<i32>} : memref<128xi32, #tpu.memory_space<vmem>>, vector<16xi32>,
    %shift_right_logical3A_49 = arith.constant 14 : i32
    %shift_right_logical3A_50 = vector.broadcast %shift_right_logical3A_49 : i32 to vector<16xi32>
    %shift_right_logical3A_51 = arith.shrui %get3A_41, %shift_right_logical3A_50 : vector<16xi32>
    %swap3A_52 = arith.constant 16 : index
    %swap3A_53 = tpu.vector_load %arg10[%swap3A_52] {strides = array<i32>} : memref<128xi32, #tpu.memory_space<vmem>>, vector<16xi32>,
    %swap3A_54 = vector.shape_cast %swap3A_53 : vector<16xi32> to vector<16xi32>
    %swap3A_55 = vector.shape_cast %shift_right_logical3A_51 : vector<16xi32> to vector<16xi32>
    tpu.vector_store %arg10[%swap3A_52], %swap3A_55 {strides = array<i32>} : memref<128xi32, #tpu.memory_space<vmem>>, vector<16xi32>,
    %get3A_56 = arith.constant 0 : i32
    %get3A_57 = arith.index_cast %get3A_56 : i32 to index
    %get3A_58 = arith.constant 32 : index
    %get3A_59 = tpu.vector_load %arg5[%get3A_57, %get3A_58] {strides = array<i32>} : memref<80x128xi32, #tpu.memory_space<vmem>>, vector<1x16xi32>,
    %get3A_60 = vector.shape_cast %get3A_59 : vector<1x16xi32> to vector<16xi32>
    %and3A_61 = arith.constant 16383 : i32
    %and3A_62 = vector.broadcast %and3A_61 : i32 to vector<16xi32>
    %and3A_63 = arith.andi %get3A_60, %and3A_62 : vector<16xi32>
    %swap3A_64 = arith.constant 32 : index
    %swap3A_65 = tpu.vector_load %arg8[%swap3A_64] {strides = array<i32>} : memref<128xi32, #tpu.memory_space<vmem>>, vector<16xi32>,
    %swap3A_66 = vector.shape_cast %swap3A_65 : vector<16xi32> to vector<16xi32>
    %swap3A_67 = vector.shape_cast %and3A_63 : vector<16xi32> to vector<16xi32>
    tpu.vector_store %arg8[%swap3A_64], %swap3A_67 {strides = array<i32>} : memref<128xi32, #tpu.memory_space<vmem>>, vector<16xi32>,
    %shift_right_logical3A_68 = arith.constant 14 : i32
    %shift_right_logical3A_69 = vector.broadcast %shift_right_logical3A_68 : i32 to vector<16xi32>
    %shift_right_logical3A_70 = arith.shrui %get3A_60, %shift_right_logical3A_69 : vector<16xi32>
    %swap3A_71 = arith.constant 32 : index
    %swap3A_72 = tpu.vector_load %arg10[%swap3A_71] {strides = array<i32>} : memref<128xi32, #tpu.memory_space<vmem>>, vector<16xi32>,
    %swap3A_73 = vector.shape_cast %swap3A_72 : vector<16xi32> to vector<16xi32>
    %swap3A_74 = vector.shape_cast %shift_right_logical3A_70 : vector<16xi32> to vector<16xi32>
    tpu.vector_store %arg10[%swap3A_71], %swap3A_74 {strides = array<i32>} : memref<128xi32, #tpu.memory_space<vmem>>, vector<16xi32>,
    %get3A_75 = arith.constant 0 : i32
    %get3A_76 = arith.index_cast %get3A_75 : i32 to index
    %get3A_77 = arith.constant 48 : index
    %get3A_78 = tpu.vector_load %arg5[%get3A_76, %get3A_77] {strides = array<i32>} : memref<80x128xi32, #tpu.memory_space<vmem>>, vector<1x16xi32>,
    %get3A_79 = vector.shape_cast %get3A_78 : vector<1x16xi32> to vector<16xi32>
    %and3A_80 = arith.constant 16383 : i32
    %and3A_81 = vector.broadcast %and3A_80 : i32 to vector<16xi32>
    %and3A_82 = arith.andi %get3A_79, %and3A_81 : vector<16xi32>
    %swap3A_83 = arith.constant 48 : index
    %swap3A_84 = tpu.vector_load %arg8[%swap3A_83] {strides = array<i32>} : memref<128xi32, #tpu.memory_space<vmem>>, vector<16xi32>,
    %swap3A_85 = vector.shape_cast %swap3A_84 : vector<16xi32> to vector<16xi32>
    %swap3A_86 = vector.shape_cast %and3A_82 : vector<16xi32> to vector<16xi32>
    tpu.vector_store %arg8[%swap3A_83], %swap3A_86 {strides = array<i32>} : memref<128xi32, #tpu.memory_space<vmem>>, vector<16xi32>,
    %shift_right_logical3A_87 = arith.constant 14 : i32
    %shift_right_logical3A_88 = vector.broadcast %shift_right_logical3A_87 : i32 to vector<16xi32>
    %shift_right_logical3A_89 = arith.shrui %get3A_79, %shift_right_logical3A_88 : vector<16xi32>
    %swap3A_90 = arith.constant 48 : index
    %swap3A_91 = tpu.vector_load %arg10[%swap3A_90] {strides = array<i32>} : memref<128xi32, #tpu.memory_space<vmem>>, vector<16xi32>,
    %swap3A_92 = vector.shape_cast %swap3A_91 : vector<16xi32> to vector<16xi32>
    %swap3A_93 = vector.shape_cast %shift_right_logical3A_89 : vector<16xi32> to vector<16xi32>
    tpu.vector_store %arg10[%swap3A_90], %swap3A_93 {strides = array<i32>} : memref<128xi32, #tpu.memory_space<vmem>>, vector<16xi32>,
    %get3A_94 = arith.constant 0 : i32
    %get3A_95 = arith.index_cast %get3A_94 : i32 to index
    %get3A_96 = arith.constant 64 : index
    %get3A_97 = tpu.vector_load %arg5[%get3A_95, %get3A_96] {strides = array<i32>} : memref<80x128xi32, #tpu.memory_space<vmem>>, vector<1x16xi32>,
    %get3A_98 = vector.shape_cast %get3A_97 : vector<1x16xi32> to vector<16xi32>
    %and3A_99 = arith.constant 16383 : i32
    %and3A_100 = vector.broadcast %and3A_99 : i32 to vector<16xi32>
    %and3A_101 = arith.andi %get3A_98, %and3A_100 : vector<16xi32>
    %swap3A_102 = arith.constant 64 : index
    %swap3A_103 = tpu.vector_load %arg8[%swap3A_102] {strides = array<i32>} : memref<128xi32, #tpu.memory_space<vmem>>, vector<16xi32>,
    %swap3A_104 = vector.shape_cast %swap3A_103 : vector<16xi32> to vector<16xi32>
    %swap3A_105 = vector.shape_cast %and3A_101 : vector<16xi32> to vector<16xi32>
    tpu.vector_store %arg8[%swap3A_102], %swap3A_105 {strides = array<i32>} : memref<128xi32, #tpu.memory_space<vmem>>, vector<16xi32>,
    %shift_right_logical3A_106 = arith.constant 14 : i32
    %shift_right_logical3A_107 = vector.broadcast %shift_right_logical3A_106 : i32 to vector<16xi32>
    %shift_right_logical3A_108 = arith.shrui %get3A_98, %shift_right_logical3A_107 : vector<16xi32>
    %swap3A_109 = arith.constant 64 : index
    %swap3A_110 = tpu.vector_load %arg10[%swap3A_109] {strides = array<i32>} : memref<128xi32, #tpu.memory_space<vmem>>, vector<16xi32>,
    %swap3A_111 = vector.shape_cast %swap3A_110 : vector<16xi32> to vector<16xi32>
    %swap3A_112 = vector.shape_cast %shift_right_logical3A_108 : vector<16xi32> to vector<16xi32>
    tpu.vector_store %arg10[%swap3A_109], %swap3A_112 {strides = array<i32>} : memref<128xi32, #tpu.memory_space<vmem>>, vector<16xi32>,
    %get3A_113 = arith.constant 0 : i32
    %get3A_114 = arith.index_cast %get3A_113 : i32 to index
    %get3A_115 = arith.constant 80 : index
    %get3A_116 = tpu.vector_load %arg5[%get3A_114, %get3A_115] {strides = array<i32>} : memref<80x128xi32, #tpu.memory_space<vmem>>, vector<1x16xi32>,
    %get3A_117 = vector.shape_cast %get3A_116 : vector<1x16xi32> to vector<16xi32>
    %and3A_118 = arith.constant 16383 : i32
    %and3A_119 = vector.broadcast %and3A_118 : i32 to vector<16xi32>
    %and3A_120 = arith.andi %get3A_117, %and3A_119 : vector<16xi32>
    %swap3A_121 = arith.constant 80 : index
    %swap3A_122 = tpu.vector_load %arg8[%swap3A_121] {strides = array<i32>} : memref<128xi32, #tpu.memory_space<vmem>>, vector<16xi32>,
    %swap3A_123 = vector.shape_cast %swap3A_122 : vector<16xi32> to vector<16xi32>
    %swap3A_124 = vector.shape_cast %and3A_120 : vector<16xi32> to vector<16xi32>
    tpu.vector_store %arg8[%swap3A_121], %swap3A_124 {strides = array<i32>} : memref<128xi32, #tpu.memory_space<vmem>>, vector<16xi32>,
    %shift_right_logical3A_125 = arith.constant 14 : i32
    %shift_right_logical3A_126 = vector.broadcast %shift_right_logical3A_125 : i32 to vector<16xi32>
    %shift_right_logical3A_127 = arith.shrui %get3A_117, %shift_right_logical3A_126 : vector<16xi32>
    %swap3A_128 = arith.constant 80 : index
    %swap3A_129 = tpu.vector_load %arg10[%swap3A_128] {strides = array<i32>} : memref<128xi32, #tpu.memory_space<vmem>>, vector<16xi32>,
    %swap3A_130 = vector.shape_cast %swap3A_129 : vector<16xi32> to vector<16xi32>
    %swap3A_131 = vector.shape_cast %shift_right_logical3A_127 : vector<16xi32> to vector<16xi32>
    tpu.vector_store %arg10[%swap3A_128], %swap3A_131 {strides = array<i32>} : memref<128xi32, #tpu.memory_space<vmem>>, vector<16xi32>,
    %get3A_132 = arith.constant 0 : i32
    %get3A_133 = arith.index_cast %get3A_132 : i32 to index
    %get3A_134 = arith.constant 96 : index
    %get3A_135 = tpu.vector_load %arg5[%get3A_133, %get3A_134] {strides = array<i32>} : memref<80x128xi32, #tpu.memory_space<vmem>>, vector<1x16xi32>,
    %get3A_136 = vector.shape_cast %get3A_135 : vector<1x16xi32> to vector<16xi32>
    %and3A_137 = arith.constant 16383 : i32
    %and3A_138 = vector.broadcast %and3A_137 : i32 to vector<16xi32>
    %and3A_139 = arith.andi %get3A_136, %and3A_138 : vector<16xi32>
    %swap3A_140 = arith.constant 96 : index
    %swap3A_141 = tpu.vector_load %arg8[%swap3A_140] {strides = array<i32>} : memref<128xi32, #tpu.memory_space<vmem>>, vector<16xi32>,
    %swap3A_142 = vector.shape_cast %swap3A_141 : vector<16xi32> to vector<16xi32>
    %swap3A_143 = vector.shape_cast %and3A_139 : vector<16xi32> to vector<16xi32>
    tpu.vector_store %arg8[%swap3A_140], %swap3A_143 {strides = array<i32>} : memref<128xi32, #tpu.memory_space<vmem>>, vector<16xi32>,
    %shift_right_logical3A_144 = arith.constant 14 : i32
    %shift_right_logical3A_145 = vector.broadcast %shift_right_logical3A_144 : i32 to vector<16xi32>
    %shift_right_logical3A_146 = arith.shrui %get3A_136, %shift_right_logical3A_145 : vector<16xi32>
    %swap3A_147 = arith.constant 96 : index
    %swap3A_148 = tpu.vector_load %arg10[%swap3A_147] {strides = array<i32>} : memref<128xi32, #tpu.memory_space<vmem>>, vector<16xi32>,
    %swap3A_149 = vector.shape_cast %swap3A_148 : vector<16xi32> to vector<16xi32>
    %swap3A_150 = vector.shape_cast %shift_right_logical3A_146 : vector<16xi32> to vector<16xi32>
    tpu.vector_store %arg10[%swap3A_147], %swap3A_150 {strides = array<i32>} : memref<128xi32, #tpu.memory_space<vmem>>, vector<16xi32>,
    %get3A_151 = arith.constant 0 : i32
    %get3A_152 = arith.index_cast %get3A_151 : i32 to index
    %get3A_153 = arith.constant 112 : index
    %get3A_154 = tpu.vector_load %arg5[%get3A_152, %get3A_153] {strides = array<i32>} : memref<80x128xi32, #tpu.memory_space<vmem>>, vector<1x16xi32>,
    %get3A_155 = vector.shape_cast %get3A_154 : vector<1x16xi32> to vector<16xi32>
    %and3A_156 = arith.constant 16383 : i32
    %and3A_157 = vector.broadcast %and3A_156 : i32 to vector<16xi32>
    %and3A_158 = arith.andi %get3A_155, %and3A_157 : vector<16xi32>
    %swap3A_159 = arith.constant 112 : index
    %swap3A_160 = tpu.vector_load %arg8[%swap3A_159] {strides = array<i32>} : memref<128xi32, #tpu.memory_space<vmem>>, vector<16xi32>,
    %swap3A_161 = vector.shape_cast %swap3A_160 : vector<16xi32> to vector<16xi32>
    %swap3A_162 = vector.shape_cast %and3A_158 : vector<16xi32> to vector<16xi32>
    tpu.vector_store %arg8[%swap3A_159], %swap3A_162 {strides = array<i32>} : memref<128xi32, #tpu.memory_space<vmem>>, vector<16xi32>,
    %shift_right_logical3A_163 = arith.constant 14 : i32
    %shift_right_logical3A_164 = vector.broadcast %shift_right_logical3A_163 : i32 to vector<16xi32>
    %shift_right_logical3A_165 = arith.shrui %get3A_155, %shift_right_logical3A_164 : vector<16xi32>
    %swap3A_166 = arith.constant 112 : index
    %swap3A_167 = tpu.vector_load %arg10[%swap3A_166] {strides = array<i32>} : memref<128xi32, #tpu.memory_space<vmem>>, vector<16xi32>,
    %swap3A_168 = vector.shape_cast %swap3A_167 : vector<16xi32> to vector<16xi32>
    %swap3A_169 = vector.shape_cast %shift_right_logical3A_165 : vector<16xi32> to vector<16xi32>
    tpu.vector_store %arg10[%swap3A_166], %swap3A_169 {strides = array<i32>} : memref<128xi32, #tpu.memory_space<vmem>>, vector<16xi32>,
    %dma_start3A = arith.constant 0 : i32
    %dma_start3A_170 = arith.constant 0 : i32
    %dma_start3A_171 = tpu.memref_slice %arg2[%dma_start3A, %dma_start3A_170] : memref<10000x128xf32, #tpu.memory_space<hbm>> -> memref<10000x128xf32, #tpu.memory_space<hbm>>
    tpu.enqueue_indirect_dma source(%dma_start3A_171 : memref<10000x128xf32, #tpu.memory_space<hbm>>) target(%arg6 : memref<128x128xf32, #tpu.memory_space<vmem>>) offsets(%arg8 : memref<128xi32, #tpu.memory_space<vmem>>) semaphore(%arg13 : memref<!tpu.dma_semaphore, #tpu.memory_space<semaphore_mem>>)
    %scan3A_172 = arith.constant 0 : i32
    %scan3A_173 = arith.constant 40 : i32
    %scan3A_174 = arith.addi %scan3A_172, %scan3A_173 : i32
    %scan3A_175 = arith.constant 1 : i32
    scf.for %scan3A_218 = %scan3A_172 to %scan3A_174 step %scan3A_175  : i32 {
      %mul3A_219 = arith.constant 2 : i32
      %mul3A_220 = arith.muli %scan3A_218, %mul3A_219 : i32
      %add3A_221 = arith.constant 0 : i32
      %add3A_222 = arith.addi %add3A_221, %mul3A_220 : i32
      %add3A_223 = arith.constant 1 : i32
      %add3A_224 = arith.addi %add3A_222, %add3A_223 : i32
      %get3A_225 = arith.index_cast %add3A_224 : i32 to index
      %get3A_226 = arith.constant 0 : index
      %get3A_227 = tpu.vector_load %arg5[%get3A_225, %get3A_226] {strides = array<i32>} : memref<80x128xi32, #tpu.memory_space<vmem>>, vector<1x16xi32>,
      %get3A_228 = vector.shape_cast %get3A_227 : vector<1x16xi32> to vector<16xi32>
      %and3A_229 = arith.constant 16383 : i32
      %and3A_230 = vector.broadcast %and3A_229 : i32 to vector<16xi32>
      %and3A_231 = arith.andi %get3A_228, %and3A_230 : vector<16xi32>
      %swap3A_232 = arith.constant 0 : index
      %swap3A_233 = tpu.vector_load %arg9[%swap3A_232] {strides = array<i32>} : memref<128xi32, #tpu.memory_space<vmem>>, vector<16xi32>,
      %swap3A_234 = vector.shape_cast %swap3A_233 : vector<16xi32> to vector<16xi32>
      %swap3A_235 = vector.shape_cast %and3A_231 : vector<16xi32> to vector<16xi32>
      tpu.vector_store %arg9[%swap3A_232], %swap3A_235 {strides = array<i32>} : memref<128xi32, #tpu.memory_space<vmem>>, vector<16xi32>,
      %shift_right_logical3A_236 = arith.constant 14 : i32
      %shift_right_logical3A_237 = vector.broadcast %shift_right_logical3A_236 : i32 to vector<16xi32>
      %shift_right_logical3A_238 = arith.shrui %get3A_228, %shift_right_logical3A_237 : vector<16xi32>
      %swap3A_239 = arith.constant 0 : index
      %swap3A_240 = tpu.vector_load %arg11[%swap3A_239] {strides = array<i32>} : memref<128xi32, #tpu.memory_space<vmem>>, vector<16xi32>,
      %swap3A_241 = vector.shape_cast %swap3A_240 : vector<16xi32> to vector<16xi32>
      %swap3A_242 = vector.shape_cast %shift_right_logical3A_238 : vector<16xi32> to vector<16xi32>
      tpu.vector_store %arg11[%swap3A_239], %swap3A_242 {strides = array<i32>} : memref<128xi32, #tpu.memory_space<vmem>>, vector<16xi32>,
      %get3A_243 = arith.index_cast %add3A_224 : i32 to index
      %get3A_244 = arith.constant 16 : index
      %get3A_245 = tpu.vector_load %arg5[%get3A_243, %get3A_244] {strides = array<i32>} : memref<80x128xi32, #tpu.memory_space<vmem>>, vector<1x16xi32>,
      %get3A_246 = vector.shape_cast %get3A_245 : vector<1x16xi32> to vector<16xi32>
      %and3A_247 = arith.constant 16383 : i32
      %and3A_248 = vector.broadcast %and3A_247 : i32 to vector<16xi32>
      %and3A_249 = arith.andi %get3A_246, %and3A_248 : vector<16xi32>
      %swap3A_250 = arith.constant 16 : index
      %swap3A_251 = tpu.vector_load %arg9[%swap3A_250] {strides = array<i32>} : memref<128xi32, #tpu.memory_space<vmem>>, vector<16xi32>,
      %swap3A_252 = vector.shape_cast %swap3A_251 : vector<16xi32> to vector<16xi32>
      %swap3A_253 = vector.shape_cast %and3A_249 : vector<16xi32> to vector<16xi32>
      tpu.vector_store %arg9[%swap3A_250], %swap3A_253 {strides = array<i32>} : memref<128xi32, #tpu.memory_space<vmem>>, vector<16xi32>,
      %shift_right_logical3A_254 = arith.constant 14 : i32
      %shift_right_logical3A_255 = vector.broadcast %shift_right_logical3A_254 : i32 to vector<16xi32>
      %shift_right_logical3A_256 = arith.shrui %get3A_246, %shift_right_logical3A_255 : vector<16xi32>
      %swap3A_257 = arith.constant 16 : index
      %swap3A_258 = tpu.vector_load %arg11[%swap3A_257] {strides = array<i32>} : memref<128xi32, #tpu.memory_space<vmem>>, vector<16xi32>,
      %swap3A_259 = vector.shape_cast %swap3A_258 : vector<16xi32> to vector<16xi32>
      %swap3A_260 = vector.shape_cast %shift_right_logical3A_256 : vector<16xi32> to vector<16xi32>
      tpu.vector_store %arg11[%swap3A_257], %swap3A_260 {strides = array<i32>} : memref<128xi32, #tpu.memory_space<vmem>>, vector<16xi32>,
      %get3A_261 = arith.index_cast %add3A_224 : i32 to index
      %get3A_262 = arith.constant 32 : index
      %get3A_263 = tpu.vector_load %arg5[%get3A_261, %get3A_262] {strides = array<i32>} : memref<80x128xi32, #tpu.memory_space<vmem>>, vector<1x16xi32>,
      %get3A_264 = vector.shape_cast %get3A_263 : vector<1x16xi32> to vector<16xi32>
      %and3A_265 = arith.constant 16383 : i32
      %and3A_266 = vector.broadcast %and3A_265 : i32 to vector<16xi32>
      %and3A_267 = arith.andi %get3A_264, %and3A_266 : vector<16xi32>
      %swap3A_268 = arith.constant 32 : index
      %swap3A_269 = tpu.vector_load %arg9[%swap3A_268] {strides = array<i32>} : memref<128xi32, #tpu.memory_space<vmem>>, vector<16xi32>,
      %swap3A_270 = vector.shape_cast %swap3A_269 : vector<16xi32> to vector<16xi32>
      %swap3A_271 = vector.shape_cast %and3A_267 : vector<16xi32> to vector<16xi32>
      tpu.vector_store %arg9[%swap3A_268], %swap3A_271 {strides = array<i32>} : memref<128xi32, #tpu.memory_space<vmem>>, vector<16xi32>,
      %shift_right_logical3A_272 = arith.constant 14 : i32
      %shift_right_logical3A_273 = vector.broadcast %shift_right_logical3A_272 : i32 to vector<16xi32>
      %shift_right_logical3A_274 = arith.shrui %get3A_264, %shift_right_logical3A_273 : vector<16xi32>
      %swap3A_275 = arith.constant 32 : index
      %swap3A_276 = tpu.vector_load %arg11[%swap3A_275] {strides = array<i32>} : memref<128xi32, #tpu.memory_space<vmem>>, vector<16xi32>,
      %swap3A_277 = vector.shape_cast %swap3A_276 : vector<16xi32> to vector<16xi32>
      %swap3A_278 = vector.shape_cast %shift_right_logical3A_274 : vector<16xi32> to vector<16xi32>
      tpu.vector_store %arg11[%swap3A_275], %swap3A_278 {strides = array<i32>} : memref<128xi32, #tpu.memory_space<vmem>>, vector<16xi32>,
      %get3A_279 = arith.index_cast %add3A_224 : i32 to index
      %get3A_280 = arith.constant 48 : index
      %get3A_281 = tpu.vector_load %arg5[%get3A_279, %get3A_280] {strides = array<i32>} : memref<80x128xi32, #tpu.memory_space<vmem>>, vector<1x16xi32>,
      %get3A_282 = vector.shape_cast %get3A_281 : vector<1x16xi32> to vector<16xi32>
      %and3A_283 = arith.constant 16383 : i32
      %and3A_284 = vector.broadcast %and3A_283 : i32 to vector<16xi32>
      %and3A_285 = arith.andi %get3A_282, %and3A_284 : vector<16xi32>
      %swap3A_286 = arith.constant 48 : index
      %swap3A_287 = tpu.vector_load %arg9[%swap3A_286] {strides = array<i32>} : memref<128xi32, #tpu.memory_space<vmem>>, vector<16xi32>,
      %swap3A_288 = vector.shape_cast %swap3A_287 : vector<16xi32> to vector<16xi32>
      %swap3A_289 = vector.shape_cast %and3A_285 : vector<16xi32> to vector<16xi32>
      tpu.vector_store %arg9[%swap3A_286], %swap3A_289 {strides = array<i32>} : memref<128xi32, #tpu.memory_space<vmem>>, vector<16xi32>,
      %shift_right_logical3A_290 = arith.constant 14 : i32
      %shift_right_logical3A_291 = vector.broadcast %shift_right_logical3A_290 : i32 to vector<16xi32>
      %shift_right_logical3A_292 = arith.shrui %get3A_282, %shift_right_logical3A_291 : vector<16xi32>
      %swap3A_293 = arith.constant 48 : index
      %swap3A_294 = tpu.vector_load %arg11[%swap3A_293] {strides = array<i32>} : memref<128xi32, #tpu.memory_space<vmem>>, vector<16xi32>,
      %swap3A_295 = vector.shape_cast %swap3A_294 : vector<16xi32> to vector<16xi32>
      %swap3A_296 = vector.shape_cast %shift_right_logical3A_292 : vector<16xi32> to vector<16xi32>
      tpu.vector_store %arg11[%swap3A_293], %swap3A_296 {strides = array<i32>} : memref<128xi32, #tpu.memory_space<vmem>>, vector<16xi32>,
      %get3A_297 = arith.index_cast %add3A_224 : i32 to index
      %get3A_298 = arith.constant 64 : index
      %get3A_299 = tpu.vector_load %arg5[%get3A_297, %get3A_298] {strides = array<i32>} : memref<80x128xi32, #tpu.memory_space<vmem>>, vector<1x16xi32>,
      %get3A_300 = vector.shape_cast %get3A_299 : vector<1x16xi32> to vector<16xi32>
      %and3A_301 = arith.constant 16383 : i32
      %and3A_302 = vector.broadcast %and3A_301 : i32 to vector<16xi32>
      %and3A_303 = arith.andi %get3A_300, %and3A_302 : vector<16xi32>
      %swap3A_304 = arith.constant 64 : index
      %swap3A_305 = tpu.vector_load %arg9[%swap3A_304] {strides = array<i32>} : memref<128xi32, #tpu.memory_space<vmem>>, vector<16xi32>,
      %swap3A_306 = vector.shape_cast %swap3A_305 : vector<16xi32> to vector<16xi32>
      %swap3A_307 = vector.shape_cast %and3A_303 : vector<16xi32> to vector<16xi32>
      tpu.vector_store %arg9[%swap3A_304], %swap3A_307 {strides = array<i32>} : memref<128xi32, #tpu.memory_space<vmem>>, vector<16xi32>,
      %shift_right_logical3A_308 = arith.constant 14 : i32
      %shift_right_logical3A_309 = vector.broadcast %shift_right_logical3A_308 : i32 to vector<16xi32>
      %shift_right_logical3A_310 = arith.shrui %get3A_300, %shift_right_logical3A_309 : vector<16xi32>
      %swap3A_311 = arith.constant 64 : index
      %swap3A_312 = tpu.vector_load %arg11[%swap3A_311] {strides = array<i32>} : memref<128xi32, #tpu.memory_space<vmem>>, vector<16xi32>,
      %swap3A_313 = vector.shape_cast %swap3A_312 : vector<16xi32> to vector<16xi32>
      %swap3A_314 = vector.shape_cast %shift_right_logical3A_310 : vector<16xi32> to vector<16xi32>
      tpu.vector_store %arg11[%swap3A_311], %swap3A_314 {strides = array<i32>} : memref<128xi32, #tpu.memory_space<vmem>>, vector<16xi32>,
      %get3A_315 = arith.index_cast %add3A_224 : i32 to index
      %get3A_316 = arith.constant 80 : index
      %get3A_317 = tpu.vector_load %arg5[%get3A_315, %get3A_316] {strides = array<i32>} : memref<80x128xi32, #tpu.memory_space<vmem>>, vector<1x16xi32>,
      %get3A_318 = vector.shape_cast %get3A_317 : vector<1x16xi32> to vector<16xi32>
      %and3A_319 = arith.constant 16383 : i32
      %and3A_320 = vector.broadcast %and3A_319 : i32 to vector<16xi32>
      %and3A_321 = arith.andi %get3A_318, %and3A_320 : vector<16xi32>
      %swap3A_322 = arith.constant 80 : index
      %swap3A_323 = tpu.vector_load %arg9[%swap3A_322] {strides = array<i32>} : memref<128xi32, #tpu.memory_space<vmem>>, vector<16xi32>,
      %swap3A_324 = vector.shape_cast %swap3A_323 : vector<16xi32> to vector<16xi32>
      %swap3A_325 = vector.shape_cast %and3A_321 : vector<16xi32> to vector<16xi32>
      tpu.vector_store %arg9[%swap3A_322], %swap3A_325 {strides = array<i32>} : memref<128xi32, #tpu.memory_space<vmem>>, vector<16xi32>,
      %shift_right_logical3A_326 = arith.constant 14 : i32
      %shift_right_logical3A_327 = vector.broadcast %shift_right_logical3A_326 : i32 to vector<16xi32>
      %shift_right_logical3A_328 = arith.shrui %get3A_318, %shift_right_logical3A_327 : vector<16xi32>
      %swap3A_329 = arith.constant 80 : index
      %swap3A_330 = tpu.vector_load %arg11[%swap3A_329] {strides = array<i32>} : memref<128xi32, #tpu.memory_space<vmem>>, vector<16xi32>,
      %swap3A_331 = vector.shape_cast %swap3A_330 : vector<16xi32> to vector<16xi32>
      %swap3A_332 = vector.shape_cast %shift_right_logical3A_328 : vector<16xi32> to vector<16xi32>
      tpu.vector_store %arg11[%swap3A_329], %swap3A_332 {strides = array<i32>} : memref<128xi32, #tpu.memory_space<vmem>>, vector<16xi32>,
      %get3A_333 = arith.index_cast %add3A_224 : i32 to index
      %get3A_334 = arith.constant 96 : index
      %get3A_335 = tpu.vector_load %arg5[%get3A_333, %get3A_334] {strides = array<i32>} : memref<80x128xi32, #tpu.memory_space<vmem>>, vector<1x16xi32>,
      %get3A_336 = vector.shape_cast %get3A_335 : vector<1x16xi32> to vector<16xi32>
      %and3A_337 = arith.constant 16383 : i32
      %and3A_338 = vector.broadcast %and3A_337 : i32 to vector<16xi32>
      %and3A_339 = arith.andi %get3A_336, %and3A_338 : vector<16xi32>
      %swap3A_340 = arith.constant 96 : index
      %swap3A_341 = tpu.vector_load %arg9[%swap3A_340] {strides = array<i32>} : memref<128xi32, #tpu.memory_space<vmem>>, vector<16xi32>,
      %swap3A_342 = vector.shape_cast %swap3A_341 : vector<16xi32> to vector<16xi32>
      %swap3A_343 = vector.shape_cast %and3A_339 : vector<16xi32> to vector<16xi32>
      tpu.vector_store %arg9[%swap3A_340], %swap3A_343 {strides = array<i32>} : memref<128xi32, #tpu.memory_space<vmem>>, vector<16xi32>,
      %shift_right_logical3A_344 = arith.constant 14 : i32
      %shift_right_logical3A_345 = vector.broadcast %shift_right_logical3A_344 : i32 to vector<16xi32>
      %shift_right_logical3A_346 = arith.shrui %get3A_336, %shift_right_logical3A_345 : vector<16xi32>
      %swap3A_347 = arith.constant 96 : index
      %swap3A_348 = tpu.vector_load %arg11[%swap3A_347] {strides = array<i32>} : memref<128xi32, #tpu.memory_space<vmem>>, vector<16xi32>,
      %swap3A_349 = vector.shape_cast %swap3A_348 : vector<16xi32> to vector<16xi32>
      %swap3A_350 = vector.shape_cast %shift_right_logical3A_346 : vector<16xi32> to vector<16xi32>
      tpu.vector_store %arg11[%swap3A_347], %swap3A_350 {strides = array<i32>} : memref<128xi32, #tpu.memory_space<vmem>>, vector<16xi32>,
      %get3A_351 = arith.index_cast %add3A_224 : i32 to index
      %get3A_352 = arith.constant 112 : index
      %get3A_353 = tpu.vector_load %arg5[%get3A_351, %get3A_352] {strides = array<i32>} : memref<80x128xi32, #tpu.memory_space<vmem>>, vector<1x16xi32>,
      %get3A_354 = vector.shape_cast %get3A_353 : vector<1x16xi32> to vector<16xi32>
      %and3A_355 = arith.constant 16383 : i32
      %and3A_356 = vector.broadcast %and3A_355 : i32 to vector<16xi32>
      %and3A_357 = arith.andi %get3A_354, %and3A_356 : vector<16xi32>
      %swap3A_358 = arith.constant 112 : index
      %swap3A_359 = tpu.vector_load %arg9[%swap3A_358] {strides = array<i32>} : memref<128xi32, #tpu.memory_space<vmem>>, vector<16xi32>,
      %swap3A_360 = vector.shape_cast %swap3A_359 : vector<16xi32> to vector<16xi32>
      %swap3A_361 = vector.shape_cast %and3A_357 : vector<16xi32> to vector<16xi32>
      tpu.vector_store %arg9[%swap3A_358], %swap3A_361 {strides = array<i32>} : memref<128xi32, #tpu.memory_space<vmem>>, vector<16xi32>,
      %shift_right_logical3A_362 = arith.constant 14 : i32
      %shift_right_logical3A_363 = vector.broadcast %shift_right_logical3A_362 : i32 to vector<16xi32>
      %shift_right_logical3A_364 = arith.shrui %get3A_354, %shift_right_logical3A_363 : vector<16xi32>
      %swap3A_365 = arith.constant 112 : index
      %swap3A_366 = tpu.vector_load %arg11[%swap3A_365] {strides = array<i32>} : memref<128xi32, #tpu.memory_space<vmem>>, vector<16xi32>,
      %swap3A_367 = vector.shape_cast %swap3A_366 : vector<16xi32> to vector<16xi32>
      %swap3A_368 = vector.shape_cast %shift_right_logical3A_364 : vector<16xi32> to vector<16xi32>
      tpu.vector_store %arg11[%swap3A_365], %swap3A_368 {strides = array<i32>} : memref<128xi32, #tpu.memory_space<vmem>>, vector<16xi32>,
      %dma_start3A_369 = arith.constant 0 : i32
      %dma_start3A_370 = arith.constant 0 : i32
      %dma_start3A_371 = tpu.memref_slice %arg2[%dma_start3A_369, %dma_start3A_370] : memref<10000x128xf32, #tpu.memory_space<hbm>> -> memref<10000x128xf32, #tpu.memory_space<hbm>>
      tpu.enqueue_indirect_dma source(%dma_start3A_371 : memref<10000x128xf32, #tpu.memory_space<hbm>>) target(%arg7 : memref<128x128xf32, #tpu.memory_space<vmem>>) offsets(%arg9 : memref<128xi32, #tpu.memory_space<vmem>>) semaphore(%arg14 : memref<!tpu.dma_semaphore, #tpu.memory_space<semaphore_mem>>)
      %dma_wait3A = arith.constant 0 : i32
      %dma_wait3A_372 = arith.constant 0 : i32
      %dma_wait3A_373 = tpu.memref_slice %arg2[%dma_wait3A, %dma_wait3A_372] : memref<10000x128xf32, #tpu.memory_space<hbm>> -> memref<10000x128xf32, #tpu.memory_space<hbm>>
      tpu.wait_indirect_dma semaphore(%arg13 : memref<!tpu.dma_semaphore, #tpu.memory_space<semaphore_mem>>) src(%dma_wait3A_373 : memref<10000x128xf32, #tpu.memory_space<hbm>>) dst(%arg6 : memref<128x128xf32, #tpu.memory_space<vmem>>)
      "tpu.region"() ({
        %run_scoped3A = tpu.sem_alloc : memref<!tpu.dma_semaphore, #tpu.memory_space<semaphore_mem>>
        %dma_start3A_381 = arith.constant 0 : i32
        %dma_start3A_382 = arith.constant 0 : i32
        %dma_start3A_383 = tpu.memref_slice %arg12[%dma_start3A_381, %dma_start3A_382] : memref<10112x128xf32, #tpu.memory_space<vmem_shared>> -> memref<10112x128xf32, #tpu.memory_space<vmem_shared>>
        tpu.enqueue_indirect_dma source(%arg6 : memref<128x128xf32, #tpu.memory_space<vmem>>) target(%dma_start3A_383 : memref<10112x128xf32, #tpu.memory_space<vmem_shared>>) offsets(%arg10 : memref<128xi32, #tpu.memory_space<vmem>>) semaphore(%run_scoped3A : memref<!tpu.dma_semaphore, #tpu.memory_space<semaphore_mem>>) {add = true}
        %dma_wait3A_384 = arith.constant 0 : i32
        %dma_wait3A_385 = arith.constant 0 : i32
        %dma_wait3A_386 = tpu.memref_slice %arg12[%dma_wait3A_384, %dma_wait3A_385] : memref<10112x128xf32, #tpu.memory_space<vmem_shared>> -> memref<10112x128xf32, #tpu.memory_space<vmem_shared>>
        tpu.wait_indirect_dma semaphore(%run_scoped3A : memref<!tpu.dma_semaphore, #tpu.memory_space<semaphore_mem>>) src(%arg6 : memref<128x128xf32, #tpu.memory_space<vmem>>) dst(%dma_wait3A_386 : memref<10112x128xf32, #tpu.memory_space<vmem_shared>>)
        tpu.yield
      }) : () -> ()
      %add3A_374 = arith.constant 2 : i32
      %add3A_375 = arith.addi %add3A_222, %add3A_374 : i32
      %lt3A = arith.constant 80 : i32
      %lt3A_376 = arith.cmpi slt, %add3A_375, %lt3A : i32
      %convert_element_type3A = arith.extui %lt3A_376 : i1 to i32
      %cond3A = arith.constant 0 : i32
      %cond3A_377 = arith.cmpi ne, %convert_element_type3A, %cond3A : i32
      scf.if %cond3A_377 {
        %add3A_381 = arith.constant 2 : i32
        %add3A_382 = arith.addi %add3A_222, %add3A_381 : i32
        %get3A_383 = arith.index_cast %add3A_382 : i32 to index
        %get3A_384 = arith.constant 0 : index
        %get3A_385 = tpu.vector_load %arg5[%get3A_383, %get3A_384] {strides = array<i32>} : memref<80x128xi32, #tpu.memory_space<vmem>>, vector<1x16xi32>,
        %get3A_386 = vector.shape_cast %get3A_385 : vector<1x16xi32> to vector<16xi32>
        %and3A_387 = arith.constant 16383 : i32
        %and3A_388 = vector.broadcast %and3A_387 : i32 to vector<16xi32>
        %and3A_389 = arith.andi %get3A_386, %and3A_388 : vector<16xi32>
        %swap3A_390 = arith.constant 0 : index
        %swap3A_391 = tpu.vector_load %arg8[%swap3A_390] {strides = array<i32>} : memref<128xi32, #tpu.memory_space<vmem>>, vector<16xi32>,
        %swap3A_392 = vector.shape_cast %swap3A_391 : vector<16xi32> to vector<16xi32>
        %swap3A_393 = vector.shape_cast %and3A_389 : vector<16xi32> to vector<16xi32>
        tpu.vector_store %arg8[%swap3A_390], %swap3A_393 {strides = array<i32>} : memref<128xi32, #tpu.memory_space<vmem>>, vector<16xi32>,
        %shift_right_logical3A_394 = arith.constant 14 : i32
        %shift_right_logical3A_395 = vector.broadcast %shift_right_logical3A_394 : i32 to vector<16xi32>
        %shift_right_logical3A_396 = arith.shrui %get3A_386, %shift_right_logical3A_395 : vector<16xi32>
        %swap3A_397 = arith.constant 0 : index
        %swap3A_398 = tpu.vector_load %arg10[%swap3A_397] {strides = array<i32>} : memref<128xi32, #tpu.memory_space<vmem>>, vector<16xi32>,
        %swap3A_399 = vector.shape_cast %swap3A_398 : vector<16xi32> to vector<16xi32>
        %swap3A_400 = vector.shape_cast %shift_right_logical3A_396 : vector<16xi32> to vector<16xi32>
        tpu.vector_store %arg10[%swap3A_397], %swap3A_400 {strides = array<i32>} : memref<128xi32, #tpu.memory_space<vmem>>, vector<16xi32>,
        %get3A_401 = arith.index_cast %add3A_382 : i32 to index
        %get3A_402 = arith.constant 16 : index
        %get3A_403 = tpu.vector_load %arg5[%get3A_401, %get3A_402] {strides = array<i32>} : memref<80x128xi32, #tpu.memory_space<vmem>>, vector<1x16xi32>,
        %get3A_404 = vector.shape_cast %get3A_403 : vector<1x16xi32> to vector<16xi32>
        %and3A_405 = arith.constant 16383 : i32
        %and3A_406 = vector.broadcast %and3A_405 : i32 to vector<16xi32>
        %and3A_407 = arith.andi %get3A_404, %and3A_406 : vector<16xi32>
        %swap3A_408 = arith.constant 16 : index
        %swap3A_409 = tpu.vector_load %arg8[%swap3A_408] {strides = array<i32>} : memref<128xi32, #tpu.memory_space<vmem>>, vector<16xi32>,
        %swap3A_410 = vector.shape_cast %swap3A_409 : vector<16xi32> to vector<16xi32>
        %swap3A_411 = vector.shape_cast %and3A_407 : vector<16xi32> to vector<16xi32>
        tpu.vector_store %arg8[%swap3A_408], %swap3A_411 {strides = array<i32>} : memref<128xi32, #tpu.memory_space<vmem>>, vector<16xi32>,
        %shift_right_logical3A_412 = arith.constant 14 : i32
        %shift_right_logical3A_413 = vector.broadcast %shift_right_logical3A_412 : i32 to vector<16xi32>
        %shift_right_logical3A_414 = arith.shrui %get3A_404, %shift_right_logical3A_413 : vector<16xi32>
        %swap3A_415 = arith.constant 16 : index
        %swap3A_416 = tpu.vector_load %arg10[%swap3A_415] {strides = array<i32>} : memref<128xi32, #tpu.memory_space<vmem>>, vector<16xi32>,
        %swap3A_417 = vector.shape_cast %swap3A_416 : vector<16xi32> to vector<16xi32>
        %swap3A_418 = vector.shape_cast %shift_right_logical3A_414 : vector<16xi32> to vector<16xi32>
        tpu.vector_store %arg10[%swap3A_415], %swap3A_418 {strides = array<i32>} : memref<128xi32, #tpu.memory_space<vmem>>, vector<16xi32>,
        %get3A_419 = arith.index_cast %add3A_382 : i32 to index
        %get3A_420 = arith.constant 32 : index
        %get3A_421 = tpu.vector_load %arg5[%get3A_419, %get3A_420] {strides = array<i32>} : memref<80x128xi32, #tpu.memory_space<vmem>>, vector<1x16xi32>,
        %get3A_422 = vector.shape_cast %get3A_421 : vector<1x16xi32> to vector<16xi32>
        %and3A_423 = arith.constant 16383 : i32
        %and3A_424 = vector.broadcast %and3A_423 : i32 to vector<16xi32>
        %and3A_425 = arith.andi %get3A_422, %and3A_424 : vector<16xi32>
        %swap3A_426 = arith.constant 32 : index
        %swap3A_427 = tpu.vector_load %arg8[%swap3A_426] {strides = array<i32>} : memref<128xi32, #tpu.memory_space<vmem>>, vector<16xi32>,
        %swap3A_428 = vector.shape_cast %swap3A_427 : vector<16xi32> to vector<16xi32>
        %swap3A_429 = vector.shape_cast %and3A_425 : vector<16xi32> to vector<16xi32>
        tpu.vector_store %arg8[%swap3A_426], %swap3A_429 {strides = array<i32>} : memref<128xi32, #tpu.memory_space<vmem>>, vector<16xi32>,
        %shift_right_logical3A_430 = arith.constant 14 : i32
        %shift_right_logical3A_431 = vector.broadcast %shift_right_logical3A_430 : i32 to vector<16xi32>
        %shift_right_logical3A_432 = arith.shrui %get3A_422, %shift_right_logical3A_431 : vector<16xi32>
        %swap3A_433 = arith.constant 32 : index
        %swap3A_434 = tpu.vector_load %arg10[%swap3A_433] {strides = array<i32>} : memref<128xi32, #tpu.memory_space<vmem>>, vector<16xi32>,
        %swap3A_435 = vector.shape_cast %swap3A_434 : vector<16xi32> to vector<16xi32>
        %swap3A_436 = vector.shape_cast %shift_right_logical3A_432 : vector<16xi32> to vector<16xi32>
        tpu.vector_store %arg10[%swap3A_433], %swap3A_436 {strides = array<i32>} : memref<128xi32, #tpu.memory_space<vmem>>, vector<16xi32>,
        %get3A_437 = arith.index_cast %add3A_382 : i32 to index
        %get3A_438 = arith.constant 48 : index
        %get3A_439 = tpu.vector_load %arg5[%get3A_437, %get3A_438] {strides = array<i32>} : memref<80x128xi32, #tpu.memory_space<vmem>>, vector<1x16xi32>,
        %get3A_440 = vector.shape_cast %get3A_439 : vector<1x16xi32> to vector<16xi32>
        %and3A_441 = arith.constant 16383 : i32
        %and3A_442 = vector.broadcast %and3A_441 : i32 to vector<16xi32>
        %and3A_443 = arith.andi %get3A_440, %and3A_442 : vector<16xi32>
        %swap3A_444 = arith.constant 48 : index
        %swap3A_445 = tpu.vector_load %arg8[%swap3A_444] {strides = array<i32>} : memref<128xi32, #tpu.memory_space<vmem>>, vector<16xi32>,
        %swap3A_446 = vector.shape_cast %swap3A_445 : vector<16xi32> to vector<16xi32>
        %swap3A_447 = vector.shape_cast %and3A_443 : vector<16xi32> to vector<16xi32>
        tpu.vector_store %arg8[%swap3A_444], %swap3A_447 {strides = array<i32>} : memref<128xi32, #tpu.memory_space<vmem>>, vector<16xi32>,
        %shift_right_logical3A_448 = arith.constant 14 : i32
        %shift_right_logical3A_449 = vector.broadcast %shift_right_logical3A_448 : i32 to vector<16xi32>
        %shift_right_logical3A_450 = arith.shrui %get3A_440, %shift_right_logical3A_449 : vector<16xi32>
        %swap3A_451 = arith.constant 48 : index
        %swap3A_452 = tpu.vector_load %arg10[%swap3A_451] {strides = array<i32>} : memref<128xi32, #tpu.memory_space<vmem>>, vector<16xi32>,
        %swap3A_453 = vector.shape_cast %swap3A_452 : vector<16xi32> to vector<16xi32>
        %swap3A_454 = vector.shape_cast %shift_right_logical3A_450 : vector<16xi32> to vector<16xi32>
        tpu.vector_store %arg10[%swap3A_451], %swap3A_454 {strides = array<i32>} : memref<128xi32, #tpu.memory_space<vmem>>, vector<16xi32>,
        %get3A_455 = arith.index_cast %add3A_382 : i32 to index
        %get3A_456 = arith.constant 64 : index
        %get3A_457 = tpu.vector_load %arg5[%get3A_455, %get3A_456] {strides = array<i32>} : memref<80x128xi32, #tpu.memory_space<vmem>>, vector<1x16xi32>,
        %get3A_458 = vector.shape_cast %get3A_457 : vector<1x16xi32> to vector<16xi32>
        %and3A_459 = arith.constant 16383 : i32
        %and3A_460 = vector.broadcast %and3A_459 : i32 to vector<16xi32>
        %and3A_461 = arith.andi %get3A_458, %and3A_460 : vector<16xi32>
        %swap3A_462 = arith.constant 64 : index
        %swap3A_463 = tpu.vector_load %arg8[%swap3A_462] {strides = array<i32>} : memref<128xi32, #tpu.memory_space<vmem>>, vector<16xi32>,
        %swap3A_464 = vector.shape_cast %swap3A_463 : vector<16xi32> to vector<16xi32>
        %swap3A_465 = vector.shape_cast %and3A_461 : vector<16xi32> to vector<16xi32>
        tpu.vector_store %arg8[%swap3A_462], %swap3A_465 {strides = array<i32>} : memref<128xi32, #tpu.memory_space<vmem>>, vector<16xi32>,
        %shift_right_logical3A_466 = arith.constant 14 : i32
        %shift_right_logical3A_467 = vector.broadcast %shift_right_logical3A_466 : i32 to vector<16xi32>
        %shift_right_logical3A_468 = arith.shrui %get3A_458, %shift_right_logical3A_467 : vector<16xi32>
        %swap3A_469 = arith.constant 64 : index
        %swap3A_470 = tpu.vector_load %arg10[%swap3A_469] {strides = array<i32>} : memref<128xi32, #tpu.memory_space<vmem>>, vector<16xi32>,
        %swap3A_471 = vector.shape_cast %swap3A_470 : vector<16xi32> to vector<16xi32>
        %swap3A_472 = vector.shape_cast %shift_right_logical3A_468 : vector<16xi32> to vector<16xi32>
        tpu.vector_store %arg10[%swap3A_469], %swap3A_472 {strides = array<i32>} : memref<128xi32, #tpu.memory_space<vmem>>, vector<16xi32>,
        %get3A_473 = arith.index_cast %add3A_382 : i32 to index
        %get3A_474 = arith.constant 80 : index
        %get3A_475 = tpu.vector_load %arg5[%get3A_473, %get3A_474] {strides = array<i32>} : memref<80x128xi32, #tpu.memory_space<vmem>>, vector<1x16xi32>,
        %get3A_476 = vector.shape_cast %get3A_475 : vector<1x16xi32> to vector<16xi32>
        %and3A_477 = arith.constant 16383 : i32
        %and3A_478 = vector.broadcast %and3A_477 : i32 to vector<16xi32>
        %and3A_479 = arith.andi %get3A_476, %and3A_478 : vector<16xi32>
        %swap3A_480 = arith.constant 80 : index
        %swap3A_481 = tpu.vector_load %arg8[%swap3A_480] {strides = array<i32>} : memref<128xi32, #tpu.memory_space<vmem>>, vector<16xi32>,
        %swap3A_482 = vector.shape_cast %swap3A_481 : vector<16xi32> to vector<16xi32>
        %swap3A_483 = vector.shape_cast %and3A_479 : vector<16xi32> to vector<16xi32>
        tpu.vector_store %arg8[%swap3A_480], %swap3A_483 {strides = array<i32>} : memref<128xi32, #tpu.memory_space<vmem>>, vector<16xi32>,
        %shift_right_logical3A_484 = arith.constant 14 : i32
        %shift_right_logical3A_485 = vector.broadcast %shift_right_logical3A_484 : i32 to vector<16xi32>
        %shift_right_logical3A_486 = arith.shrui %get3A_476, %shift_right_logical3A_485 : vector<16xi32>
        %swap3A_487 = arith.constant 80 : index
        %swap3A_488 = tpu.vector_load %arg10[%swap3A_487] {strides = array<i32>} : memref<128xi32, #tpu.memory_space<vmem>>, vector<16xi32>,
        %swap3A_489 = vector.shape_cast %swap3A_488 : vector<16xi32> to vector<16xi32>
        %swap3A_490 = vector.shape_cast %shift_right_logical3A_486 : vector<16xi32> to vector<16xi32>
        tpu.vector_store %arg10[%swap3A_487], %swap3A_490 {strides = array<i32>} : memref<128xi32, #tpu.memory_space<vmem>>, vector<16xi32>,
        %get3A_491 = arith.index_cast %add3A_382 : i32 to index
        %get3A_492 = arith.constant 96 : index
        %get3A_493 = tpu.vector_load %arg5[%get3A_491, %get3A_492] {strides = array<i32>} : memref<80x128xi32, #tpu.memory_space<vmem>>, vector<1x16xi32>,
        %get3A_494 = vector.shape_cast %get3A_493 : vector<1x16xi32> to vector<16xi32>
        %and3A_495 = arith.constant 16383 : i32
        %and3A_496 = vector.broadcast %and3A_495 : i32 to vector<16xi32>
        %and3A_497 = arith.andi %get3A_494, %and3A_496 : vector<16xi32>
        %swap3A_498 = arith.constant 96 : index
        %swap3A_499 = tpu.vector_load %arg8[%swap3A_498] {strides = array<i32>} : memref<128xi32, #tpu.memory_space<vmem>>, vector<16xi32>,
        %swap3A_500 = vector.shape_cast %swap3A_499 : vector<16xi32> to vector<16xi32>
        %swap3A_501 = vector.shape_cast %and3A_497 : vector<16xi32> to vector<16xi32>
        tpu.vector_store %arg8[%swap3A_498], %swap3A_501 {strides = array<i32>} : memref<128xi32, #tpu.memory_space<vmem>>, vector<16xi32>,
        %shift_right_logical3A_502 = arith.constant 14 : i32
        %shift_right_logical3A_503 = vector.broadcast %shift_right_logical3A_502 : i32 to vector<16xi32>
        %shift_right_logical3A_504 = arith.shrui %get3A_494, %shift_right_logical3A_503 : vector<16xi32>
        %swap3A_505 = arith.constant 96 : index
        %swap3A_506 = tpu.vector_load %arg10[%swap3A_505] {strides = array<i32>} : memref<128xi32, #tpu.memory_space<vmem>>, vector<16xi32>,
        %swap3A_507 = vector.shape_cast %swap3A_506 : vector<16xi32> to vector<16xi32>
        %swap3A_508 = vector.shape_cast %shift_right_logical3A_504 : vector<16xi32> to vector<16xi32>
        tpu.vector_store %arg10[%swap3A_505], %swap3A_508 {strides = array<i32>} : memref<128xi32, #tpu.memory_space<vmem>>, vector<16xi32>,
        %get3A_509 = arith.index_cast %add3A_382 : i32 to index
        %get3A_510 = arith.constant 112 : index
        %get3A_511 = tpu.vector_load %arg5[%get3A_509, %get3A_510] {strides = array<i32>} : memref<80x128xi32, #tpu.memory_space<vmem>>, vector<1x16xi32>,
        %get3A_512 = vector.shape_cast %get3A_511 : vector<1x16xi32> to vector<16xi32>
        %and3A_513 = arith.constant 16383 : i32
        %and3A_514 = vector.broadcast %and3A_513 : i32 to vector<16xi32>
        %and3A_515 = arith.andi %get3A_512, %and3A_514 : vector<16xi32>
        %swap3A_516 = arith.constant 112 : index
        %swap3A_517 = tpu.vector_load %arg8[%swap3A_516] {strides = array<i32>} : memref<128xi32, #tpu.memory_space<vmem>>, vector<16xi32>,
        %swap3A_518 = vector.shape_cast %swap3A_517 : vector<16xi32> to vector<16xi32>
        %swap3A_519 = vector.shape_cast %and3A_515 : vector<16xi32> to vector<16xi32>
        tpu.vector_store %arg8[%swap3A_516], %swap3A_519 {strides = array<i32>} : memref<128xi32, #tpu.memory_space<vmem>>, vector<16xi32>,
        %shift_right_logical3A_520 = arith.constant 14 : i32
        %shift_right_logical3A_521 = vector.broadcast %shift_right_logical3A_520 : i32 to vector<16xi32>
        %shift_right_logical3A_522 = arith.shrui %get3A_512, %shift_right_logical3A_521 : vector<16xi32>
        %swap3A_523 = arith.constant 112 : index
        %swap3A_524 = tpu.vector_load %arg10[%swap3A_523] {strides = array<i32>} : memref<128xi32, #tpu.memory_space<vmem>>, vector<16xi32>,
        %swap3A_525 = vector.shape_cast %swap3A_524 : vector<16xi32> to vector<16xi32>
        %swap3A_526 = vector.shape_cast %shift_right_logical3A_522 : vector<16xi32> to vector<16xi32>
        tpu.vector_store %arg10[%swap3A_523], %swap3A_526 {strides = array<i32>} : memref<128xi32, #tpu.memory_space<vmem>>, vector<16xi32>,
        %dma_start3A_527 = arith.constant 0 : i32
        %dma_start3A_528 = arith.constant 0 : i32
        %dma_start3A_529 = tpu.memref_slice %arg2[%dma_start3A_527, %dma_start3A_528] : memref<10000x128xf32, #tpu.memory_space<hbm>> -> memref<10000x128xf32, #tpu.memory_space<hbm>>
        tpu.enqueue_indirect_dma source(%dma_start3A_529 : memref<10000x128xf32, #tpu.memory_space<hbm>>) target(%arg6 : memref<128x128xf32, #tpu.memory_space<vmem>>) offsets(%arg8 : memref<128xi32, #tpu.memory_space<vmem>>) semaphore(%arg13 : memref<!tpu.dma_semaphore, #tpu.memory_space<semaphore_mem>>)
      } else {
      }
      %dma_wait3A_378 = arith.constant 0 : i32
      %dma_wait3A_379 = arith.constant 0 : i32
      %dma_wait3A_380 = tpu.memref_slice %arg2[%dma_wait3A_378, %dma_wait3A_379] : memref<10000x128xf32, #tpu.memory_space<hbm>> -> memref<10000x128xf32, #tpu.memory_space<hbm>>
      tpu.wait_indirect_dma semaphore(%arg14 : memref<!tpu.dma_semaphore, #tpu.memory_space<semaphore_mem>>) src(%dma_wait3A_380 : memref<10000x128xf32, #tpu.memory_space<hbm>>) dst(%arg7 : memref<128x128xf32, #tpu.memory_space<vmem>>)
      "tpu.region"() ({
        %run_scoped3A = tpu.sem_alloc : memref<!tpu.dma_semaphore, #tpu.memory_space<semaphore_mem>>
        %dma_start3A_381 = arith.constant 0 : i32
        %dma_start3A_382 = arith.constant 0 : i32
        %dma_start3A_383 = tpu.memref_slice %arg12[%dma_start3A_381, %dma_start3A_382] : memref<10112x128xf32, #tpu.memory_space<vmem_shared>> -> memref<10112x128xf32, #tpu.memory_space<vmem_shared>>
        tpu.enqueue_indirect_dma source(%arg7 : memref<128x128xf32, #tpu.memory_space<vmem>>) target(%dma_start3A_383 : memref<10112x128xf32, #tpu.memory_space<vmem_shared>>) offsets(%arg11 : memref<128xi32, #tpu.memory_space<vmem>>) semaphore(%run_scoped3A : memref<!tpu.dma_semaphore, #tpu.memory_space<semaphore_mem>>) {add = true}
        %dma_wait3A_384 = arith.constant 0 : i32
        %dma_wait3A_385 = arith.constant 0 : i32
        %dma_wait3A_386 = tpu.memref_slice %arg12[%dma_wait3A_384, %dma_wait3A_385] : memref<10112x128xf32, #tpu.memory_space<vmem_shared>> -> memref<10112x128xf32, #tpu.memory_space<vmem_shared>>
        tpu.wait_indirect_dma semaphore(%run_scoped3A : memref<!tpu.dma_semaphore, #tpu.memory_space<semaphore_mem>>) src(%arg7 : memref<128x128xf32, #tpu.memory_space<vmem>>) dst(%dma_wait3A_386 : memref<10112x128xf32, #tpu.memory_space<vmem_shared>>)
        tpu.yield
      }) : () -> ()
    }
    %scan3A_176 = arith.constant 40 : i32
    %barrier3A_177 = arith.constant 0 : index
    tpu.barrier barrier_id(%barrier3A_177)
    %mul3A_178 = arith.constant 632 : i32
    %mul3A_179 = arith.muli %arg1, %mul3A_178 : i32
    %add3A_180 = arith.constant 0 : i32
    %add3A_181 = arith.addi %mul3A_179, %add3A_180 : i32
    "tpu.region"() ({
      %run_scoped3A = tpu.sem_alloc : memref<!tpu.dma_semaphore, #tpu.memory_space<semaphore_mem>>
      %dma_start3A_218 = arith.constant 0 : i32
      %dma_start3A_219 = arith.constant 0 : i32
      %dma_start3A_220 = tpu.memref_slice %arg6[%dma_start3A_218, %dma_start3A_219] : memref<128x128xf32, #tpu.memory_space<vmem>> -> memref<128x128xf32, #tpu.memory_space<vmem>>
      %dma_start3A_221 = arith.constant 0 : i32
      %dma_start3A_222 = tpu.memref_slice %arg12[%add3A_181, %dma_start3A_221] : memref<10112x128xf32, #tpu.memory_space<vmem_shared>> -> memref<128x128xf32, #tpu.memory_space<vmem_shared>>
      %dma_start3A_223 = arith.constant 0 : i32
      %dma_start3A_224 = arith.constant 0 : i32
      %dma_start3A_225 = tpu.memref_slice %arg6[%dma_start3A_223, %dma_start3A_224] : memref<128x128xf32, #tpu.memory_space<vmem>> -> memref<128x128xf32, #tpu.memory_space<vmem>>
      %dma_start3A_226 = arith.constant 0 : i32
      %dma_start3A_227 = tpu.memref_slice %arg12[%add3A_181, %dma_start3A_226] : memref<10112x128xf32, #tpu.memory_space<vmem_shared>> -> memref<128x128xf32, #tpu.memory_space<vmem_shared>>
      tpu.enqueue_dma source(%dma_start3A_227 : memref<128x128xf32, #tpu.memory_space<vmem_shared>>) target(%dma_start3A_225 : memref<128x128xf32, #tpu.memory_space<vmem>>) target_semaphore(%run_scoped3A : memref<!tpu.dma_semaphore, #tpu.memory_space<semaphore_mem>>)
      %dma_wait3A = arith.constant 0 : i32
      %dma_wait3A_228 = arith.constant 0 : i32
      %dma_wait3A_229 = tpu.memref_slice %arg6[%dma_wait3A, %dma_wait3A_228] : memref<128x128xf32, #tpu.memory_space<vmem>> -> memref<128x128xf32, #tpu.memory_space<vmem>>
      %dma_wait3A_230 = arith.constant 0 : i32
      %dma_wait3A_231 = tpu.memref_slice %arg12[%add3A_181, %dma_wait3A_230] : memref<10112x128xf32, #tpu.memory_space<vmem_shared>> -> memref<128x128xf32, #tpu.memory_space<vmem_shared>>
      %dma_wait3A_232 = arith.constant 0 : i32
      %dma_wait3A_233 = arith.constant 0 : i32
      %dma_wait3A_234 = tpu.memref_slice %arg6[%dma_wait3A_232, %dma_wait3A_233] : memref<128x128xf32, #tpu.memory_space<vmem>> -> memref<128x128xf32, #tpu.memory_space<vmem>>
      %dma_wait3A_235 = arith.constant 0 : i32
      %dma_wait3A_236 = tpu.memref_slice %arg12[%add3A_181, %dma_wait3A_235] : memref<10112x128xf32, #tpu.memory_space<vmem_shared>> -> memref<128x128xf32, #tpu.memory_space<vmem_shared>>
      tpu.wait_dma2 semaphore(%run_scoped3A : memref<!tpu.dma_semaphore, #tpu.memory_space<semaphore_mem>>) src(%dma_wait3A_236 : memref<128x128xf32, #tpu.memory_space<vmem_shared>>) dst(%dma_wait3A_234 : memref<128x128xf32, #tpu.memory_space<vmem>>)
      tpu.yield
    }) : () -> ()
    %mul3A_182 = arith.constant 632 : i32
    %mul3A_183 = arith.muli %arg1, %mul3A_182 : i32
    %add3A_184 = arith.constant 0 : i32
    %add3A_185 = arith.addi %mul3A_183, %add3A_184 : i32
    "tpu.region"() ({
      %run_scoped3A = tpu.sem_alloc : memref<!tpu.dma_semaphore, #tpu.memory_space<semaphore_mem>>
      %dma_start3A_218 = arith.constant 0 : i32
      %dma_start3A_219 = arith.constant 0 : i32
      %dma_start3A_220 = tpu.memref_slice %arg6[%dma_start3A_218, %dma_start3A_219] : memref<128x128xf32, #tpu.memory_space<vmem>> -> memref<128x128xf32, #tpu.memory_space<vmem>>
      %dma_start3A_221 = arith.constant 0 : i32
      %dma_start3A_222 = tpu.memref_slice %arg4[%arg0, %add3A_185, %dma_start3A_221] : memref<2x10112x128xf32, #tpu.memory_space<hbm>> -> memref<1x128x128xf32, #tpu.memory_space<hbm>>
      %dma_start3A_223 = tpu.memref_squeeze %dma_start3A_222 : memref<1x128x128xf32, #tpu.memory_space<hbm>> -> memref<128x128xf32, #tpu.memory_space<hbm>>
      %dma_start3A_224 = arith.constant 0 : i32
      %dma_start3A_225 = tpu.memref_slice %arg4[%arg0, %add3A_185, %dma_start3A_224] : memref<2x10112x128xf32, #tpu.memory_space<hbm>> -> memref<1x128x128xf32, #tpu.memory_space<hbm>>
      %dma_start3A_226 = tpu.memref_squeeze %dma_start3A_225 : memref<1x128x128xf32, #tpu.memory_space<hbm>> -> memref<128x128xf32, #tpu.memory_space<hbm>>
      %dma_start3A_227 = arith.constant 0 : i32
      %dma_start3A_228 = arith.constant 0 : i32
      %dma_start3A_229 = tpu.memref_slice %arg6[%dma_start3A_227, %dma_start3A_228] : memref<128x128xf32, #tpu.memory_space<vmem>> -> memref<128x128xf32, #tpu.memory_space<vmem>>
      tpu.enqueue_dma source(%dma_start3A_229 : memref<128x128xf32, #tpu.memory_space<vmem>>) target(%dma_start3A_226 : memref<128x128xf32, #tpu.memory_space<hbm>>) target_semaphore(%run_scoped3A : memref<!tpu.dma_semaphore, #tpu.memory_space<semaphore_mem>>)
      %dma_wait3A = arith.constant 0 : i32
      %dma_wait3A_230 = arith.constant 0 : i32
      %dma_wait3A_231 = tpu.memref_slice %arg6[%dma_wait3A, %dma_wait3A_230] : memref<128x128xf32, #tpu.memory_space<vmem>> -> memref<128x128xf32, #tpu.memory_space<vmem>>
      %dma_wait3A_232 = arith.constant 0 : i32
      %dma_wait3A_233 = tpu.memref_slice %arg4[%arg0, %add3A_185, %dma_wait3A_232] : memref<2x10112x128xf32, #tpu.memory_space<hbm>> -> memref<1x128x128xf32, #tpu.memory_space<hbm>>
      %dma_wait3A_234 = tpu.memref_squeeze %dma_wait3A_233 : memref<1x128x128xf32, #tpu.memory_space<hbm>> -> memref<128x128xf32, #tpu.memory_space<hbm>>
      %dma_wait3A_235 = arith.constant 0 : i32
      %dma_wait3A_236 = tpu.memref_slice %arg4[%arg0, %add3A_185, %dma_wait3A_235] : memref<2x10112x128xf32, #tpu.memory_space<hbm>> -> memref<1x128x128xf32, #tpu.memory_space<hbm>>
      %dma_wait3A_237 = tpu.memref_squeeze %dma_wait3A_236 : memref<1x128x128xf32, #tpu.memory_space<hbm>> -> memref<128x128xf32, #tpu.memory_space<hbm>>
      %dma_wait3A_238 = arith.constant 0 : i32
      %dma_wait3A_239 = arith.constant 0 : i32
      %dma_wait3A_240 = tpu.memref_slice %arg6[%dma_wait3A_238, %dma_wait3A_239] : memref<128x128xf32, #tpu.memory_space<vmem>> -> memref<128x128xf32, #tpu.memory_space<vmem>>
      tpu.wait_dma2 semaphore(%run_scoped3A : memref<!tpu.dma_semaphore, #tpu.memory_space<semaphore_mem>>) src(%dma_wait3A_240 : memref<128x128xf32, #tpu.memory_space<vmem>>) dst(%dma_wait3A_237 : memref<128x128xf32, #tpu.memory_space<hbm>>)
      tpu.yield
    }) : () -> ()
    %mul3A_186 = arith.constant 632 : i32
    %mul3A_187 = arith.muli %arg1, %mul3A_186 : i32
    %add3A_188 = arith.constant 128 : i32
    %add3A_189 = arith.addi %mul3A_187, %add3A_188 : i32
    "tpu.region"() ({
      %run_scoped3A = tpu.sem_alloc : memref<!tpu.dma_semaphore, #tpu.memory_space<semaphore_mem>>
      %dma_start3A_218 = arith.constant 0 : i32
      %dma_start3A_219 = arith.constant 0 : i32
      %dma_start3A_220 = tpu.memref_slice %arg6[%dma_start3A_218, %dma_start3A_219] : memref<128x128xf32, #tpu.memory_space<vmem>> -> memref<128x128xf32, #tpu.memory_space<vmem>>
      %dma_start3A_221 = arith.constant 0 : i32
      %dma_start3A_222 = tpu.memref_slice %arg12[%add3A_189, %dma_start3A_221] : memref<10112x128xf32, #tpu.memory_space<vmem_shared>> -> memref<128x128xf32, #tpu.memory_space<vmem_shared>>
      %dma_start3A_223 = arith.constant 0 : i32
      %dma_start3A_224 = arith.constant 0 : i32
      %dma_start3A_225 = tpu.memref_slice %arg6[%dma_start3A_223, %dma_start3A_224] : memref<128x128xf32, #tpu.memory_space<vmem>> -> memref<128x128xf32, #tpu.memory_space<vmem>>
      %dma_start3A_226 = arith.constant 0 : i32
      %dma_start3A_227 = tpu.memref_slice %arg12[%add3A_189, %dma_start3A_226] : memref<10112x128xf32, #tpu.memory_space<vmem_shared>> -> memref<128x128xf32, #tpu.memory_space<vmem_shared>>
      tpu.enqueue_dma source(%dma_start3A_227 : memref<128x128xf32, #tpu.memory_space<vmem_shared>>) target(%dma_start3A_225 : memref<128x128xf32, #tpu.memory_space<vmem>>) target_semaphore(%run_scoped3A : memref<!tpu.dma_semaphore, #tpu.memory_space<semaphore_mem>>)
      %dma_wait3A = arith.constant 0 : i32
      %dma_wait3A_228 = arith.constant 0 : i32
      %dma_wait3A_229 = tpu.memref_slice %arg6[%dma_wait3A, %dma_wait3A_228] : memref<128x128xf32, #tpu.memory_space<vmem>> -> memref<128x128xf32, #tpu.memory_space<vmem>>
      %dma_wait3A_230 = arith.constant 0 : i32
      %dma_wait3A_231 = tpu.memref_slice %arg12[%add3A_189, %dma_wait3A_230] : memref<10112x128xf32, #tpu.memory_space<vmem_shared>> -> memref<128x128xf32, #tpu.memory_space<vmem_shared>>
      %dma_wait3A_232 = arith.constant 0 : i32
      %dma_wait3A_233 = arith.constant 0 : i32
      %dma_wait3A_234 = tpu.memref_slice %arg6[%dma_wait3A_232, %dma_wait3A_233] : memref<128x128xf32, #tpu.memory_space<vmem>> -> memref<128x128xf32, #tpu.memory_space<vmem>>
      %dma_wait3A_235 = arith.constant 0 : i32
      %dma_wait3A_236 = tpu.memref_slice %arg12[%add3A_189, %dma_wait3A_235] : memref<10112x128xf32, #tpu.memory_space<vmem_shared>> -> memref<128x128xf32, #tpu.memory_space<vmem_shared>>
      tpu.wait_dma2 semaphore(%run_scoped3A : memref<!tpu.dma_semaphore, #tpu.memory_space<semaphore_mem>>) src(%dma_wait3A_236 : memref<128x128xf32, #tpu.memory_space<vmem_shared>>) dst(%dma_wait3A_234 : memref<128x128xf32, #tpu.memory_space<vmem>>)
      tpu.yield
    }) : () -> ()
    %mul3A_190 = arith.constant 632 : i32
    %mul3A_191 = arith.muli %arg1, %mul3A_190 : i32
    %add3A_192 = arith.constant 128 : i32
    %add3A_193 = arith.addi %mul3A_191, %add3A_192 : i32
    "tpu.region"() ({
      %run_scoped3A = tpu.sem_alloc : memref<!tpu.dma_semaphore, #tpu.memory_space<semaphore_mem>>
      %dma_start3A_218 = arith.constant 0 : i32
      %dma_start3A_219 = arith.constant 0 : i32
      %dma_start3A_220 = tpu.memref_slice %arg6[%dma_start3A_218, %dma_start3A_219] : memref<128x128xf32, #tpu.memory_space<vmem>> -> memref<128x128xf32, #tpu.memory_space<vmem>>
      %dma_start3A_221 = arith.constant 0 : i32
      %dma_start3A_222 = tpu.memref_slice %arg4[%arg0, %add3A_193, %dma_start3A_221] : memref<2x10112x128xf32, #tpu.memory_space<hbm>> -> memref<1x128x128xf32, #tpu.memory_space<hbm>>
      %dma_start3A_223 = tpu.memref_squeeze %dma_start3A_222 : memref<1x128x128xf32, #tpu.memory_space<hbm>> -> memref<128x128xf32, #tpu.memory_space<hbm>>
      %dma_start3A_224 = arith.constant 0 : i32
      %dma_start3A_225 = tpu.memref_slice %arg4[%arg0, %add3A_193, %dma_start3A_224] : memref<2x10112x128xf32, #tpu.memory_space<hbm>> -> memref<1x128x128xf32, #tpu.memory_space<hbm>>
      %dma_start3A_226 = tpu.memref_squeeze %dma_start3A_225 : memref<1x128x128xf32, #tpu.memory_space<hbm>> -> memref<128x128xf32, #tpu.memory_space<hbm>>
      %dma_start3A_227 = arith.constant 0 : i32
      %dma_start3A_228 = arith.constant 0 : i32
      %dma_start3A_229 = tpu.memref_slice %arg6[%dma_start3A_227, %dma_start3A_228] : memref<128x128xf32, #tpu.memory_space<vmem>> -> memref<128x128xf32, #tpu.memory_space<vmem>>
      tpu.enqueue_dma source(%dma_start3A_229 : memref<128x128xf32, #tpu.memory_space<vmem>>) target(%dma_start3A_226 : memref<128x128xf32, #tpu.memory_space<hbm>>) target_semaphore(%run_scoped3A : memref<!tpu.dma_semaphore, #tpu.memory_space<semaphore_mem>>)
      %dma_wait3A = arith.constant 0 : i32
      %dma_wait3A_230 = arith.constant 0 : i32
      %dma_wait3A_231 = tpu.memref_slice %arg6[%dma_wait3A, %dma_wait3A_230] : memref<128x128xf32, #tpu.memory_space<vmem>> -> memref<128x128xf32, #tpu.memory_space<vmem>>
      %dma_wait3A_232 = arith.constant 0 : i32
      %dma_wait3A_233 = tpu.memref_slice %arg4[%arg0, %add3A_193, %dma_wait3A_232] : memref<2x10112x128xf32, #tpu.memory_space<hbm>> -> memref<1x128x128xf32, #tpu.memory_space<hbm>>
      %dma_wait3A_234 = tpu.memref_squeeze %dma_wait3A_233 : memref<1x128x128xf32, #tpu.memory_space<hbm>> -> memref<128x128xf32, #tpu.memory_space<hbm>>
      %dma_wait3A_235 = arith.constant 0 : i32
      %dma_wait3A_236 = tpu.memref_slice %arg4[%arg0, %add3A_193, %dma_wait3A_235] : memref<2x10112x128xf32, #tpu.memory_space<hbm>> -> memref<1x128x128xf32, #tpu.memory_space<hbm>>
      %dma_wait3A_237 = tpu.memref_squeeze %dma_wait3A_236 : memref<1x128x128xf32, #tpu.memory_space<hbm>> -> memref<128x128xf32, #tpu.memory_space<hbm>>
      %dma_wait3A_238 = arith.constant 0 : i32
      %dma_wait3A_239 = arith.constant 0 : i32
      %dma_wait3A_240 = tpu.memref_slice %arg6[%dma_wait3A_238, %dma_wait3A_239] : memref<128x128xf32, #tpu.memory_space<vmem>> -> memref<128x128xf32, #tpu.memory_space<vmem>>
      tpu.wait_dma2 semaphore(%run_scoped3A : memref<!tpu.dma_semaphore, #tpu.memory_space<semaphore_mem>>) src(%dma_wait3A_240 : memref<128x128xf32, #tpu.memory_space<vmem>>) dst(%dma_wait3A_237 : memref<128x128xf32, #tpu.memory_space<hbm>>)
      tpu.yield
    }) : () -> ()
    %mul3A_194 = arith.constant 632 : i32
    %mul3A_195 = arith.muli %arg1, %mul3A_194 : i32
    %add3A_196 = arith.constant 256 : i32
    %add3A_197 = arith.addi %mul3A_195, %add3A_196 : i32
    "tpu.region"() ({
      %run_scoped3A = tpu.sem_alloc : memref<!tpu.dma_semaphore, #tpu.memory_space<semaphore_mem>>
      %dma_start3A_218 = arith.constant 0 : i32
      %dma_start3A_219 = arith.constant 0 : i32
      %dma_start3A_220 = tpu.memref_slice %arg6[%dma_start3A_218, %dma_start3A_219] : memref<128x128xf32, #tpu.memory_space<vmem>> -> memref<128x128xf32, #tpu.memory_space<vmem>>
      %dma_start3A_221 = arith.constant 0 : i32
      %dma_start3A_222 = tpu.memref_slice %arg12[%add3A_197, %dma_start3A_221] : memref<10112x128xf32, #tpu.memory_space<vmem_shared>> -> memref<128x128xf32, #tpu.memory_space<vmem_shared>>
      %dma_start3A_223 = arith.constant 0 : i32
      %dma_start3A_224 = arith.constant 0 : i32
      %dma_start3A_225 = tpu.memref_slice %arg6[%dma_start3A_223, %dma_start3A_224] : memref<128x128xf32, #tpu.memory_space<vmem>> -> memref<128x128xf32, #tpu.memory_space<vmem>>
      %dma_start3A_226 = arith.constant 0 : i32
      %dma_start3A_227 = tpu.memref_slice %arg12[%add3A_197, %dma_start3A_226] : memref<10112x128xf32, #tpu.memory_space<vmem_shared>> -> memref<128x128xf32, #tpu.memory_space<vmem_shared>>
      tpu.enqueue_dma source(%dma_start3A_227 : memref<128x128xf32, #tpu.memory_space<vmem_shared>>) target(%dma_start3A_225 : memref<128x128xf32, #tpu.memory_space<vmem>>) target_semaphore(%run_scoped3A : memref<!tpu.dma_semaphore, #tpu.memory_space<semaphore_mem>>)
      %dma_wait3A = arith.constant 0 : i32
      %dma_wait3A_228 = arith.constant 0 : i32
      %dma_wait3A_229 = tpu.memref_slice %arg6[%dma_wait3A, %dma_wait3A_228] : memref<128x128xf32, #tpu.memory_space<vmem>> -> memref<128x128xf32, #tpu.memory_space<vmem>>
      %dma_wait3A_230 = arith.constant 0 : i32
      %dma_wait3A_231 = tpu.memref_slice %arg12[%add3A_197, %dma_wait3A_230] : memref<10112x128xf32, #tpu.memory_space<vmem_shared>> -> memref<128x128xf32, #tpu.memory_space<vmem_shared>>
      %dma_wait3A_232 = arith.constant 0 : i32
      %dma_wait3A_233 = arith.constant 0 : i32
      %dma_wait3A_234 = tpu.memref_slice %arg6[%dma_wait3A_232, %dma_wait3A_233] : memref<128x128xf32, #tpu.memory_space<vmem>> -> memref<128x128xf32, #tpu.memory_space<vmem>>
      %dma_wait3A_235 = arith.constant 0 : i32
      %dma_wait3A_236 = tpu.memref_slice %arg12[%add3A_197, %dma_wait3A_235] : memref<10112x128xf32, #tpu.memory_space<vmem_shared>> -> memref<128x128xf32, #tpu.memory_space<vmem_shared>>
      tpu.wait_dma2 semaphore(%run_scoped3A : memref<!tpu.dma_semaphore, #tpu.memory_space<semaphore_mem>>) src(%dma_wait3A_236 : memref<128x128xf32, #tpu.memory_space<vmem_shared>>) dst(%dma_wait3A_234 : memref<128x128xf32, #tpu.memory_space<vmem>>)
      tpu.yield
    }) : () -> ()
    %mul3A_198 = arith.constant 632 : i32
    %mul3A_199 = arith.muli %arg1, %mul3A_198 : i32
    %add3A_200 = arith.constant 256 : i32
    %add3A_201 = arith.addi %mul3A_199, %add3A_200 : i32
    "tpu.region"() ({
      %run_scoped3A = tpu.sem_alloc : memref<!tpu.dma_semaphore, #tpu.memory_space<semaphore_mem>>
      %dma_start3A_218 = arith.constant 0 : i32
      %dma_start3A_219 = arith.constant 0 : i32
      %dma_start3A_220 = tpu.memref_slice %arg6[%dma_start3A_218, %dma_start3A_219] : memref<128x128xf32, #tpu.memory_space<vmem>> -> memref<128x128xf32, #tpu.memory_space<vmem>>
      %dma_start3A_221 = arith.constant 0 : i32
      %dma_start3A_222 = tpu.memref_slice %arg4[%arg0, %add3A_201, %dma_start3A_221] : memref<2x10112x128xf32, #tpu.memory_space<hbm>> -> memref<1x128x128xf32, #tpu.memory_space<hbm>>
      %dma_start3A_223 = tpu.memref_squeeze %dma_start3A_222 : memref<1x128x128xf32, #tpu.memory_space<hbm>> -> memref<128x128xf32, #tpu.memory_space<hbm>>
      %dma_start3A_224 = arith.constant 0 : i32
      %dma_start3A_225 = tpu.memref_slice %arg4[%arg0, %add3A_201, %dma_start3A_224] : memref<2x10112x128xf32, #tpu.memory_space<hbm>> -> memref<1x128x128xf32, #tpu.memory_space<hbm>>
      %dma_start3A_226 = tpu.memref_squeeze %dma_start3A_225 : memref<1x128x128xf32, #tpu.memory_space<hbm>> -> memref<128x128xf32, #tpu.memory_space<hbm>>
      %dma_start3A_227 = arith.constant 0 : i32
      %dma_start3A_228 = arith.constant 0 : i32
      %dma_start3A_229 = tpu.memref_slice %arg6[%dma_start3A_227, %dma_start3A_228] : memref<128x128xf32, #tpu.memory_space<vmem>> -> memref<128x128xf32, #tpu.memory_space<vmem>>
      tpu.enqueue_dma source(%dma_start3A_229 : memref<128x128xf32, #tpu.memory_space<vmem>>) target(%dma_start3A_226 : memref<128x128xf32, #tpu.memory_space<hbm>>) target_semaphore(%run_scoped3A : memref<!tpu.dma_semaphore, #tpu.memory_space<semaphore_mem>>)
      %dma_wait3A = arith.constant 0 : i32
      %dma_wait3A_230 = arith.constant 0 : i32
      %dma_wait3A_231 = tpu.memref_slice %arg6[%dma_wait3A, %dma_wait3A_230] : memref<128x128xf32, #tpu.memory_space<vmem>> -> memref<128x128xf32, #tpu.memory_space<vmem>>
      %dma_wait3A_232 = arith.constant 0 : i32
      %dma_wait3A_233 = tpu.memref_slice %arg4[%arg0, %add3A_201, %dma_wait3A_232] : memref<2x10112x128xf32, #tpu.memory_space<hbm>> -> memref<1x128x128xf32, #tpu.memory_space<hbm>>
      %dma_wait3A_234 = tpu.memref_squeeze %dma_wait3A_233 : memref<1x128x128xf32, #tpu.memory_space<hbm>> -> memref<128x128xf32, #tpu.memory_space<hbm>>
      %dma_wait3A_235 = arith.constant 0 : i32
      %dma_wait3A_236 = tpu.memref_slice %arg4[%arg0, %add3A_201, %dma_wait3A_235] : memref<2x10112x128xf32, #tpu.memory_space<hbm>> -> memref<1x128x128xf32, #tpu.memory_space<hbm>>
      %dma_wait3A_237 = tpu.memref_squeeze %dma_wait3A_236 : memref<1x128x128xf32, #tpu.memory_space<hbm>> -> memref<128x128xf32, #tpu.memory_space<hbm>>
      %dma_wait3A_238 = arith.constant 0 : i32
      %dma_wait3A_239 = arith.constant 0 : i32
      %dma_wait3A_240 = tpu.memref_slice %arg6[%dma_wait3A_238, %dma_wait3A_239] : memref<128x128xf32, #tpu.memory_space<vmem>> -> memref<128x128xf32, #tpu.memory_space<vmem>>
      tpu.wait_dma2 semaphore(%run_scoped3A : memref<!tpu.dma_semaphore, #tpu.memory_space<semaphore_mem>>) src(%dma_wait3A_240 : memref<128x128xf32, #tpu.memory_space<vmem>>) dst(%dma_wait3A_237 : memref<128x128xf32, #tpu.memory_space<hbm>>)
      tpu.yield
    }) : () -> ()
    %mul3A_202 = arith.constant 632 : i32
    %mul3A_203 = arith.muli %arg1, %mul3A_202 : i32
    %add3A_204 = arith.constant 384 : i32
    %add3A_205 = arith.addi %mul3A_203, %add3A_204 : i32
    "tpu.region"() ({
      %run_scoped3A = tpu.sem_alloc : memref<!tpu.dma_semaphore, #tpu.memory_space<semaphore_mem>>
      %dma_start3A_218 = arith.constant 0 : i32
      %dma_start3A_219 = arith.constant 0 : i32
      %dma_start3A_220 = tpu.memref_slice %arg6[%dma_start3A_218, %dma_start3A_219] : memref<128x128xf32, #tpu.memory_space<vmem>> -> memref<128x128xf32, #tpu.memory_space<vmem>>
      %dma_start3A_221 = arith.constant 0 : i32
      %dma_start3A_222 = tpu.memref_slice %arg12[%add3A_205, %dma_start3A_221] : memref<10112x128xf32, #tpu.memory_space<vmem_shared>> -> memref<128x128xf32, #tpu.memory_space<vmem_shared>>
      %dma_start3A_223 = arith.constant 0 : i32
      %dma_start3A_224 = arith.constant 0 : i32
      %dma_start3A_225 = tpu.memref_slice %arg6[%dma_start3A_223, %dma_start3A_224] : memref<128x128xf32, #tpu.memory_space<vmem>> -> memref<128x128xf32, #tpu.memory_space<vmem>>
      %dma_start3A_226 = arith.constant 0 : i32
      %dma_start3A_227 = tpu.memref_slice %arg12[%add3A_205, %dma_start3A_226] : memref<10112x128xf32, #tpu.memory_space<vmem_shared>> -> memref<128x128xf32, #tpu.memory_space<vmem_shared>>
      tpu.enqueue_dma source(%dma_start3A_227 : memref<128x128xf32, #tpu.memory_space<vmem_shared>>) target(%dma_start3A_225 : memref<128x128xf32, #tpu.memory_space<vmem>>) target_semaphore(%run_scoped3A : memref<!tpu.dma_semaphore, #tpu.memory_space<semaphore_mem>>)
      %dma_wait3A = arith.constant 0 : i32
      %dma_wait3A_228 = arith.constant 0 : i32
      %dma_wait3A_229 = tpu.memref_slice %arg6[%dma_wait3A, %dma_wait3A_228] : memref<128x128xf32, #tpu.memory_space<vmem>> -> memref<128x128xf32, #tpu.memory_space<vmem>>
      %dma_wait3A_230 = arith.constant 0 : i32
      %dma_wait3A_231 = tpu.memref_slice %arg12[%add3A_205, %dma_wait3A_230] : memref<10112x128xf32, #tpu.memory_space<vmem_shared>> -> memref<128x128xf32, #tpu.memory_space<vmem_shared>>
      %dma_wait3A_232 = arith.constant 0 : i32
      %dma_wait3A_233 = arith.constant 0 : i32
      %dma_wait3A_234 = tpu.memref_slice %arg6[%dma_wait3A_232, %dma_wait3A_233] : memref<128x128xf32, #tpu.memory_space<vmem>> -> memref<128x128xf32, #tpu.memory_space<vmem>>
      %dma_wait3A_235 = arith.constant 0 : i32
      %dma_wait3A_236 = tpu.memref_slice %arg12[%add3A_205, %dma_wait3A_235] : memref<10112x128xf32, #tpu.memory_space<vmem_shared>> -> memref<128x128xf32, #tpu.memory_space<vmem_shared>>
      tpu.wait_dma2 semaphore(%run_scoped3A : memref<!tpu.dma_semaphore, #tpu.memory_space<semaphore_mem>>) src(%dma_wait3A_236 : memref<128x128xf32, #tpu.memory_space<vmem_shared>>) dst(%dma_wait3A_234 : memref<128x128xf32, #tpu.memory_space<vmem>>)
      tpu.yield
    }) : () -> ()
    %mul3A_206 = arith.constant 632 : i32
    %mul3A_207 = arith.muli %arg1, %mul3A_206 : i32
    %add3A_208 = arith.constant 384 : i32
    %add3A_209 = arith.addi %mul3A_207, %add3A_208 : i32
    "tpu.region"() ({
      %run_scoped3A = tpu.sem_alloc : memref<!tpu.dma_semaphore, #tpu.memory_space<semaphore_mem>>
      %dma_start3A_218 = arith.constant 0 : i32
      %dma_start3A_219 = arith.constant 0 : i32
      %dma_start3A_220 = tpu.memref_slice %arg6[%dma_start3A_218, %dma_start3A_219] : memref<128x128xf32, #tpu.memory_space<vmem>> -> memref<128x128xf32, #tpu.memory_space<vmem>>
      %dma_start3A_221 = arith.constant 0 : i32
      %dma_start3A_222 = tpu.memref_slice %arg4[%arg0, %add3A_209, %dma_start3A_221] : memref<2x10112x128xf32, #tpu.memory_space<hbm>> -> memref<1x128x128xf32, #tpu.memory_space<hbm>>
      %dma_start3A_223 = tpu.memref_squeeze %dma_start3A_222 : memref<1x128x128xf32, #tpu.memory_space<hbm>> -> memref<128x128xf32, #tpu.memory_space<hbm>>
      %dma_start3A_224 = arith.constant 0 : i32
      %dma_start3A_225 = tpu.memref_slice %arg4[%arg0, %add3A_209, %dma_start3A_224] : memref<2x10112x128xf32, #tpu.memory_space<hbm>> -> memref<1x128x128xf32, #tpu.memory_space<hbm>>
      %dma_start3A_226 = tpu.memref_squeeze %dma_start3A_225 : memref<1x128x128xf32, #tpu.memory_space<hbm>> -> memref<128x128xf32, #tpu.memory_space<hbm>>
      %dma_start3A_227 = arith.constant 0 : i32
      %dma_start3A_228 = arith.constant 0 : i32
      %dma_start3A_229 = tpu.memref_slice %arg6[%dma_start3A_227, %dma_start3A_228] : memref<128x128xf32, #tpu.memory_space<vmem>> -> memref<128x128xf32, #tpu.memory_space<vmem>>
      tpu.enqueue_dma source(%dma_start3A_229 : memref<128x128xf32, #tpu.memory_space<vmem>>) target(%dma_start3A_226 : memref<128x128xf32, #tpu.memory_space<hbm>>) target_semaphore(%run_scoped3A : memref<!tpu.dma_semaphore, #tpu.memory_space<semaphore_mem>>)
      %dma_wait3A = arith.constant 0 : i32
      %dma_wait3A_230 = arith.constant 0 : i32
      %dma_wait3A_231 = tpu.memref_slice %arg6[%dma_wait3A, %dma_wait3A_230] : memref<128x128xf32, #tpu.memory_space<vmem>> -> memref<128x128xf32, #tpu.memory_space<vmem>>
      %dma_wait3A_232 = arith.constant 0 : i32
      %dma_wait3A_233 = tpu.memref_slice %arg4[%arg0, %add3A_209, %dma_wait3A_232] : memref<2x10112x128xf32, #tpu.memory_space<hbm>> -> memref<1x128x128xf32, #tpu.memory_space<hbm>>
      %dma_wait3A_234 = tpu.memref_squeeze %dma_wait3A_233 : memref<1x128x128xf32, #tpu.memory_space<hbm>> -> memref<128x128xf32, #tpu.memory_space<hbm>>
      %dma_wait3A_235 = arith.constant 0 : i32
      %dma_wait3A_236 = tpu.memref_slice %arg4[%arg0, %add3A_209, %dma_wait3A_235] : memref<2x10112x128xf32, #tpu.memory_space<hbm>> -> memref<1x128x128xf32, #tpu.memory_space<hbm>>
      %dma_wait3A_237 = tpu.memref_squeeze %dma_wait3A_236 : memref<1x128x128xf32, #tpu.memory_space<hbm>> -> memref<128x128xf32, #tpu.memory_space<hbm>>
      %dma_wait3A_238 = arith.constant 0 : i32
      %dma_wait3A_239 = arith.constant 0 : i32
      %dma_wait3A_240 = tpu.memref_slice %arg6[%dma_wait3A_238, %dma_wait3A_239] : memref<128x128xf32, #tpu.memory_space<vmem>> -> memref<128x128xf32, #tpu.memory_space<vmem>>
      tpu.wait_dma2 semaphore(%run_scoped3A : memref<!tpu.dma_semaphore, #tpu.memory_space<semaphore_mem>>) src(%dma_wait3A_240 : memref<128x128xf32, #tpu.memory_space<vmem>>) dst(%dma_wait3A_237 : memref<128x128xf32, #tpu.memory_space<hbm>>)
      tpu.yield
    }) : () -> ()
    %mul3A_210 = arith.constant 632 : i32
    %mul3A_211 = arith.muli %arg1, %mul3A_210 : i32
    %add3A_212 = arith.constant 512 : i32
    %add3A_213 = arith.addi %mul3A_211, %add3A_212 : i32
    "tpu.region"() ({
      %run_scoped3A = tpu.sem_alloc : memref<!tpu.dma_semaphore, #tpu.memory_space<semaphore_mem>>
      %dma_start3A_218 = arith.constant 0 : i32
      %dma_start3A_219 = arith.constant 0 : i32
      %dma_start3A_220 = tpu.memref_slice %arg6[%dma_start3A_218, %dma_start3A_219] : memref<128x128xf32, #tpu.memory_space<vmem>> -> memref<120x128xf32, #tpu.memory_space<vmem>>
      %dma_start3A_221 = arith.constant 0 : i32
      %dma_start3A_222 = tpu.memref_slice %arg12[%add3A_213, %dma_start3A_221] : memref<10112x128xf32, #tpu.memory_space<vmem_shared>> -> memref<120x128xf32, #tpu.memory_space<vmem_shared>>
      %dma_start3A_223 = arith.constant 0 : i32
      %dma_start3A_224 = arith.constant 0 : i32
      %dma_start3A_225 = tpu.memref_slice %arg6[%dma_start3A_223, %dma_start3A_224] : memref<128x128xf32, #tpu.memory_space<vmem>> -> memref<120x128xf32, #tpu.memory_space<vmem>>
      %dma_start3A_226 = arith.constant 0 : i32
      %dma_start3A_227 = tpu.memref_slice %arg12[%add3A_213, %dma_start3A_226] : memref<10112x128xf32, #tpu.memory_space<vmem_shared>> -> memref<120x128xf32, #tpu.memory_space<vmem_shared>>
      tpu.enqueue_dma source(%dma_start3A_227 : memref<120x128xf32, #tpu.memory_space<vmem_shared>>) target(%dma_start3A_225 : memref<120x128xf32, #tpu.memory_space<vmem>>) target_semaphore(%run_scoped3A : memref<!tpu.dma_semaphore, #tpu.memory_space<semaphore_mem>>)
      %dma_wait3A = arith.constant 0 : i32
      %dma_wait3A_228 = arith.constant 0 : i32
      %dma_wait3A_229 = tpu.memref_slice %arg6[%dma_wait3A, %dma_wait3A_228] : memref<128x128xf32, #tpu.memory_space<vmem>> -> memref<120x128xf32, #tpu.memory_space<vmem>>
      %dma_wait3A_230 = arith.constant 0 : i32
      %dma_wait3A_231 = tpu.memref_slice %arg12[%add3A_213, %dma_wait3A_230] : memref<10112x128xf32, #tpu.memory_space<vmem_shared>> -> memref<120x128xf32, #tpu.memory_space<vmem_shared>>
      %dma_wait3A_232 = arith.constant 0 : i32
      %dma_wait3A_233 = arith.constant 0 : i32
      %dma_wait3A_234 = tpu.memref_slice %arg6[%dma_wait3A_232, %dma_wait3A_233] : memref<128x128xf32, #tpu.memory_space<vmem>> -> memref<120x128xf32, #tpu.memory_space<vmem>>
      %dma_wait3A_235 = arith.constant 0 : i32
      %dma_wait3A_236 = tpu.memref_slice %arg12[%add3A_213, %dma_wait3A_235] : memref<10112x128xf32, #tpu.memory_space<vmem_shared>> -> memref<120x128xf32, #tpu.memory_space<vmem_shared>>
      tpu.wait_dma2 semaphore(%run_scoped3A : memref<!tpu.dma_semaphore, #tpu.memory_space<semaphore_mem>>) src(%dma_wait3A_236 : memref<120x128xf32, #tpu.memory_space<vmem_shared>>) dst(%dma_wait3A_234 : memref<120x128xf32, #tpu.memory_space<vmem>>)
      tpu.yield
    }) : () -> ()
    %mul3A_214 = arith.constant 632 : i32
    %mul3A_215 = arith.muli %arg1, %mul3A_214 : i32
    %add3A_216 = arith.constant 512 : i32
    %add3A_217 = arith.addi %mul3A_215, %add3A_216 : i32
    "tpu.region"() ({
      %run_scoped3A = tpu.sem_alloc : memref<!tpu.dma_semaphore, #tpu.memory_space<semaphore_mem>>
      %dma_start3A_218 = arith.constant 0 : i32
      %dma_start3A_219 = arith.constant 0 : i32
      %dma_start3A_220 = tpu.memref_slice %arg6[%dma_start3A_218, %dma_start3A_219] : memref<128x128xf32, #tpu.memory_space<vmem>> -> memref<120x128xf32, #tpu.memory_space<vmem>>
      %dma_start3A_221 = arith.constant 0 : i32
      %dma_start3A_222 = tpu.memref_slice %arg4[%arg0, %add3A_217, %dma_start3A_221] : memref<2x10112x128xf32, #tpu.memory_space<hbm>> -> memref<1x120x128xf32, #tpu.memory_space<hbm>>
      %dma_start3A_223 = tpu.memref_squeeze %dma_start3A_222 : memref<1x120x128xf32, #tpu.memory_space<hbm>> -> memref<120x128xf32, #tpu.memory_space<hbm>>
      %dma_start3A_224 = arith.constant 0 : i32
      %dma_start3A_225 = tpu.memref_slice %arg4[%arg0, %add3A_217, %dma_start3A_224] : memref<2x10112x128xf32, #tpu.memory_space<hbm>> -> memref<1x120x128xf32, #tpu.memory_space<hbm>>
      %dma_start3A_226 = tpu.memref_squeeze %dma_start3A_225 : memref<1x120x128xf32, #tpu.memory_space<hbm>> -> memref<120x128xf32, #tpu.memory_space<hbm>>
      %dma_start3A_227 = arith.constant 0 : i32
      %dma_start3A_228 = arith.constant 0 : i32
      %dma_start3A_229 = tpu.memref_slice %arg6[%dma_start3A_227, %dma_start3A_228] : memref<128x128xf32, #tpu.memory_space<vmem>> -> memref<120x128xf32, #tpu.memory_space<vmem>>
      tpu.enqueue_dma source(%dma_start3A_229 : memref<120x128xf32, #tpu.memory_space<vmem>>) target(%dma_start3A_226 : memref<120x128xf32, #tpu.memory_space<hbm>>) target_semaphore(%run_scoped3A : memref<!tpu.dma_semaphore, #tpu.memory_space<semaphore_mem>>)
      %dma_wait3A = arith.constant 0 : i32
      %dma_wait3A_230 = arith.constant 0 : i32
      %dma_wait3A_231 = tpu.memref_slice %arg6[%dma_wait3A, %dma_wait3A_230] : memref<128x128xf32, #tpu.memory_space<vmem>> -> memref<120x128xf32, #tpu.memory_space<vmem>>
      %dma_wait3A_232 = arith.constant 0 : i32
      %dma_wait3A_233 = tpu.memref_slice %arg4[%arg0, %add3A_217, %dma_wait3A_232] : memref<2x10112x128xf32, #tpu.memory_space<hbm>> -> memref<1x120x128xf32, #tpu.memory_space<hbm>>
      %dma_wait3A_234 = tpu.memref_squeeze %dma_wait3A_233 : memref<1x120x128xf32, #tpu.memory_space<hbm>> -> memref<120x128xf32, #tpu.memory_space<hbm>>
      %dma_wait3A_235 = arith.constant 0 : i32
      %dma_wait3A_236 = tpu.memref_slice %arg4[%arg0, %add3A_217, %dma_wait3A_235] : memref<2x10112x128xf32, #tpu.memory_space<hbm>> -> memref<1x120x128xf32, #tpu.memory_space<hbm>>
      %dma_wait3A_237 = tpu.memref_squeeze %dma_wait3A_236 : memref<1x120x128xf32, #tpu.memory_space<hbm>> -> memref<120x128xf32, #tpu.memory_space<hbm>>
      %dma_wait3A_238 = arith.constant 0 : i32
      %dma_wait3A_239 = arith.constant 0 : i32
      %dma_wait3A_240 = tpu.memref_slice %arg6[%dma_wait3A_238, %dma_wait3A_239] : memref<128x128xf32, #tpu.memory_space<vmem>> -> memref<120x128xf32, #tpu.memory_space<vmem>>
      tpu.wait_dma2 semaphore(%run_scoped3A : memref<!tpu.dma_semaphore, #tpu.memory_space<semaphore_mem>>) src(%dma_wait3A_240 : memref<120x128xf32, #tpu.memory_space<vmem>>) dst(%dma_wait3A_237 : memref<120x128xf32, #tpu.memory_space<hbm>>)
      tpu.yield
    }) : () -> ()
    return
  }
}

module attributes {stable_mosaic.version = 14 : i64} {
  func.func @body(%arg0: memref<10000x128xf32, #tpu.memory_space<vmem>>, %arg1: memref<128x128xf32, #tpu.memory_space<vmem>>, %arg2: memref<10000x128xf32, #tpu.memory_space<vmem>>) attributes {dimension_semantics = [], scalar_prefetch = 0 : i64, scratch_operands = 0 : i64, tpu.core_type = #tpu.core_type<tc>} {
    %get3A = arith.constant 0 : index
    %get3A_0 = arith.constant 0 : index
    %get3A_1 = vector.load %arg0[%get3A, %get3A_0] : memref<10000x128xf32, #tpu.memory_space<vmem>>, vector<10000x128xf32>
    %get3A_2 = arith.constant 0 : index
    %get3A_3 = arith.constant 0 : index
    %get3A_4 = vector.load %arg1[%get3A_2, %get3A_3] : memref<128x128xf32, #tpu.memory_space<vmem>>, vector<128x128xf32>
    %dot_general3A = arith.constant dense<0.000000e+00> : vector<10000x128xf32>
    %dot_general3A_5 = tpu.matmul %get3A_1, %get3A_4, %dot_general3A {dimension_numbers = #tpu.dot_dimension_numbers<[1], [0], [0], [1], [0, 0, 1, 1], [], []>, precision = #tpu.contract_precision<fp32>, transpose_lhs_hint = false} : vector<10000x128xf32>, vector<128x128xf32>, vector<10000x128xf32> -> vector<10000x128xf32>
    %swap3A = arith.constant 0 : index
    %swap3A_6 = arith.constant 0 : index
    %swap3A_7 = vector.load %arg2[%swap3A, %swap3A_6] : memref<10000x128xf32, #tpu.memory_space<vmem>>, vector<10000x128xf32>
    tpu.vector_store %arg2[%swap3A, %swap3A_6], %dot_general3A_5 {strides = array<i32>} : memref<10000x128xf32, #tpu.memory_space<vmem>>, vector<10000x128xf32>,
    return
  }
}

module attributes {stable_mosaic.version = 14 : i64} {
  func.func @body(%arg0: memref<10000x128xf32, #tpu.memory_space<vmem>>, %arg1: memref<32x10112xf32, #tpu.memory_space<vmem>>, %arg2: memref<10000x128xf32, #tpu.memory_space<vmem>>) attributes {dimension_semantics = [], scalar_prefetch = 0 : i64, scratch_operands = 0 : i64, tpu.core_type = #tpu.core_type<tc>} {
    %get3A = arith.constant 0 : index
    %get3A_0 = arith.constant 0 : index
    %get3A_1 = vector.load %arg0[%get3A, %get3A_0] : memref<10000x128xf32, #tpu.memory_space<vmem>>, vector<10000x128xf32>
    %get3A_2 = arith.constant 0 : index
    %get3A_3 = arith.constant 0 : index
    %get3A_4 = vector.load %arg1[%get3A_2, %get3A_3] : memref<32x10112xf32, #tpu.memory_space<vmem>>, vector<32x10112xf32>
    %broadcast_in_dim3A = arith.constant 1.000000e+00 : f32
    %broadcast_in_dim3A_5 = vector.broadcast %broadcast_in_dim3A : f32 to vector<32x1xf32>
    %dot_general3A = arith.constant dense<0.000000e+00> : vector<10112x1xf32>
    %dot_general3A_6 = tpu.matmul %get3A_4, %broadcast_in_dim3A_5, %dot_general3A {dimension_numbers = #tpu.dot_dimension_numbers<[0], [0], [1], [1], [0, 1, 1, 1], [], []>, precision = #tpu.contract_precision<fp32>, transpose_lhs_hint = false} : vector<32x10112xf32>, vector<32x1xf32>, vector<10112x1xf32> -> vector<10112x1xf32>
    %slice3A = vector.extract_strided_slice %dot_general3A_6 {offsets = [0, 0], sizes = [10000, 1], strides = [1, 1]} : vector<10112x1xf32> to vector<10000x1xf32>
    %add3A = arith.constant 1.000000e+00 : f32
    %add3A_7 = vector.broadcast %add3A : f32 to vector<10000x1xf32>
    %add3A_8 = arith.addf %slice3A, %add3A_7 : vector<10000x1xf32>
    %rsqrt3A = math.rsqrt %add3A_8 : vector<10000x1xf32>
    %mul3A = vector.broadcast %rsqrt3A : vector<10000x1xf32> to vector<10000x128xf32>
    %mul3A_9 = arith.mulf %get3A_1, %mul3A : vector<10000x128xf32>
    %swap3A = arith.constant 0 : index
    %swap3A_10 = arith.constant 0 : index
    %swap3A_11 = vector.load %arg2[%swap3A, %swap3A_10] : memref<10000x128xf32, #tpu.memory_space<vmem>>, vector<10000x128xf32>
    tpu.vector_store %arg2[%swap3A, %swap3A_10], %mul3A_9 {strides = array<i32>} : memref<10000x128xf32, #tpu.memory_space<vmem>>, vector<10000x128xf32>,
    return
  }
}

module attributes {stable_mosaic.version = 14 : i64} {
  func.func @body(%arg0: memref<2x10112x128xf32, #tpu.memory_space<vmem>>, %arg1: memref<10000x128xf32, #tpu.memory_space<vmem>>, %arg2: memref<32x10112xf32, #tpu.memory_space<vmem>>, %arg3: memref<1x128xf32, #tpu.memory_space<vmem>>, %arg4: memref<1x128xf32, #tpu.memory_space<vmem>>, %arg5: memref<1x128xf32, #tpu.memory_space<vmem>>, %arg6: memref<128x128xf32, #tpu.memory_space<vmem>>, %arg7: memref<10000x128xf32, #tpu.memory_space<vmem>>) attributes {dimension_semantics = [], scalar_prefetch = 0 : i64, scratch_operands = 0 : i64, tpu.core_type = #tpu.core_type<tc>} {
    %get3A = arith.constant 0 : index
    %get3A_0 = arith.constant 0 : index
    %get3A_1 = vector.load %arg2[%get3A, %get3A_0] : memref<32x10112xf32, #tpu.memory_space<vmem>>, vector<32x10112xf32>
    %broadcast_in_dim3A = arith.constant 1.000000e+00 : f32
    %broadcast_in_dim3A_2 = vector.broadcast %broadcast_in_dim3A : f32 to vector<32x1xf32>
    %dot_general3A = arith.constant dense<0.000000e+00> : vector<10112x1xf32>
    %dot_general3A_3 = tpu.matmul %get3A_1, %broadcast_in_dim3A_2, %dot_general3A {dimension_numbers = #tpu.dot_dimension_numbers<[0], [0], [1], [1], [0, 1, 1, 1], [], []>, precision = #tpu.contract_precision<fp32>, transpose_lhs_hint = false} : vector<32x10112xf32>, vector<32x1xf32>, vector<10112x1xf32> -> vector<10112x1xf32>
    %slice3A = vector.extract_strided_slice %dot_general3A_3 {offsets = [0, 0], sizes = [10000, 1], strides = [1, 1]} : vector<10112x1xf32> to vector<10000x1xf32>
    %add3A = arith.constant 1.000000e+00 : f32
    %add3A_4 = vector.broadcast %add3A : f32 to vector<10000x1xf32>
    %add3A_5 = arith.addf %slice3A, %add3A_4 : vector<10000x1xf32>
    %rsqrt3A = math.rsqrt %add3A_5 : vector<10000x1xf32>
    %get3A_6 = arith.constant 0 : index
    %get3A_7 = arith.constant 0 : index
    %get3A_8 = arith.constant 0 : index
    %get3A_9 = vector.load %arg0[%get3A_6, %get3A_7, %get3A_8] : memref<2x10112x128xf32, #tpu.memory_space<vmem>>, vector<1x10000x128xf32>
    %get3A_10 = vector.shape_cast %get3A_9 : vector<1x10000x128xf32> to vector<10000x128xf32>
    %get3A_11 = arith.constant 1 : index
    %get3A_12 = arith.constant 0 : index
    %get3A_13 = arith.constant 0 : index
    %get3A_14 = vector.load %arg0[%get3A_11, %get3A_12, %get3A_13] : memref<2x10112x128xf32, #tpu.memory_space<vmem>>, vector<1x10000x128xf32>
    %get3A_15 = vector.shape_cast %get3A_14 : vector<1x10000x128xf32> to vector<10000x128xf32>
    %add3A_16 = arith.addf %get3A_10, %get3A_15 : vector<10000x128xf32>
    %get3A_17 = arith.constant 0 : index
    %get3A_18 = arith.constant 0 : index
    %get3A_19 = vector.load %arg1[%get3A_17, %get3A_18] : memref<10000x128xf32, #tpu.memory_space<vmem>>, vector<10000x128xf32>
    %add3A_20 = arith.addf %add3A_16, %get3A_19 : vector<10000x128xf32>
    %mul3A = vector.broadcast %rsqrt3A : vector<10000x1xf32> to vector<10000x128xf32>
    %mul3A_21 = arith.mulf %add3A_20, %mul3A : vector<10000x128xf32>
    %get3A_22 = arith.constant 0 : index
    %get3A_23 = arith.constant 0 : index
    %get3A_24 = vector.load %arg3[%get3A_22, %get3A_23] : memref<1x128xf32, #tpu.memory_space<vmem>>, vector<1x128xf32>
    %add3A_25 = vector.broadcast %get3A_24 : vector<1x128xf32> to vector<10000x128xf32>
    %add3A_26 = arith.addf %mul3A_21, %add3A_25 : vector<10000x128xf32>
    %reduce_sum3A = arith.constant dense<0.000000e+00> : vector<128xf32>
    %reduce_sum3A_27 = vector.multi_reduction <add>, %add3A_26, %reduce_sum3A [0] : vector<10000x128xf32> to vector<128xf32>
    %broadcast_in_dim3A_28 = vector.shape_cast %reduce_sum3A_27 : vector<128xf32> to vector<1x128xf32>
    %div3A = arith.constant 1.000000e+04 : f32
    %div3A_29 = vector.broadcast %div3A : f32 to vector<1x128xf32>
    %div3A_30 = arith.divf %broadcast_in_dim3A_28, %div3A_29 : vector<1x128xf32>
    %sub3A = vector.broadcast %div3A_30 : vector<1x128xf32> to vector<10000x128xf32>
    %sub3A_31 = arith.subf %add3A_26, %sub3A : vector<10000x128xf32>
    %mul3A_32 = arith.mulf %sub3A_31, %sub3A_31 : vector<10000x128xf32>
    %reduce_sum3A_33 = arith.constant dense<0.000000e+00> : vector<128xf32>
    %reduce_sum3A_34 = vector.multi_reduction <add>, %mul3A_32, %reduce_sum3A_33 [0] : vector<10000x128xf32> to vector<128xf32>
    %broadcast_in_dim3A_35 = vector.shape_cast %reduce_sum3A_34 : vector<128xf32> to vector<1x128xf32>
    %div3A_36 = arith.constant 1.000000e+04 : f32
    %div3A_37 = vector.broadcast %div3A_36 : f32 to vector<1x128xf32>
    %div3A_38 = arith.divf %broadcast_in_dim3A_35, %div3A_37 : vector<1x128xf32>
    %add3A_39 = arith.constant 9.99999974E-6 : f32
    %add3A_40 = vector.broadcast %add3A_39 : f32 to vector<1x128xf32>
    %add3A_41 = arith.addf %div3A_38, %add3A_40 : vector<1x128xf32>
    %rsqrt3A_42 = math.rsqrt %add3A_41 : vector<1x128xf32>
    %mul3A_43 = vector.broadcast %rsqrt3A_42 : vector<1x128xf32> to vector<10000x128xf32>
    %mul3A_44 = arith.mulf %sub3A_31, %mul3A_43 : vector<10000x128xf32>
    %get3A_45 = arith.constant 0 : index
    %get3A_46 = arith.constant 0 : index
    %get3A_47 = vector.load %arg4[%get3A_45, %get3A_46] : memref<1x128xf32, #tpu.memory_space<vmem>>, vector<1x128xf32>
    %mul3A_48 = vector.broadcast %get3A_47 : vector<1x128xf32> to vector<10000x128xf32>
    %mul3A_49 = arith.mulf %mul3A_44, %mul3A_48 : vector<10000x128xf32>
    %get3A_50 = arith.constant 0 : index
    %get3A_51 = arith.constant 0 : index
    %get3A_52 = vector.load %arg5[%get3A_50, %get3A_51] : memref<1x128xf32, #tpu.memory_space<vmem>>, vector<1x128xf32>
    %add3A_53 = vector.broadcast %get3A_52 : vector<1x128xf32> to vector<10000x128xf32>
    %add3A_54 = arith.addf %mul3A_49, %add3A_53 : vector<10000x128xf32>
    %max3A = arith.constant 0.000000e+00 : f32
    %max3A_55 = vector.broadcast %max3A : f32 to vector<10000x128xf32>
    %max3A_56 = arith.maximumf %add3A_54, %max3A_55 : vector<10000x128xf32>
    %get3A_57 = arith.constant 0 : index
    %get3A_58 = arith.constant 0 : index
    %get3A_59 = vector.load %arg6[%get3A_57, %get3A_58] : memref<128x128xf32, #tpu.memory_space<vmem>>, vector<128x128xf32>
    %dot_general3A_60 = arith.constant dense<0.000000e+00> : vector<10000x128xf32>
    %dot_general3A_61 = tpu.matmul %max3A_56, %get3A_59, %dot_general3A_60 {dimension_numbers = #tpu.dot_dimension_numbers<[1], [0], [0], [1], [0, 0, 1, 1], [], []>, precision = #tpu.contract_precision<fp32>, transpose_lhs_hint = false} : vector<10000x128xf32>, vector<128x128xf32>, vector<10000x128xf32> -> vector<10000x128xf32>
    %mul3A_62 = vector.broadcast %rsqrt3A : vector<10000x1xf32> to vector<10000x128xf32>
    %mul3A_63 = arith.mulf %dot_general3A_61, %mul3A_62 : vector<10000x128xf32>
    %swap3A = arith.constant 0 : index
    %swap3A_64 = arith.constant 0 : index
    %swap3A_65 = vector.load %arg7[%swap3A, %swap3A_64] : memref<10000x128xf32, #tpu.memory_space<vmem>>, vector<10000x128xf32>
    tpu.vector_store %arg7[%swap3A, %swap3A_64], %mul3A_63 {strides = array<i32>} : memref<10000x128xf32, #tpu.memory_space<vmem>>, vector<10000x128xf32>,
    return
  }
}

module attributes {stable_mosaic.version = 14 : i64} {
  func.func @body(%arg0: memref<2x10112x128xf32, #tpu.memory_space<vmem>>, %arg1: memref<10000x128xf32, #tpu.memory_space<vmem>>, %arg2: memref<32x10112xf32, #tpu.memory_space<vmem>>, %arg3: memref<1x128xf32, #tpu.memory_space<vmem>>, %arg4: memref<1x128xf32, #tpu.memory_space<vmem>>, %arg5: memref<1x128xf32, #tpu.memory_space<vmem>>, %arg6: memref<128x2xf32, #tpu.memory_space<vmem>>, %arg7: memref<1x2xf32, #tpu.memory_space<vmem>>, %arg8: memref<10000x2xf32, #tpu.memory_space<vmem>>) attributes {dimension_semantics = [], scalar_prefetch = 0 : i64, scratch_operands = 0 : i64, tpu.core_type = #tpu.core_type<tc>} {
    %get3A = arith.constant 0 : index
    %get3A_0 = arith.constant 0 : index
    %get3A_1 = vector.load %arg2[%get3A, %get3A_0] : memref<32x10112xf32, #tpu.memory_space<vmem>>, vector<32x10112xf32>
    %broadcast_in_dim3A = arith.constant 1.000000e+00 : f32
    %broadcast_in_dim3A_2 = vector.broadcast %broadcast_in_dim3A : f32 to vector<32x1xf32>
    %dot_general3A = arith.constant dense<0.000000e+00> : vector<10112x1xf32>
    %dot_general3A_3 = tpu.matmul %get3A_1, %broadcast_in_dim3A_2, %dot_general3A {dimension_numbers = #tpu.dot_dimension_numbers<[0], [0], [1], [1], [0, 1, 1, 1], [], []>, precision = #tpu.contract_precision<fp32>, transpose_lhs_hint = false} : vector<32x10112xf32>, vector<32x1xf32>, vector<10112x1xf32> -> vector<10112x1xf32>
    %slice3A = vector.extract_strided_slice %dot_general3A_3 {offsets = [0, 0], sizes = [10000, 1], strides = [1, 1]} : vector<10112x1xf32> to vector<10000x1xf32>
    %add3A = arith.constant 1.000000e+00 : f32
    %add3A_4 = vector.broadcast %add3A : f32 to vector<10000x1xf32>
    %add3A_5 = arith.addf %slice3A, %add3A_4 : vector<10000x1xf32>
    %rsqrt3A = math.rsqrt %add3A_5 : vector<10000x1xf32>
    %get3A_6 = arith.constant 0 : index
    %get3A_7 = arith.constant 0 : index
    %get3A_8 = arith.constant 0 : index
    %get3A_9 = vector.load %arg0[%get3A_6, %get3A_7, %get3A_8] : memref<2x10112x128xf32, #tpu.memory_space<vmem>>, vector<1x10000x128xf32>
    %get3A_10 = vector.shape_cast %get3A_9 : vector<1x10000x128xf32> to vector<10000x128xf32>
    %get3A_11 = arith.constant 1 : index
    %get3A_12 = arith.constant 0 : index
    %get3A_13 = arith.constant 0 : index
    %get3A_14 = vector.load %arg0[%get3A_11, %get3A_12, %get3A_13] : memref<2x10112x128xf32, #tpu.memory_space<vmem>>, vector<1x10000x128xf32>
    %get3A_15 = vector.shape_cast %get3A_14 : vector<1x10000x128xf32> to vector<10000x128xf32>
    %add3A_16 = arith.addf %get3A_10, %get3A_15 : vector<10000x128xf32>
    %get3A_17 = arith.constant 0 : index
    %get3A_18 = arith.constant 0 : index
    %get3A_19 = vector.load %arg1[%get3A_17, %get3A_18] : memref<10000x128xf32, #tpu.memory_space<vmem>>, vector<10000x128xf32>
    %add3A_20 = arith.addf %add3A_16, %get3A_19 : vector<10000x128xf32>
    %mul3A = vector.broadcast %rsqrt3A : vector<10000x1xf32> to vector<10000x128xf32>
    %mul3A_21 = arith.mulf %add3A_20, %mul3A : vector<10000x128xf32>
    %get3A_22 = arith.constant 0 : index
    %get3A_23 = arith.constant 0 : index
    %get3A_24 = vector.load %arg3[%get3A_22, %get3A_23] : memref<1x128xf32, #tpu.memory_space<vmem>>, vector<1x128xf32>
    %add3A_25 = vector.broadcast %get3A_24 : vector<1x128xf32> to vector<10000x128xf32>
    %add3A_26 = arith.addf %mul3A_21, %add3A_25 : vector<10000x128xf32>
    %reduce_sum3A = arith.constant dense<0.000000e+00> : vector<128xf32>
    %reduce_sum3A_27 = vector.multi_reduction <add>, %add3A_26, %reduce_sum3A [0] : vector<10000x128xf32> to vector<128xf32>
    %broadcast_in_dim3A_28 = vector.shape_cast %reduce_sum3A_27 : vector<128xf32> to vector<1x128xf32>
    %div3A = arith.constant 1.000000e+04 : f32
    %div3A_29 = vector.broadcast %div3A : f32 to vector<1x128xf32>
    %div3A_30 = arith.divf %broadcast_in_dim3A_28, %div3A_29 : vector<1x128xf32>
    %sub3A = vector.broadcast %div3A_30 : vector<1x128xf32> to vector<10000x128xf32>
    %sub3A_31 = arith.subf %add3A_26, %sub3A : vector<10000x128xf32>
    %mul3A_32 = arith.mulf %sub3A_31, %sub3A_31 : vector<10000x128xf32>
    %reduce_sum3A_33 = arith.constant dense<0.000000e+00> : vector<128xf32>
    %reduce_sum3A_34 = vector.multi_reduction <add>, %mul3A_32, %reduce_sum3A_33 [0] : vector<10000x128xf32> to vector<128xf32>
    %broadcast_in_dim3A_35 = vector.shape_cast %reduce_sum3A_34 : vector<128xf32> to vector<1x128xf32>
    %div3A_36 = arith.constant 1.000000e+04 : f32
    %div3A_37 = vector.broadcast %div3A_36 : f32 to vector<1x128xf32>
    %div3A_38 = arith.divf %broadcast_in_dim3A_35, %div3A_37 : vector<1x128xf32>
    %add3A_39 = arith.constant 9.99999974E-6 : f32
    %add3A_40 = vector.broadcast %add3A_39 : f32 to vector<1x128xf32>
    %add3A_41 = arith.addf %div3A_38, %add3A_40 : vector<1x128xf32>
    %rsqrt3A_42 = math.rsqrt %add3A_41 : vector<1x128xf32>
    %mul3A_43 = vector.broadcast %rsqrt3A_42 : vector<1x128xf32> to vector<10000x128xf32>
    %mul3A_44 = arith.mulf %sub3A_31, %mul3A_43 : vector<10000x128xf32>
    %get3A_45 = arith.constant 0 : index
    %get3A_46 = arith.constant 0 : index
    %get3A_47 = vector.load %arg4[%get3A_45, %get3A_46] : memref<1x128xf32, #tpu.memory_space<vmem>>, vector<1x128xf32>
    %mul3A_48 = vector.broadcast %get3A_47 : vector<1x128xf32> to vector<10000x128xf32>
    %mul3A_49 = arith.mulf %mul3A_44, %mul3A_48 : vector<10000x128xf32>
    %get3A_50 = arith.constant 0 : index
    %get3A_51 = arith.constant 0 : index
    %get3A_52 = vector.load %arg5[%get3A_50, %get3A_51] : memref<1x128xf32, #tpu.memory_space<vmem>>, vector<1x128xf32>
    %add3A_53 = vector.broadcast %get3A_52 : vector<1x128xf32> to vector<10000x128xf32>
    %add3A_54 = arith.addf %mul3A_49, %add3A_53 : vector<10000x128xf32>
    %max3A = arith.constant 0.000000e+00 : f32
    %max3A_55 = vector.broadcast %max3A : f32 to vector<10000x128xf32>
    %max3A_56 = arith.maximumf %add3A_54, %max3A_55 : vector<10000x128xf32>
    %get3A_57 = arith.constant 0 : index
    %get3A_58 = arith.constant 0 : index
    %get3A_59 = vector.load %arg6[%get3A_57, %get3A_58] : memref<128x2xf32, #tpu.memory_space<vmem>>, vector<128x2xf32>
    %dot_general3A_60 = arith.constant dense<0.000000e+00> : vector<10000x2xf32>
    %dot_general3A_61 = tpu.matmul %max3A_56, %get3A_59, %dot_general3A_60 {dimension_numbers = #tpu.dot_dimension_numbers<[1], [0], [0], [1], [0, 0, 1, 1], [], []>, precision = #tpu.contract_precision<fp32>, transpose_lhs_hint = false} : vector<10000x128xf32>, vector<128x2xf32>, vector<10000x2xf32> -> vector<10000x2xf32>
    %get3A_62 = arith.constant 0 : index
    %get3A_63 = arith.constant 0 : index
    %get3A_64 = vector.load %arg7[%get3A_62, %get3A_63] : memref<1x2xf32, #tpu.memory_space<vmem>>, vector<1x2xf32>
    %add3A_65 = vector.broadcast %get3A_64 : vector<1x2xf32> to vector<10000x2xf32>
    %add3A_66 = arith.addf %dot_general3A_61, %add3A_65 : vector<10000x2xf32>
    %swap3A = arith.constant 0 : index
    %swap3A_67 = arith.constant 0 : index
    %swap3A_68 = vector.load %arg8[%swap3A, %swap3A_67] : memref<10000x2xf32, #tpu.memory_space<vmem>>, vector<10000x2xf32>
    tpu.vector_store %arg8[%swap3A, %swap3A_67], %add3A_66 {strides = array<i32>} : memref<10000x2xf32, #tpu.memory_space<vmem>>, vector<10000x2xf32>,
    return
  }
}

</mosaic_0001>

<sc_bundles>
// kernel: kernel.12.cloned.1.call-start
scs
__scs_entry_jumppad:
0x0: {  	(pc) =	sbr.rel $0x88, $3  }
0x1: {  	(tag) =	ssettag $0x0;
	lr =	simm.s32 $0x1  }
0x2: {  	[smem:$0x3F95] =	sst lr;
	_ =	strace $0xD0000000  }
0x3: {  	_ = 	snop  }
0x4: {  	_ = 	snop  }
0x5: {  	_ = 	snop  }
0x6: {  	_ = 	snop  }
0x7: {  	_ = 	snop  }
__scs_overlays_trampoline_lowered:
0x8: {  	[smem:$0x3FA4] =	sst s0  }
0x9: {  	[smem:$0x3FA5] =	sst s1  }
0xa: {  	[smem:$0x3FA6] =	sst s2  }
0xb: {  	[smem:$0x3FA7] =	sst s3  }
0xc: {  	[smem:$0x3FA8] =	sst s4  }
0xd: {  	[smem:$0x3FA9] =	sst s5  }
0xe: {  	[smem:$0x3FAA] =	sst s6  }
0xf: {  	[smem:$0x3FAB] =	sst s7  }
0x10: {  	[smem:$0x3FAC] =	sst s8  }
0x11: {  	[smem:$0x3FAD] =	sst s9;
	s0 =	simm.s32 @!p0 $0x0  }
0x12: {  	s1 =	sld [smem:$0x3F93];
	s0 =	simm.s32 @p0 $0x1  }
0x13: {  	[smem:$0x3FAE] =	sst s0;
	s0 =	simm.s32 @!p1 $0x0  }
0x14: {  	s2 =	sld [smem:$0x3F92];
	s0 =	simm.s32 @p1 $0x1  }
0x15: {  	[smem:$0x3FAF] =	sst s0;
	s0 =	simm.s32 @!p2 $0x0  }
0x16: {  	s3 =	sld [smem:$0x3FDB];
	s0 =	simm.s32 @p2 $0x1  }
0x17: {  	s4 =	simm.s32 $0x1BF5;
	[smem:$0x3FB1] =	sst s0  }
0x18: {  	s0 =	sld [smem:$0x3F94];
	_ =	swait.ge [sflag:s4], $0x0  }
0x19: {  	s7 =	sld [smem:$0x3F95]  }
0x1a: {  	s8 =	sadd.s32 $0xFFFFE003, lr  }
0x1b: {  	s9 =	sadd.s32 $0xFFFFFEF7, lr;
	s5 =	simm.s32 $0xFFFFFFFF;
	p2 =	slt.u32 s8, $0xFFFFF086  }
0x1c: {  	p1 =	slt.u32 s9, $0xF7A;
	s5 =	simm.s32 @!p2 $0x0  }
0x1d: {  	s5 =	simm.s32 @p1 $0x1;
	p0 =	seq.s32 s7, s2  }
0x1e: {  	s7 =	smul.u32 @!p0 $0xF7A, s2;
	p2 =	seq.s32 @!p0 s5, $0x0  }
0x1f: {  	s9 =	smul.u32 $0xF7A, s1;
	s8 =	simm.s32 @!p0 $0x1BF5;
	p2 =	por !p2, p0  }
0x20: {  	[sflag:s8] =	ssyncset.s32 @!p0 $0xFFFFF086;
	s6 =	sadd.s32 @!p0 s3, s7;
	s7 =	simm.s32 @!p0 $0x108  }
0x21: {  	s3 =	sadd.s32 s3, s9;
	s6 =	sadd.s32 @!p0 $0x88, s6;
	s7 =	simm.s32 @p2 $0x1082  }
0x22: {  	[simem:s7], [sflag:s8] =	dma.local @!p0 [hbm:s6], $0xF7A  }
0x23: {  	s9 =	sor.u32 $0xD0000000, s2;
	s6 =	simm.s32 $0x108;
	_ =	swait.ge @!p0 [sflag:s8], $0x0  }
0x24: {  	s3 =	sadd.s32 $0x88, s3;
	s6 =	simm.s32 @!p1 $0x1082;
	[sflag:s4] =	ssyncset.s32 $0xFFFFF086  }
0x25: {  	[simem:s6], [sflag:s4] =	dma.local [hbm:s3], $0xF7A  }
0x26: {  	[smem:$0x3F95] =	sst s1;
	(tag) =	ssettag s2;
	_ =	strace s9  }
0x27: {  	s1 =	sld [smem:$0x3FA5]  }
0x28: {  	s2 =	sld [smem:$0x3FA6]  }
0x29: {  	s4 =	sld [smem:$0x3FA8]  }
0x2a: {  	p0 =	seq.s32 s5, $0x0;
	s5 =	sld [smem:$0x3FA9]  }
0x2b: {  	s6 =	sld [smem:$0x3FAA]  }
0x2c: {  	s7 =	sld [smem:$0x3FAB]  }
0x2d: {  	s3 =	simm.s32 $0x108;
	s8 =	sld [smem:$0x3FAC]  }
0x2e: {  	s3 =	simm.s32 @!p0 $0x1082;
	s9 =	sld [smem:$0x3FAD]  }
0x2f: {  	lr =	sadd.s32 s0, s3;
	s0 =	sld [smem:$0x3FA4]  }
0x30: {  	s3 =	sld [smem:$0x3FA7]  }
0x31: {  	[smem:$0x3FB0] =	sst s10  }
0x32: {  	s10 =	sld [smem:$0x3FAE];
	_ =	sdelay $0x3  }
0x33: {  	p0 =	seq.s32 s10, $0x1;
	s10 =	sld [smem:$0x3FB0];
	_ =	sdelay $0x3  }
0x34: {  	[smem:$0x3FB0] =	sst s10  }
0x35: {  	s10 =	sld [smem:$0x3FAF];
	_ =	sdelay $0x3  }
0x36: {  	p1 =	seq.s32 s10, $0x1;
	s10 =	sld [smem:$0x3FB0];
	_ =	sdelay $0x3  }
0x37: {  	[smem:$0x3FB0] =	sst s10  }
0x38: {  	s10 =	sld [smem:$0x3FB1]  }
0x39: {  	_ = 	snop;
	(pc) =	sbr.ind lr, $3  }
0x3a: {  	_ = 	snop  }
0x3b: {  	_ = 	snop  }
0x3c: {  	p2 =	seq.s32 s10, $0x1;
	s10 =	sld [smem:$0x3FB0]  }
0x3d: {  	_ =	shalt  }
0x3e: {  	_ =	shalt  }
0x3f: {  	_ =	shalt  }
0x40: {  	_ =	shalt  }
0x41: {  	_ =	shalt  }
0x42: {  	_ =	shalt  }
0x43: {  	_ =	shalt  }
0x44: {  	_ =	shalt  }
0x45: {  	_ =	shalt  }
0x46: {  	_ =	shalt  }
0x47: {  	_ =	shalt  }
0x48: {  	_ =	shalt  }
0x49: {  	_ =	shalt  }
0x4a: {  	_ =	shalt  }
0x4b: {  	_ =	shalt  }
0x4c: {  	_ =	shalt  }
0x4d: {  	_ =	shalt  }
0x4e: {  	_ =	shalt  }
0x4f: {  	_ =	shalt  }
0x50: {  	_ =	shalt  }
0x51: {  	_ =	shalt  }
0x52: {  	_ =	shalt  }
0x53: {  	_ =	shalt  }
0x54: {  	_ =	shalt  }
0x55: {  	_ =	shalt  }
0x56: {  	_ =	shalt  }
0x57: {  	_ =	shalt  }
0x58: {  	_ =	shalt  }
0x59: {  	_ =	shalt  }
0x5a: {  	_ =	shalt  }
0x5b: {  	_ =	shalt  }
0x5c: {  	_ =	shalt  }
0x5d: {  	_ =	shalt  }
0x5e: {  	_ =	shalt  }
0x5f: {  	_ =	shalt  }
0x60: {  	_ =	shalt  }
0x61: {  	_ =	shalt  }
0x62: {  	_ =	shalt  }
0x63: {  	_ =	shalt  }
0x64: {  	_ =	shalt  }
0x65: {  	_ =	shalt  }
0x66: {  	_ =	shalt  }
0x67: {  	_ =	shalt  }
0x68: {  	_ =	shalt  }
0x69: {  	_ =	shalt  }
0x6a: {  	_ =	shalt  }
0x6b: {  	_ =	shalt  }
0x6c: {  	_ =	shalt  }
0x6d: {  	_ =	shalt  }
0x6e: {  	_ =	shalt  }
0x6f: {  	_ =	shalt  }
0x70: {  	_ =	shalt  }
0x71: {  	_ =	shalt  }
0x72: {  	_ =	shalt  }
0x73: {  	_ =	shalt  }
0x74: {  	_ =	shalt  }
0x75: {  	_ =	shalt  }
0x76: {  	_ =	shalt  }
0x77: {  	_ =	shalt  }
0x78: {  	_ =	shalt  }
0x79: {  	_ =	shalt  }
0x7a: {  	_ =	shalt  }
0x7b: {  	_ =	shalt  }
0x7c: {  	_ =	shalt  }
0x7d: {  	_ =	shalt  }
0x7e: {  	_ =	shalt  }
0x7f: {  	_ =	shalt  }
0x80: {  	_ =	shalt  }
0x81: {  	_ =	shalt  }
0x82: {  	_ =	shalt  }
0x83: {  	_ =	shalt  }
0x84: {  	_ =	shalt  }
0x85: {  	_ =	shalt  }
0x86: {  	_ =	shalt  }
0x87: {  	_ =	shalt  }
.Lfunc_end0:
.L_simem_size_0:
called_computation.1_lowered:
.L_overlay_start_0:
0x88: {  	s2 =	sld [smem:$0x3FD9]  }
0x89: {  	s3 =	sld [smem:$0x3FFE];
	_ =	sdelay $0x1  }
0x8a: {  	s1 =	srdreg.scid  }
0x8b: {  	s0 =	sand.u32 $0x1, s1  }
0x8c: {  	s16 =	sshll.u32 s0, $0xA;
	s2 =	sadd.s32 s3, s2  }
0x8d: {  	s2 =	sadd.s32 s2, s16  }
0x8e: {  	[smem:$0x3FBC] =	sst s2  }
0x8f: {  	_ = 	snop  }
0x90: {  	(tm) =	ssettm $0x1  }
0x91: {  	s17 =	sld [smem:$0x3FFB];
	_ =	sdelay $0x3  }
0x92: {  	_ =	strace s17  }
0x93: {  	s2 =	sld [smem:$0x3FFC];
	_ =	sdelay $0x3  }
0x94: {  	_ =	strace s2  }
0x95: {  	s2 =	sld [smem:$0x3FFD];
	_ =	sdelay $0x3  }
0x96: {  	_ =	strace s2  }
0x97: {  	_ =	strace $0x8FFFFFFF  }
0x98: {  	s18 =	sld [smem:$0x3FDB];
	_ =	sdelay $0x1  }
0x99: {  	s19 =	simm.s32 $_scs_section_size  }
0x9a: {  	s4 =	simm.s32 $_size__tile_overlayer_lowered;
	s5 =	simm.s32 $_tile_overlayer_lowered  }
0x9b: {  	s22 =	simm.s32 $0x1BFF;
	s21 =	sshll.u32 s5, $0x1;
	s2 =	sadd.s32 s19, s18  }
0x9c: {  	s6 =	simm.s32 $0x0;
	s20 =	sshll.u32 s4, $0x1;
	s4 =	sadd.s32 s21, s2  }
0x9d: {  	[timem:s6], [sflag:s22] =	dma.local [hbm:s4], s20  }
0x9e: {  	_ =	swait.ge [sflag:s22], s20  }
0x9f: {  	s3 =	ssub.s32 $0x0, s20;
	[sflag:s22] =	ssyncset.done $0x0  }
0xa0: {  	[sflag:s22] =	ssyncadd.s32 s3;
	_ =	sdelay $0x1  }
0xa1: {  	s23 =	simm.s32 $0x1B8B  }
0xa2: {  	_ =	swait.ge [sflag:s23], $0x1  }
0xa3: {  	[sflag:s23] =	ssyncset.done $0x0  }
0xa4: {  	s25 =	simm.s32 $0x1B8E;
	s24 =	sld [smem:$0x3FFE];
	[sflag:s23] =	ssyncadd.s32 $0xFFFFFFFF  }
0xa5: {  	s26 =	simm.s32 $execute0_lowered;
	[smem:$0x3FD2] =	sst s25  }
0xa6: {  	s4 =	sshll.u32 s26, $0x1;
	_ =	strace $0x80000049;
	[dreg:$0x1] =	wrdreg $0xFFFFFFFF  }
0xa7: {  	s28 =	simm.s32 $_size_execute0_lowered;
	s2 =	sadd.s32 s2, s4;
	[dreg:$0x0] =	wrdreg $0x0  }
0xa8: {  	s4 =	sshll.u32 s28, $0x1;
	[dreg:$0x2] =	wrdreg s2  }
0xa9: {  	[dreg:$0x3] =	wrdreg s4  }
0xaa: {  	[dreg:$0x4] =	wrdreg $0xC0  }
0xab: {  	_ =	task [dreg:s6], $0x5FFFF  }
0xac: {  	[dreg:$0x1] =	wrdreg $0xFFFFFFFF  }
0xad: {  	[dreg:$0x0] =	wrdreg $0x60  }
0xae: {  	[dreg:$0x2] =	wrdreg s24  }
0xaf: {  	[dreg:$0x3] =	wrdreg $0xAA000  }
0xb0: {  	[dreg:$0x4] =	wrdreg $0x9  }
0xb1: {  	_ =	task.clear_ibuf [dreg:s6], $0x5FFFF;
	_ =	strace $0x90000049  }
0xb2: {  	s29 =	simm.s32 $0x9;
	_ =	strace $0x8000004B  }
0xb3: {  	_ =	swait.ge [sflag:s29], $0x1  }
0xb4: {  	[sflag:s29] =	ssyncadd.s32 $0xFFFFFFFF  }
0xb5: {  	_ =	strace $0x9000004B  }
0xb6: {  	_ =	sfence  }
0xb7: {  	s30 =	sld [smem:$0x0];
	_ =	sdelay $0x2  }
0xb8: {  	s31 =	sshll.u32 s1, $0xD;
	s1 =	sshrl.u32 s1, $0x2  }
0xb9: {  	s3 =	sand.u32 $0x4000, s31;
	s1 =	sadd.s32 s1, s30  }
0xba: {  	s0 =	sor.u32 s3, s0;
	s1 =	sshll.u32 s1, $0x11  }
0xbb: {  	s0 =	sor.u32 s1, s0  }
0xbc: {  	s0 =	sadd.s32 $0x8F2B, s0  }
0xbd: {  	[sflag:s0] =	ssyncadd.remote.s32 $0x1  }
0xbe: {  	_ =	sfence.sel $0xFFFF  }
0xbf: {  	[dreg:$0x0] =	wrdreg $0xFFFFFFFF;
	(pc) =	sbr.abs _section_cstart, $3  }
0xc0: {  	[dreg:$0x1] =	wrdreg $0xFFFFFFFF  }
0xc1: {  	_ =	task.clear_ibuf [dreg:s6], $0x2FFFF;
	_ =	strace $0x9FFFFFFF  }
0xc2: {  	(tm) =	ssettm $0x7FFFFFFF  }
0xc3: {  	_ =	shalt  }
tec
execute0_lowered:
.L_overlay_start_1:
0x0: {  	(tag) =	ssettag $0x1  }
0x1: {  	s0 =	rddreg [dreg:$0x0];
	s1 =	srdreg.scid  }
0x2: {  	s2 =	rddreg [dreg:$0x1];
	s9 =	stileid.u32  }
0x3: {  	s3 =	simm.s32 $0x0;
	s18 =	simm.s32 $0x2800;
	s19 =	simm.s32 $0x80  }
0x4: {  	s21 =	simm.s32 $0xA880;
	s22 =	simm.s32 $0x6800;
	s23 =	simm.s32 $0x1  }
0x5: {  	s24 =	simm.s32 $0xA900;
	s25 =	simm.s32 $0x2;
	s5 =	smul.u32 $0x2800, s9  }
0x6: {  	s26 =	simm.s32 $0xA980;
	s28 =	simm.s32 $0x0;
	s6 =	smul.u32 $0x4F000, s9  }
0x7: {  	s1 =	sand.u32 $0x1, s1;
	[smem:$0x7FF] =	sst s3;
	s10 =	smul.u32 $0x13C00, s9  }
0x8: {  	s4 =	smul.u32 $0x28000, s1;
	_ =	strace $0x8000004A;
	s7 =	ssub.s32 $0x2, s1  }
0x9: {  	s1 =	smul.u32 $0x13C000, s1;
	s8 =	sshrl.u32 s7, $0x1;
	s6 =	sshrl.u32 s6, $0x2  }
0xa: {  	s11 =	sadd.s32 $0x4000, s10;
	s13 =	sadd.s32 $0x8000, s10;
	s14 =	sadd.s32 $0xC000, s10  }
0xb: {  	s15 =	sadd.s32 $0x10000, s10;
	s5 =	sadd.s32 s5, s4;
	s4 =	sadd.s32 $0xD800, s0  }
0xc: {  	s16 =	ssub.s32 s7, s8;
	s6 =	sadd.s32 s6, s2;
	s7 =	sadd.s32 s11, s2  }
0xd: {  	s8 =	sadd.s32 s13, s2;
	s9 =	sadd.s32 s14, s2;
	s12 =	sadd.s32 s10, s1  }
0xe: {  	s11 =	sadd.s32 s1, s11;
	s10 =	sadd.s32 s15, s2;
	s13 =	sadd.s32 s1, s13  }
0xf: {  	s14 =	sadd.s32 s1, s14;
	s1 =	sadd.s32 s1, s15;
	s5 =	sshrl.u32 s5, $0x3  }
0x10: {  	s12 =	sshrl.u32 s12, $0x3;
	s17 =	sshrl.u32 s11, $0x3;
	s13 =	sshrl.u32 s13, $0x3  }
0x11: {  	s14 =	sshrl.u32 s14, $0x3;
	s1 =	sshrl.u32 s1, $0x3;
	s5 =	sadd.s32 s5, s0  }
0x12: {  	s16 =	smax.u32 s16, $0x1;
	s0 =	sadd.s32 $0x34A00, s0;
	s5 =	sadd.s32 $0x3800, s5  }
0x13: {  	s11 =	sadd.s32 s0, s12;
	s12 =	sadd.s32 s0, s17;
	s13 =	sadd.s32 s0, s13  }
0x14: {  	v0 =	vimm.f32 $0.0e+00;
	s14 =	sadd.s32 s0, s14;
	s15 =	sadd.s32 s0, s1;
	s17 =	simm.s32 $0x3  }
.LBB2_1:
0x15: {  	[tilespmem:s3], [sflag:$0x3] =	stream.linear.gather [hbm4b:s5+s3], $0x2800, $0x38;
	[tilespmem:$0x1E600] =	vst v63  }
0x16: {  	_ =	swait.ge [sflag:s17], $0x2800  }
0x17: {  	[sflag:s17] =	ssyncset.done $0x0  }
0x18: {  	s0 =	simm.s32 $0x0;
	s1 =	simm.s32 $0x200;
	[sflag:s17] =	ssyncadd.s32 $0xFFFFD800  }
.LBB2_2:
0x19: {  	p0 =	sne.s32 s1, $0xFE00;
	[tilespmem:s0+$0x2870] =	vst v0  }
0x1a: {  	[tilespmem:s0+$0x2800] =	vst v0  }
0x1b: {  	[tilespmem:s0+$0x2810] =	vst v0  }
.Ltmp0:
0x1c: {  	[tilespmem:s0+$0x2820] =	vst v0;
	(pc) =	sbr.rel @p0 .LBB2_2-.Ltmp0, $4  }
0x1d: {  	[tilespmem:s0+$0x2830] =	vst v0  }
0x1e: {  	[tilespmem:s0+$0x2840] =	vst v0  }
0x1f: {  	[tilespmem:s0+$0x2850] =	vst v0  }
0x20: {  	[tilespmem:s0+$0x2860] =	vst v0;
	s0 =	sshra.s32 s1, $0x2;
	s1 =	sadd.s32 $0x200, s1  }
0x21: {  	[tilespmem:s0+$0x2870] =	vst v0  }
0x22: {  	[tilespmem:s0+$0x2800] =	vst v0  }
0x23: {  	[tilespmem:s0+$0x2810] =	vst v0  }
0x24: {  	[tilespmem:s0+$0x2820] =	vst v0  }
0x25: {  	[tilespmem:s0+$0x2830] =	vst v0  }
0x26: {  	[tilespmem:s0+$0x2840] =	vst v0  }
0x27: {  	[tilespmem:s0+$0x2850] =	vst v0  }
0x28: {  	[tilespmem:s0+$0x2860] =	vst v0  }
0x29: {  	[spmem:s6] =	stream.linear.scatter [tilespmem:s18], [sflag:$0x3], $0x4000, $0x38;
	[tilespmem:$0x1E600] =	vst v63  }
0x2a: {  	_ =	swait.ge [sflag:s17], $0x4000  }
0x2b: {  	[sflag:s17] =	ssyncset.done $0x0  }
0x2c: {  	[sflag:s17] =	ssyncadd.s32 $0xFFFFC000  }
0x2d: {  	[spmem:s7] =	stream.linear.scatter [tilespmem:s18], [sflag:$0x3], $0x4000, $0x38;
	[tilespmem:$0x1E600] =	vst v63  }
0x2e: {  	_ =	swait.ge [sflag:s17], $0x4000  }
0x2f: {  	[sflag:s17] =	ssyncset.done $0x0  }
0x30: {  	[sflag:s17] =	ssyncadd.s32 $0xFFFFC000  }
0x31: {  	[spmem:s8] =	stream.linear.scatter [tilespmem:s18], [sflag:$0x3], $0x4000, $0x38;
	[tilespmem:$0x1E600] =	vst v63  }
0x32: {  	_ =	swait.ge [sflag:s17], $0x4000  }
0x33: {  	[sflag:s17] =	ssyncset.done $0x0  }
0x34: {  	[sflag:s17] =	ssyncadd.s32 $0xFFFFC000  }
0x35: {  	[spmem:s9] =	stream.linear.scatter [tilespmem:s18], [sflag:$0x3], $0x4000, $0x38;
	[tilespmem:$0x1E600] =	vst v63  }
0x36: {  	_ =	swait.ge [sflag:s17], $0x4000  }
0x37: {  	[sflag:s17] =	ssyncset.done $0x0  }
0x38: {  	[sflag:s17] =	ssyncadd.s32 $0xFFFFC000  }
0x39: {  	[spmem:s10] =	stream.linear.scatter [tilespmem:s18], [sflag:$0x3], $0x3C00, $0x38;
	[tilespmem:$0x1E600] =	vst v63  }
0x3a: {  	_ =	swait.ge [sflag:s17], $0x3C00  }
0x3b: {  	[sflag:s17] =	ssyncset.done $0x0  }
0x3c: {  	[sflag:s17] =	ssyncadd.s32 $0xFFFFC400  }
0x3d: {  	[bflag:$0x0] =	sbarrier.arrive $0xFFFF  }
0x3e: {  	v1 =	vld [tilespmem:$0x0];
	_ =	sdelay $0x1  }
0x3f: {  	v2 =	vld [tilespmem:$0x10];
	_ =	sdelay $0x1  }
0x40: {  	v3 =	vld [tilespmem:$0x20]  }
0x41: {  	v4 =	vand.u32 $0x3FFF, v1  }
0x42: {  	v62 =	vld [tilespmem:$0x30];
	v1 =	vshrl.u32 v1, $0xE;
	[tilespmem:$0xA800] =	vst v4  }
0x43: {  	[tilespmem:$0xA900] =	vst v1;
	v1 =	vand.u32 $0x3FFF, v2  }
0x44: {  	[tilespmem:$0xA810] =	vst v1;
	v1 =	vshrl.u32 v2, $0xE;
	v2 =	vld [tilespmem:$0x40]  }
0x45: {  	[tilespmem:$0xA910] =	vst v1;
	v1 =	vand.u32 $0x3FFF, v3  }
0x46: {  	[tilespmem:$0xA820] =	vst v1;
	v1 =	vshrl.u32 v3, $0xE;
	v3 =	vld [tilespmem:$0x50]  }
0x47: {  	[tilespmem:$0xA920] =	vst v1;
	v1 =	vand.u32 $0x3FFF, v62  }
0x48: {  	v63 =	vld [tilespmem:$0x60];
	[tilespmem:$0xA830] =	vst v1;
	v1 =	vshrl.u32 v62, $0xE  }
0x49: {  	[tilespmem:$0xA930] =	vst v1;
	v1 =	vand.u32 $0x3FFF, v2  }
0x4a: {  	[tilespmem:$0xA840] =	vst v1;
	v1 =	vshrl.u32 v2, $0xE;
	v2 =	vld [tilespmem:$0x70]  }
0x4b: {  	[tilespmem:$0xA940] =	vst v1;
	v1 =	vand.u32 $0x3FFF, v3  }
0x4c: {  	[tilespmem:$0xA850] =	vst v1;
	v1 =	vshrl.u32 v3, $0xE  }
0x4d: {  	[tilespmem:$0xA950] =	vst v1;
	v1 =	vand.u32 $0x3FFF, v63  }
0x4e: {  	[tilespmem:$0xA860] =	vst v1;
	v1 =	vshrl.u32 v63, $0xE  }
0x4f: {  	[tilespmem:$0xA960] =	vst v1;
	v1 =	vand.u32 $0x3FFF, v2  }
0x50: {  	[tilespmem:$0xA870] =	vst v1;
	v1 =	vshrl.u32 v2, $0xE  }
0x51: {  	s20 =	simm.s32 $0xA800;
	s31 =	simm.s32 $0x0;
	[tilespmem:$0xA970] =	vst v1  }
0x52: {  	[tilespmem:s18], [sflag:$0x1] =	stream.indirect.gather [hbm4b:s4+s19], $0x80, s20, s19, $0xb8;
	[tilespmem:$0x1E600] =	vst v63  }
0x53: {  	v1 =	vld [tilespmem:s31+$0x80];
	_ =	sdelay $0x4  }
0x54: {  	v2 =	vand.u32 $0x3FFF, v1  }
0x55: {  	v1 =	vshrl.u32 v1, $0xE;
	[tilespmem:$0xA880] =	vst v2  }
0x56: {  	[tilespmem:$0xA980] =	vst v1  }
0x57: {  	v1 =	vld [tilespmem:s31+$0x90];
	_ =	sdelay $0x4  }
0x58: {  	v2 =	vand.u32 $0x3FFF, v1  }
0x59: {  	v1 =	vshrl.u32 v1, $0xE;
	[tilespmem:$0xA890] =	vst v2  }
0x5a: {  	[tilespmem:$0xA990] =	vst v1  }
0x5b: {  	v1 =	vld [tilespmem:s31+$0xA0];
	_ =	sdelay $0x4  }
0x5c: {  	v2 =	vand.u32 $0x3FFF, v1  }
0x5d: {  	v1 =	vshrl.u32 v1, $0xE;
	[tilespmem:$0xA8A0] =	vst v2  }
0x5e: {  	[tilespmem:$0xA9A0] =	vst v1  }
0x5f: {  	v1 =	vld [tilespmem:s31+$0xB0];
	_ =	sdelay $0x4  }
0x60: {  	v2 =	vand.u32 $0x3FFF, v1  }
0x61: {  	v1 =	vshrl.u32 v1, $0xE;
	[tilespmem:$0xA8B0] =	vst v2  }
0x62: {  	[tilespmem:$0xA9B0] =	vst v1  }
0x63: {  	v1 =	vld [tilespmem:s31+$0xC0];
	_ =	sdelay $0x4  }
0x64: {  	v2 =	vand.u32 $0x3FFF, v1  }
0x65: {  	v1 =	vshrl.u32 v1, $0xE;
	[tilespmem:$0xA8C0] =	vst v2  }
0x66: {  	[tilespmem:$0xA9C0] =	vst v1  }
0x67: {  	v1 =	vld [tilespmem:s31+$0xD0];
	_ =	sdelay $0x4  }
0x68: {  	v2 =	vand.u32 $0x3FFF, v1  }
0x69: {  	v1 =	vshrl.u32 v1, $0xE;
	[tilespmem:$0xA8D0] =	vst v2  }
0x6a: {  	[tilespmem:$0xA9D0] =	vst v1  }
0x6b: {  	v1 =	vld [tilespmem:s31+$0xE0];
	_ =	sdelay $0x4  }
0x6c: {  	v2 =	vand.u32 $0x3FFF, v1  }
0x6d: {  	v1 =	vshrl.u32 v1, $0xE;
	[tilespmem:$0xA8E0] =	vst v2  }
0x6e: {  	[tilespmem:$0xA9E0] =	vst v1  }
0x6f: {  	v1 =	vld [tilespmem:s31+$0xF0];
	_ =	sdelay $0x4  }
0x70: {  	v2 =	vand.u32 $0x3FFF, v1  }
0x71: {  	v1 =	vshrl.u32 v1, $0xE;
	[tilespmem:$0xA8F0] =	vst v2  }
0x72: {  	[tilespmem:$0xA9F0] =	vst v1  }
0x73: {  	[tilespmem:s22], [sflag:$0x2] =	stream.indirect.gather [hbm4b:s4+s19], $0x80, s21, s19, $0xb8;
	[tilespmem:$0x1E600] =	vst v63  }
0x74: {  	_ =	swait.ge [sflag:s23], $0x4000  }
0x75: {  	[sflag:s23] =	ssyncset.done $0x0  }
0x76: {  	[sflag:s23] =	ssyncadd.s32 $0xFFFFC000  }
0x77: {  	[spmem:s2] =	stream.indirect.scatter.add.f32 [tilespmem:s18], [sflag:$0x3], $0x80, s24, s19, $0xb8;
	[tilespmem:$0x1E600] =	vst v63  }
0x78: {  	_ =	swait.ge [sflag:s17], $0x4000  }
0x79: {  	p1 =	por $0x0, $0x0;
	[sflag:s17] =	ssyncset.done $0x0  }
0x7a: {  	s30 =	simm.s32 @!p1 $0x0;
	[sflag:s17] =	ssyncadd.s32 $0xFFFFC000  }
0x7b: {  	v1 =	vld @!p1 [tilespmem:s30+$0x100];
	_ =	sdelay $0x4  }
0x7c: {  	v2 =	vand.u32 @!p1 $0x3FFF, v1  }
0x7d: {  	v1 =	vshrl.u32 @!p1 v1, $0xE;
	[tilespmem:$0xA800] =	vst @!p1 v2  }
0x7e: {  	[tilespmem:$0xA900] =	vst @!p1 v1  }
0x7f: {  	v1 =	vld @!p1 [tilespmem:s30+$0x110];
	_ =	sdelay $0x4  }
0x80: {  	v2 =	vand.u32 @!p1 $0x3FFF, v1  }
0x81: {  	v1 =	vshrl.u32 @!p1 v1, $0xE;
	[tilespmem:$0xA810] =	vst @!p1 v2  }
0x82: {  	[tilespmem:$0xA910] =	vst @!p1 v1  }
0x83: {  	v1 =	vld @!p1 [tilespmem:s30+$0x120];
	_ =	sdelay $0x4  }
0x84: {  	v2 =	vand.u32 @!p1 $0x3FFF, v1  }
0x85: {  	v1 =	vshrl.u32 @!p1 v1, $0xE;
	[tilespmem:$0xA820] =	vst @!p1 v2  }
0x86: {  	[tilespmem:$0xA920] =	vst @!p1 v1  }
0x87: {  	v1 =	vld @!p1 [tilespmem:s30+$0x130];
	_ =	sdelay $0x4  }
0x88: {  	v2 =	vand.u32 @!p1 $0x3FFF, v1  }
0x89: {  	v1 =	vshrl.u32 @!p1 v1, $0xE;
	[tilespmem:$0xA830] =	vst @!p1 v2  }
0x8a: {  	[tilespmem:$0xA930] =	vst @!p1 v1  }
0x8b: {  	v1 =	vld @!p1 [tilespmem:s30+$0x140];
	_ =	sdelay $0x4  }
0x8c: {  	v2 =	vand.u32 @!p1 $0x3FFF, v1  }
0x8d: {  	v1 =	vshrl.u32 @!p1 v1, $0xE;
	[tilespmem:$0xA840] =	vst @!p1 v2  }
0x8e: {  	[tilespmem:$0xA940] =	vst @!p1 v1  }
0x8f: {  	v1 =	vld @!p1 [tilespmem:s30+$0x150];
	_ =	sdelay $0x4  }
0x90: {  	v2 =	vand.u32 @!p1 $0x3FFF, v1  }
0x91: {  	v1 =	vshrl.u32 @!p1 v1, $0xE;
	[tilespmem:$0xA850] =	vst @!p1 v2  }
0x92: {  	[tilespmem:$0xA950] =	vst @!p1 v1  }
0x93: {  	v1 =	vld @!p1 [tilespmem:s30+$0x160];
	_ =	sdelay $0x4  }
0x94: {  	s29 =	simm.s32 $0x400;
	v2 =	vand.u32 @!p1 $0x3FFF, v1  }
0x95: {  	s0 =	simm.s32 @!p1 $0x80;
	s1 =	simm.s32 @!p1 $0xA800;
	s20 =	simm.s32 @!p1 $0x2800;
	v1 =	vshrl.u32 @!p1 v1, $0xE;
	[tilespmem:$0xA860] =	vst @!p1 v2  }
.LBB2_4:
0x96: {  	[tilespmem:$0xA960] =	vst @!p1 v1;
	s31 =	smov.u32 s29;
	s29 =	sadd.s32 $0x400, s29  }
0x97: {  	p0 =	sne.s32 s29, $0xA000;
	v1 =	vld @!p1 [tilespmem:s30+$0x170];
	_ =	sdelay $0x4  }
0x98: {  	v2 =	vand.u32 @!p1 $0x3FFF, v1;
	v1 =	vshrl.u32 @!p1 v1, $0xE  }
0x99: {  	[tilespmem:$0xA870] =	vst @!p1 v2  }
0x9a: {  	[tilespmem:$0xA970] =	vst @!p1 v1  }
0x9b: {  	[tilespmem:s20], [sflag:$0x1] =	stream.indirect.gather @!p1 [hbm4b:s4+s0], $0x80, s1, s0, $0xb8;
	[tilespmem:$0x1E600] =	vst v63  }
0x9c: {  	_ =	swait.ge [sflag:s25], $0x4000  }
0x9d: {  	[sflag:s25] =	ssyncset.done $0x0  }
0x9e: {  	[sflag:s25] =	ssyncadd.s32 $0xFFFFC000  }
0x9f: {  	[spmem:s2] =	stream.indirect.scatter.add.f32 [tilespmem:s22], [sflag:$0x3], $0x80, s26, s19, $0xb8;
	[tilespmem:$0x1E600] =	vst v63  }
0xa0: {  	_ =	swait.ge [sflag:s17], $0x4000  }
0xa1: {  	[sflag:s17] =	ssyncset.done $0x0  }
0xa2: {  	s30 =	sshra.s32 s31, $0x2;
	[sflag:s17] =	ssyncadd.s32 $0xFFFFC000  }
0xa3: {  	v1 =	vld [tilespmem:s30+$0x80];
	_ =	sdelay $0x4  }
0xa4: {  	v2 =	vand.u32 $0x3FFF, v1;
	v1 =	vshrl.u32 v1, $0xE  }
0xa5: {  	[tilespmem:$0xA880] =	vst v2  }
0xa6: {  	[tilespmem:$0xA980] =	vst v1  }
0xa7: {  	v1 =	vld [tilespmem:s30+$0x90];
	_ =	sdelay $0x4  }
0xa8: {  	v2 =	vand.u32 $0x3FFF, v1;
	v1 =	vshrl.u32 v1, $0xE  }
0xa9: {  	[tilespmem:$0xA890] =	vst v2  }
0xaa: {  	[tilespmem:$0xA990] =	vst v1  }
0xab: {  	v1 =	vld [tilespmem:s30+$0xA0];
	_ =	sdelay $0x4  }
0xac: {  	v2 =	vand.u32 $0x3FFF, v1;
	v1 =	vshrl.u32 v1, $0xE  }
0xad: {  	[tilespmem:$0xA8A0] =	vst v2  }
0xae: {  	[tilespmem:$0xA9A0] =	vst v1  }
0xaf: {  	v1 =	vld [tilespmem:s30+$0xB0];
	_ =	sdelay $0x4  }
0xb0: {  	v2 =	vand.u32 $0x3FFF, v1;
	v1 =	vshrl.u32 v1, $0xE  }
0xb1: {  	[tilespmem:$0xA8B0] =	vst v2  }
0xb2: {  	[tilespmem:$0xA9B0] =	vst v1  }
0xb3: {  	v1 =	vld [tilespmem:s30+$0xC0];
	_ =	sdelay $0x4  }
0xb4: {  	v2 =	vand.u32 $0x3FFF, v1;
	v1 =	vshrl.u32 v1, $0xE  }
0xb5: {  	[tilespmem:$0xA8C0] =	vst v2  }
0xb6: {  	[tilespmem:$0xA9C0] =	vst v1  }
0xb7: {  	v1 =	vld [tilespmem:s30+$0xD0];
	_ =	sdelay $0x4  }
0xb8: {  	v2 =	vand.u32 $0x3FFF, v1;
	v1 =	vshrl.u32 v1, $0xE  }
0xb9: {  	[tilespmem:$0xA8D0] =	vst v2  }
0xba: {  	[tilespmem:$0xA9D0] =	vst v1  }
0xbb: {  	v1 =	vld [tilespmem:s30+$0xE0];
	_ =	sdelay $0x4  }
0xbc: {  	v2 =	vand.u32 $0x3FFF, v1;
	v1 =	vshrl.u32 v1, $0xE  }
0xbd: {  	[tilespmem:$0xA8E0] =	vst v2  }
0xbe: {  	[tilespmem:$0xA9E0] =	vst v1  }
0xbf: {  	v1 =	vld [tilespmem:s30+$0xF0];
	_ =	sdelay $0x4  }
0xc0: {  	v2 =	vand.u32 $0x3FFF, v1;
	v1 =	vshrl.u32 v1, $0xE  }
0xc1: {  	p1 =	seq.s32 s31, $0x9C00;
	[tilespmem:$0xA8F0] =	vst v2  }
0xc2: {  	s30 =	sshra.s32 @!p1 s31, $0x2;
	[tilespmem:$0xA9F0] =	vst v1  }
0xc3: {  	[tilespmem:s22], [sflag:$0x2] =	stream.indirect.gather [hbm4b:s4+s19], $0x80, s21, s19, $0xb8;
	[tilespmem:$0x1E600] =	vst v63  }
0xc4: {  	_ =	swait.ge [sflag:s23], $0x4000  }
0xc5: {  	[sflag:s23] =	ssyncset.done $0x0  }
0xc6: {  	[sflag:s23] =	ssyncadd.s32 $0xFFFFC000  }
0xc7: {  	[spmem:s2] =	stream.indirect.scatter.add.f32 [tilespmem:s18], [sflag:$0x3], $0x80, s24, s19, $0xb8;
	[tilespmem:$0x1E600] =	vst v63  }
0xc8: {  	_ =	swait.ge [sflag:s17], $0x4000  }
0xc9: {  	[sflag:s17] =	ssyncset.done $0x0  }
0xca: {  	[sflag:s17] =	ssyncadd.s32 $0xFFFFC000  }
0xcb: {  	v1 =	vld @!p1 [tilespmem:s30+$0x100];
	_ =	sdelay $0x4  }
0xcc: {  	v2 =	vand.u32 @!p1 $0x3FFF, v1;
	v1 =	vshrl.u32 @!p1 v1, $0xE  }
0xcd: {  	[tilespmem:$0xA800] =	vst @!p1 v2  }
0xce: {  	[tilespmem:$0xA900] =	vst @!p1 v1  }
0xcf: {  	v1 =	vld @!p1 [tilespmem:s30+$0x110];
	_ =	sdelay $0x4  }
0xd0: {  	v2 =	vand.u32 @!p1 $0x3FFF, v1;
	v1 =	vshrl.u32 @!p1 v1, $0xE  }
0xd1: {  	[tilespmem:$0xA810] =	vst @!p1 v2  }
0xd2: {  	[tilespmem:$0xA910] =	vst @!p1 v1  }
0xd3: {  	v1 =	vld @!p1 [tilespmem:s30+$0x120];
	_ =	sdelay $0x4  }
0xd4: {  	v2 =	vand.u32 @!p1 $0x3FFF, v1;
	v1 =	vshrl.u32 @!p1 v1, $0xE  }
0xd5: {  	[tilespmem:$0xA820] =	vst @!p1 v2  }
0xd6: {  	[tilespmem:$0xA920] =	vst @!p1 v1  }
0xd7: {  	v1 =	vld @!p1 [tilespmem:s30+$0x130];
	_ =	sdelay $0x4  }
0xd8: {  	v2 =	vand.u32 @!p1 $0x3FFF, v1;
	v1 =	vshrl.u32 @!p1 v1, $0xE  }
0xd9: {  	[tilespmem:$0xA830] =	vst @!p1 v2  }
0xda: {  	[tilespmem:$0xA930] =	vst @!p1 v1  }
0xdb: {  	v1 =	vld @!p1 [tilespmem:s30+$0x140];
	_ =	sdelay $0x4  }
0xdc: {  	v2 =	vand.u32 @!p1 $0x3FFF, v1;
	v1 =	vshrl.u32 @!p1 v1, $0xE  }
0xdd: {  	[tilespmem:$0xA840] =	vst @!p1 v2  }
0xde: {  	[tilespmem:$0xA940] =	vst @!p1 v1  }
0xdf: {  	v1 =	vld @!p1 [tilespmem:s30+$0x150];
	_ =	sdelay $0x4  }
0xe0: {  	v2 =	vand.u32 @!p1 $0x3FFF, v1;
	v1 =	vshrl.u32 @!p1 v1, $0xE  }
0xe1: {  	[tilespmem:$0xA850] =	vst @!p1 v2  }
0xe2: {  	s0 =	simm.s32 @!p1 $0x80;
	s1 =	simm.s32 @!p1 $0xA800;
	s20 =	simm.s32 @!p1 $0x2800;
	[tilespmem:$0xA950] =	vst @!p1 v1  }
0xe3: {  	v1 =	vld @!p1 [tilespmem:s30+$0x160];
	_ =	sdelay $0x1  }
.Ltmp1:
0xe4: {  	(pc) =	sbr.rel @p0 .LBB2_4-.Ltmp1, $3  }
0xe5: {  	_ =	sdelay $0x1  }
0xe6: {  	v2 =	vand.u32 @!p1 $0x3FFF, v1;
	v1 =	vshrl.u32 @!p1 v1, $0xE  }
0xe7: {  	[tilespmem:$0xA860] =	vst @!p1 v2  }
0xe8: {  	[tilespmem:$0xA960] =	vst @!p1 v1  }
0xe9: {  	v1 =	vld @!p1 [tilespmem:s30+$0x170];
	_ =	sdelay $0x4  }
0xea: {  	v2 =	vand.u32 @!p1 $0x3FFF, v1  }
0xeb: {  	v1 =	vshrl.u32 @!p1 v1, $0xE;
	[tilespmem:$0xA870] =	vst @!p1 v2  }
0xec: {  	[tilespmem:$0xA970] =	vst @!p1 v1  }
0xed: {  	[tilespmem:s20], [sflag:$0x1] =	stream.indirect.gather @!p1 [hbm4b:s4+s0], $0x80, s1, s0, $0xb8;
	[tilespmem:$0x1E600] =	vst v63  }
0xee: {  	_ =	swait.ge [sflag:s25], $0x4000  }
0xef: {  	[sflag:s25] =	ssyncset.done $0x0  }
0xf0: {  	[sflag:s25] =	ssyncadd.s32 $0xFFFFC000  }
0xf1: {  	[spmem:s2] =	stream.indirect.scatter.add.f32 [tilespmem:s22], [sflag:$0x3], $0x80, s26, s19, $0xb8;
	[tilespmem:$0x1E600] =	vst v63  }
0xf2: {  	_ =	swait.ge [sflag:s17], $0x4000  }
0xf3: {  	[sflag:s17] =	ssyncset.done $0x0  }
0xf4: {  	[sflag:s17] =	ssyncadd.s32 $0xFFFFC000  }
0xf5: {  	[bflag:$0x0] =	sbarrier.arrive $0xFFFF  }
0xf6: {  	[tilespmem:s18], [sflag:$0x3] =	stream.linear.gather [spmem:s6], $0x4000, $0x38;
	[tilespmem:$0x1E600] =	vst v63  }
0xf7: {  	_ =	swait.ge [sflag:s17], $0x4000  }
0xf8: {  	[sflag:s17] =	ssyncset.done $0x0  }
0xf9: {  	[sflag:s17] =	ssyncadd.s32 $0xFFFFC000  }
0xfa: {  	[hbm4b:s11+s3] =	stream.linear.scatter [tilespmem:s18], [sflag:$0x3], $0x4000, $0x38;
	[tilespmem:$0x1E600] =	vst v63  }
0xfb: {  	_ =	swait.ge [sflag:s17], $0x4000  }
0xfc: {  	[sflag:s17] =	ssyncset.done $0x0  }
0xfd: {  	[sflag:s17] =	ssyncadd.s32 $0xFFFFC000  }
0xfe: {  	[tilespmem:s18], [sflag:$0x3] =	stream.linear.gather [spmem:s7], $0x4000, $0x38;
	[tilespmem:$0x1E600] =	vst v63  }
0xff: {  	_ =	swait.ge [sflag:s17], $0x4000  }
0x100: {  	[sflag:s17] =	ssyncset.done $0x0  }
0x101: {  	[sflag:s17] =	ssyncadd.s32 $0xFFFFC000  }
0x102: {  	[hbm4b:s12+s3] =	stream.linear.scatter [tilespmem:s18], [sflag:$0x3], $0x4000, $0x38;
	[tilespmem:$0x1E600] =	vst v63  }
0x103: {  	_ =	swait.ge [sflag:s17], $0x4000  }
0x104: {  	[sflag:s17] =	ssyncset.done $0x0  }
0x105: {  	[sflag:s17] =	ssyncadd.s32 $0xFFFFC000  }
0x106: {  	[tilespmem:s18], [sflag:$0x3] =	stream.linear.gather [spmem:s8], $0x4000, $0x38;
	[tilespmem:$0x1E600] =	vst v63  }
0x107: {  	_ =	swait.ge [sflag:s17], $0x4000  }
0x108: {  	[sflag:s17] =	ssyncset.done $0x0  }
0x109: {  	[sflag:s17] =	ssyncadd.s32 $0xFFFFC000  }
0x10a: {  	[hbm4b:s13+s3] =	stream.linear.scatter [tilespmem:s18], [sflag:$0x3], $0x4000, $0x38;
	[tilespmem:$0x1E600] =	vst v63  }
0x10b: {  	_ =	swait.ge [sflag:s17], $0x4000  }
0x10c: {  	[sflag:s17] =	ssyncset.done $0x0  }
0x10d: {  	[sflag:s17] =	ssyncadd.s32 $0xFFFFC000  }
0x10e: {  	[tilespmem:s18], [sflag:$0x3] =	stream.linear.gather [spmem:s9], $0x4000, $0x38;
	[tilespmem:$0x1E600] =	vst v63  }
0x10f: {  	_ =	swait.ge [sflag:s17], $0x4000  }
0x110: {  	[sflag:s17] =	ssyncset.done $0x0  }
0x111: {  	[sflag:s17] =	ssyncadd.s32 $0xFFFFC000  }
0x112: {  	[hbm4b:s14+s3] =	stream.linear.scatter [tilespmem:s18], [sflag:$0x3], $0x4000, $0x38;
	[tilespmem:$0x1E600] =	vst v63  }
0x113: {  	_ =	swait.ge [sflag:s17], $0x4000  }
0x114: {  	[sflag:s17] =	ssyncset.done $0x0  }
0x115: {  	[sflag:s17] =	ssyncadd.s32 $0xFFFFC000  }
0x116: {  	[tilespmem:s18], [sflag:$0x3] =	stream.linear.gather [spmem:s10], $0x3C00, $0x38;
	[tilespmem:$0x1E600] =	vst v63  }
0x117: {  	s28 =	sadd.s32 $0x1, s28;
	_ =	swait.ge [sflag:s17], $0x3C00  }
0x118: {  	p0 =	sne.s32 s28, s16;
	[sflag:s17] =	ssyncset.done $0x0  }
.Ltmp2:
0x119: {  	[sflag:s17] =	ssyncadd.s32 $0xFFFFC400;
	(pc) =	sbr.rel @p0 .LBB2_1-.Ltmp2, $4  }
0x11a: {  	[hbm4b:s15+s3] =	stream.linear.scatter [tilespmem:s18], [sflag:$0x3], $0x3C00, $0x38;
	[tilespmem:$0x1E600] =	vst v63  }
0x11b: {  	_ =	swait.ge [sflag:s17], $0x3C00  }
0x11c: {  	[sflag:s17] =	ssyncset.done $0x0  }
0x11d: {  	[sflag:s17] =	ssyncadd.s32 $0xFFFFC400  }
0x11e: {  	_ =	sfence.sel $0x180000  }
0x11f: {  	[bflag:$0x0] =	sbarrier.arrive $0xFFFF  }
0x120: {  	_ =	strace $0x9000004A  }
0x121: {  	s0 =	stileid.u32;
	[bflag:$0x2] =	sbarrier.arrive $0xFFFF  }
0x122: {  	p0 =	sne.s32 s0, $0x0;
	s0 =	rddreg [dreg:$0x2]  }
0x123: {  	s0 =	sadd.s32 @!p0 $0x100000, s0  }
0x124: {  	[sflag:s0] =	ssyncadd.tile.s32 @!p0 $0x1;
	_ =	shalt  }
.Lfunc_end2:
_tile_overlayer_lowered:
.L_overlay_start_2:
0x125: {  	(tag) =	ssettag $0x2  }
0x126: {  	s0 =	rddreg [dreg:$0x0];
	s2 =	stileid.u32  }
0x127: {  	s1 =	rddreg [dreg:$0x1];
	p0 =	sne.s32 s2, $0x0  }
0x128: {  	s3 =	rddreg [dreg:$0x2];
	[bflag:$0x3] =	sbarrier.arrive $0xFFFF;
	s2 =	simm.s32 @!p0 $0x1C03  }
0x129: {  	[timem:s3], [sflag:s2] =	dma.local @!p0 [hbm:s0], s1  }
0x12a: {  	s0 =	simm.s32 @!p0 $0x3  }
0x12b: {  	_ =	swait.ge @!p0 [sflag:s0], s1  }
0x12c: {  	s1 =	ssub.s32 @!p0 $0x0, s1;
	[sflag:s0] =	ssyncset.done @!p0 $0x0  }
0x12d: {  	[sflag:s0] =	ssyncadd.s32 @!p0 s1  }
0x12e: {  	[bflag:$0x3] =	sbarrier.arrive $0xFFFF  }
0x12f: {  	_ =	shalt  }

// kernel: kernel.15.cloned.1.call-start
scs
__scs_entry_jumppad:
0x0: {  	(pc) =	sbr.rel $0x88, $3  }
0x1: {  	(tag) =	ssettag $0x0;
	lr =	simm.s32 $0x1  }
0x2: {  	[smem:$0x3F95] =	sst lr;
	_ =	strace $0xD0000000  }
0x3: {  	_ = 	snop  }
0x4: {  	_ = 	snop  }
0x5: {  	_ = 	snop  }
0x6: {  	_ = 	snop  }
0x7: {  	_ = 	snop  }
__scs_overlays_trampoline_lowered:
0x8: {  	[smem:$0x3FA4] =	sst s0  }
0x9: {  	[smem:$0x3FA5] =	sst s1  }
0xa: {  	[smem:$0x3FA6] =	sst s2  }
0xb: {  	[smem:$0x3FA7] =	sst s3  }
0xc: {  	[smem:$0x3FA8] =	sst s4  }
0xd: {  	[smem:$0x3FA9] =	sst s5  }
0xe: {  	[smem:$0x3FAA] =	sst s6  }
0xf: {  	[smem:$0x3FAB] =	sst s7  }
0x10: {  	[smem:$0x3FAC] =	sst s8  }
0x11: {  	[smem:$0x3FAD] =	sst s9;
	s0 =	simm.s32 @!p0 $0x0  }
0x12: {  	s1 =	sld [smem:$0x3F93];
	s0 =	simm.s32 @p0 $0x1  }
0x13: {  	[smem:$0x3FAE] =	sst s0;
	s0 =	simm.s32 @!p1 $0x0  }
0x14: {  	s2 =	sld [smem:$0x3F92];
	s0 =	simm.s32 @p1 $0x1  }
0x15: {  	[smem:$0x3FAF] =	sst s0;
	s0 =	simm.s32 @!p2 $0x0  }
0x16: {  	s3 =	sld [smem:$0x3FDB];
	s0 =	simm.s32 @p2 $0x1  }
0x17: {  	s4 =	simm.s32 $0x1BF5;
	[smem:$0x3FB1] =	sst s0  }
0x18: {  	s0 =	sld [smem:$0x3F94];
	_ =	swait.ge [sflag:s4], $0x0  }
0x19: {  	s7 =	sld [smem:$0x3F95]  }
0x1a: {  	s8 =	sadd.s32 $0xFFFFE003, lr  }
0x1b: {  	s9 =	sadd.s32 $0xFFFFFEF7, lr;
	s5 =	simm.s32 $0xFFFFFFFF;
	p2 =	slt.u32 s8, $0xFFFFF086  }
0x1c: {  	p1 =	slt.u32 s9, $0xF7A;
	s5 =	simm.s32 @!p2 $0x0  }
0x1d: {  	s5 =	simm.s32 @p1 $0x1;
	p0 =	seq.s32 s7, s2  }
0x1e: {  	s7 =	smul.u32 @!p0 $0xF7A, s2;
	p2 =	seq.s32 @!p0 s5, $0x0  }
0x1f: {  	s9 =	smul.u32 $0xF7A, s1;
	s8 =	simm.s32 @!p0 $0x1BF5;
	p2 =	por !p2, p0  }
0x20: {  	[sflag:s8] =	ssyncset.s32 @!p0 $0xFFFFF086;
	s6 =	sadd.s32 @!p0 s3, s7;
	s7 =	simm.s32 @!p0 $0x108  }
0x21: {  	s3 =	sadd.s32 s3, s9;
	s6 =	sadd.s32 @!p0 $0x88, s6;
	s7 =	simm.s32 @p2 $0x1082  }
0x22: {  	[simem:s7], [sflag:s8] =	dma.local @!p0 [hbm:s6], $0xF7A  }
0x23: {  	s9 =	sor.u32 $0xD0000000, s2;
	s6 =	simm.s32 $0x108;
	_ =	swait.ge @!p0 [sflag:s8], $0x0  }
0x24: {  	s3 =	sadd.s32 $0x88, s3;
	s6 =	simm.s32 @!p1 $0x1082;
	[sflag:s4] =	ssyncset.s32 $0xFFFFF086  }
0x25: {  	[simem:s6], [sflag:s4] =	dma.local [hbm:s3], $0xF7A  }
0x26: {  	[smem:$0x3F95] =	sst s1;
	(tag) =	ssettag s2;
	_ =	strace s9  }
0x27: {  	s1 =	sld [smem:$0x3FA5]  }
0x28: {  	s2 =	sld [smem:$0x3FA6]  }
0x29: {  	s4 =	sld [smem:$0x3FA8]  }
0x2a: {  	p0 =	seq.s32 s5, $0x0;
	s5 =	sld [smem:$0x3FA9]  }
0x2b: {  	s6 =	sld [smem:$0x3FAA]  }
0x2c: {  	s7 =	sld [smem:$0x3FAB]  }
0x2d: {  	s3 =	simm.s32 $0x108;
	s8 =	sld [smem:$0x3FAC]  }
0x2e: {  	s3 =	simm.s32 @!p0 $0x1082;
	s9 =	sld [smem:$0x3FAD]  }
0x2f: {  	lr =	sadd.s32 s0, s3;
	s0 =	sld [smem:$0x3FA4]  }
0x30: {  	s3 =	sld [smem:$0x3FA7]  }
0x31: {  	[smem:$0x3FB0] =	sst s10  }
0x32: {  	s10 =	sld [smem:$0x3FAE];
	_ =	sdelay $0x3  }
0x33: {  	p0 =	seq.s32 s10, $0x1;
	s10 =	sld [smem:$0x3FB0];
	_ =	sdelay $0x3  }
0x34: {  	[smem:$0x3FB0] =	sst s10  }
0x35: {  	s10 =	sld [smem:$0x3FAF];
	_ =	sdelay $0x3  }
0x36: {  	p1 =	seq.s32 s10, $0x1;
	s10 =	sld [smem:$0x3FB0];
	_ =	sdelay $0x3  }
0x37: {  	[smem:$0x3FB0] =	sst s10  }
0x38: {  	s10 =	sld [smem:$0x3FB1]  }
0x39: {  	_ = 	snop;
	(pc) =	sbr.ind lr, $3  }
0x3a: {  	_ = 	snop  }
0x3b: {  	_ = 	snop  }
0x3c: {  	p2 =	seq.s32 s10, $0x1;
	s10 =	sld [smem:$0x3FB0]  }
0x3d: {  	_ =	shalt  }
0x3e: {  	_ =	shalt  }
0x3f: {  	_ =	shalt  }
0x40: {  	_ =	shalt  }
0x41: {  	_ =	shalt  }
0x42: {  	_ =	shalt  }
0x43: {  	_ =	shalt  }
0x44: {  	_ =	shalt  }
0x45: {  	_ =	shalt  }
0x46: {  	_ =	shalt  }
0x47: {  	_ =	shalt  }
0x48: {  	_ =	shalt  }
0x49: {  	_ =	shalt  }
0x4a: {  	_ =	shalt  }
0x4b: {  	_ =	shalt  }
0x4c: {  	_ =	shalt  }
0x4d: {  	_ =	shalt  }
0x4e: {  	_ =	shalt  }
0x4f: {  	_ =	shalt  }
0x50: {  	_ =	shalt  }
0x51: {  	_ =	shalt  }
0x52: {  	_ =	shalt  }
0x53: {  	_ =	shalt  }
0x54: {  	_ =	shalt  }
0x55: {  	_ =	shalt  }
0x56: {  	_ =	shalt  }
0x57: {  	_ =	shalt  }
0x58: {  	_ =	shalt  }
0x59: {  	_ =	shalt  }
0x5a: {  	_ =	shalt  }
0x5b: {  	_ =	shalt  }
0x5c: {  	_ =	shalt  }
0x5d: {  	_ =	shalt  }
0x5e: {  	_ =	shalt  }
0x5f: {  	_ =	shalt  }
0x60: {  	_ =	shalt  }
0x61: {  	_ =	shalt  }
0x62: {  	_ =	shalt  }
0x63: {  	_ =	shalt  }
0x64: {  	_ =	shalt  }
0x65: {  	_ =	shalt  }
0x66: {  	_ =	shalt  }
0x67: {  	_ =	shalt  }
0x68: {  	_ =	shalt  }
0x69: {  	_ =	shalt  }
0x6a: {  	_ =	shalt  }
0x6b: {  	_ =	shalt  }
0x6c: {  	_ =	shalt  }
0x6d: {  	_ =	shalt  }
0x6e: {  	_ =	shalt  }
0x6f: {  	_ =	shalt  }
0x70: {  	_ =	shalt  }
0x71: {  	_ =	shalt  }
0x72: {  	_ =	shalt  }
0x73: {  	_ =	shalt  }
0x74: {  	_ =	shalt  }
0x75: {  	_ =	shalt  }
0x76: {  	_ =	shalt  }
0x77: {  	_ =	shalt  }
0x78: {  	_ =	shalt  }
0x79: {  	_ =	shalt  }
0x7a: {  	_ =	shalt  }
0x7b: {  	_ =	shalt  }
0x7c: {  	_ =	shalt  }
0x7d: {  	_ =	shalt  }
0x7e: {  	_ =	shalt  }
0x7f: {  	_ =	shalt  }
0x80: {  	_ =	shalt  }
0x81: {  	_ =	shalt  }
0x82: {  	_ =	shalt  }
0x83: {  	_ =	shalt  }
0x84: {  	_ =	shalt  }
0x85: {  	_ =	shalt  }
0x86: {  	_ =	shalt  }
0x87: {  	_ =	shalt  }
.Lfunc_end0:
.L_simem_size_0:
called_computation.2_lowered:
.L_overlay_start_0:
0x88: {  	s2 =	sld [smem:$0x3FD9]  }
0x89: {  	s3 =	sld [smem:$0x3FFE];
	_ =	sdelay $0x1  }
0x8a: {  	s1 =	srdreg.scid  }
0x8b: {  	s0 =	sand.u32 $0x1, s1  }
0x8c: {  	s16 =	sshll.u32 s0, $0xA;
	s2 =	sadd.s32 s3, s2  }
0x8d: {  	s2 =	sadd.s32 s2, s16  }
0x8e: {  	[smem:$0x3FBC] =	sst s2  }
0x8f: {  	_ = 	snop  }
0x90: {  	(tm) =	ssettm $0x1  }
0x91: {  	s17 =	sld [smem:$0x3FFB];
	_ =	sdelay $0x3  }
0x92: {  	_ =	strace s17  }
0x93: {  	s2 =	sld [smem:$0x3FFC];
	_ =	sdelay $0x3  }
0x94: {  	_ =	strace s2  }
0x95: {  	s2 =	sld [smem:$0x3FFD];
	_ =	sdelay $0x3  }
0x96: {  	_ =	strace s2  }
0x97: {  	_ =	strace $0x8FFFFFFF  }
0x98: {  	s18 =	sld [smem:$0x3FDB];
	_ =	sdelay $0x1  }
0x99: {  	s19 =	simm.s32 $_scs_section_size  }
0x9a: {  	s4 =	simm.s32 $_size__tile_overlayer_lowered;
	s5 =	simm.s32 $_tile_overlayer_lowered  }
0x9b: {  	s22 =	simm.s32 $0x1BFF;
	s21 =	sshll.u32 s5, $0x1;
	s2 =	sadd.s32 s19, s18  }
0x9c: {  	s6 =	simm.s32 $0x0;
	s20 =	sshll.u32 s4, $0x1;
	s4 =	sadd.s32 s21, s2  }
0x9d: {  	[timem:s6], [sflag:s22] =	dma.local [hbm:s4], s20  }
0x9e: {  	_ =	swait.ge [sflag:s22], s20  }
0x9f: {  	s3 =	ssub.s32 $0x0, s20;
	[sflag:s22] =	ssyncset.done $0x0  }
0xa0: {  	[sflag:s22] =	ssyncadd.s32 s3;
	_ =	sdelay $0x1  }
0xa1: {  	s23 =	simm.s32 $0x1B8B  }
0xa2: {  	_ =	swait.ge [sflag:s23], $0x1  }
0xa3: {  	[sflag:s23] =	ssyncset.done $0x0  }
0xa4: {  	s25 =	simm.s32 $0x1B8E;
	s24 =	sld [smem:$0x3FFE];
	[sflag:s23] =	ssyncadd.s32 $0xFFFFFFFF  }
0xa5: {  	s26 =	simm.s32 $execute0_lowered;
	[smem:$0x3FD2] =	sst s25  }
0xa6: {  	s4 =	sshll.u32 s26, $0x1;
	_ =	strace $0x8000004C;
	[dreg:$0x1] =	wrdreg $0xFFFFFFFF  }
0xa7: {  	s28 =	simm.s32 $_size_execute0_lowered;
	s2 =	sadd.s32 s2, s4;
	[dreg:$0x0] =	wrdreg $0x0  }
0xa8: {  	s4 =	sshll.u32 s28, $0x1;
	[dreg:$0x2] =	wrdreg s2  }
0xa9: {  	[dreg:$0x3] =	wrdreg s4  }
0xaa: {  	[dreg:$0x4] =	wrdreg $0xC0  }
0xab: {  	_ =	task [dreg:s6], $0x5FFFF  }
0xac: {  	[dreg:$0x1] =	wrdreg $0xFFFFFFFF  }
0xad: {  	[dreg:$0x0] =	wrdreg $0x60  }
0xae: {  	[dreg:$0x2] =	wrdreg s24  }
0xaf: {  	[dreg:$0x3] =	wrdreg $0xAA000  }
0xb0: {  	[dreg:$0x4] =	wrdreg $0x9  }
0xb1: {  	_ =	task.clear_ibuf [dreg:s6], $0x5FFFF;
	_ =	strace $0x9000004C  }
0xb2: {  	s29 =	simm.s32 $0x9;
	_ =	strace $0x8000004E  }
0xb3: {  	_ =	swait.ge [sflag:s29], $0x1  }
0xb4: {  	[sflag:s29] =	ssyncadd.s32 $0xFFFFFFFF  }
0xb5: {  	_ =	strace $0x9000004E  }
0xb6: {  	_ =	sfence  }
0xb7: {  	s30 =	sld [smem:$0x0];
	_ =	sdelay $0x2  }
0xb8: {  	s31 =	sshll.u32 s1, $0xD;
	s1 =	sshrl.u32 s1, $0x2  }
0xb9: {  	s3 =	sand.u32 $0x4000, s31;
	s1 =	sadd.s32 s1, s30  }
0xba: {  	s0 =	sor.u32 s3, s0;
	s1 =	sshll.u32 s1, $0x11  }
0xbb: {  	s0 =	sor.u32 s1, s0  }
0xbc: {  	s0 =	sadd.s32 $0x8F2B, s0  }
0xbd: {  	[sflag:s0] =	ssyncadd.remote.s32 $0x1  }
0xbe: {  	_ =	sfence.sel $0xFFFF  }
0xbf: {  	[dreg:$0x0] =	wrdreg $0xFFFFFFFF;
	(pc) =	sbr.abs _section_cstart, $3  }
0xc0: {  	[dreg:$0x1] =	wrdreg $0xFFFFFFFF  }
0xc1: {  	_ =	task.clear_ibuf [dreg:s6], $0x2FFFF;
	_ =	strace $0x9FFFFFFF  }
0xc2: {  	(tm) =	ssettm $0x7FFFFFFF  }
0xc3: {  	_ =	shalt  }
tec
execute0_lowered:
.L_overlay_start_1:
0x0: {  	(tag) =	ssettag $0x1  }
0x1: {  	s0 =	rddreg [dreg:$0x0];
	s1 =	srdreg.scid  }
0x2: {  	s2 =	rddreg [dreg:$0x1];
	s9 =	stileid.u32  }
0x3: {  	s3 =	simm.s32 $0x0;
	s18 =	simm.s32 $0x2800;
	s19 =	simm.s32 $0x80  }
0x4: {  	s21 =	simm.s32 $0xA880;
	s22 =	simm.s32 $0x6800;
	s23 =	simm.s32 $0x1  }
0x5: {  	s24 =	simm.s32 $0xA900;
	s25 =	simm.s32 $0x2;
	s5 =	smul.u32 $0x2800, s9  }
0x6: {  	s26 =	simm.s32 $0xA980;
	s28 =	simm.s32 $0x0;
	s6 =	smul.u32 $0x4F000, s9  }
0x7: {  	s1 =	sand.u32 $0x1, s1;
	[smem:$0x7FF] =	sst s3;
	s10 =	smul.u32 $0x13C00, s9  }
0x8: {  	s4 =	smul.u32 $0x28000, s1;
	_ =	strace $0x8000004D;
	s7 =	ssub.s32 $0x2, s1  }
0x9: {  	s1 =	smul.u32 $0x13C000, s1;
	s8 =	sshrl.u32 s7, $0x1;
	s6 =	sshrl.u32 s6, $0x2  }
0xa: {  	s11 =	sadd.s32 $0x4000, s10;
	s13 =	sadd.s32 $0x8000, s10;
	s14 =	sadd.s32 $0xC000, s10  }
0xb: {  	s15 =	sadd.s32 $0x10000, s10;
	s5 =	sadd.s32 s5, s4;
	s4 =	sadd.s32 $0xD800, s0  }
0xc: {  	s16 =	ssub.s32 s7, s8;
	s6 =	sadd.s32 s6, s2;
	s7 =	sadd.s32 s11, s2  }
0xd: {  	s8 =	sadd.s32 s13, s2;
	s9 =	sadd.s32 s14, s2;
	s12 =	sadd.s32 s10, s1  }
0xe: {  	s11 =	sadd.s32 s1, s11;
	s10 =	sadd.s32 s15, s2;
	s13 =	sadd.s32 s1, s13  }
0xf: {  	s14 =	sadd.s32 s1, s14;
	s1 =	sadd.s32 s1, s15;
	s5 =	sshrl.u32 s5, $0x3  }
0x10: {  	s12 =	sshrl.u32 s12, $0x3;
	s17 =	sshrl.u32 s11, $0x3;
	s13 =	sshrl.u32 s13, $0x3  }
0x11: {  	s14 =	sshrl.u32 s14, $0x3;
	s1 =	sshrl.u32 s1, $0x3;
	s5 =	sadd.s32 s5, s0  }
0x12: {  	s16 =	smax.u32 s16, $0x1;
	s0 =	sadd.s32 $0x34A00, s0;
	s5 =	sadd.s32 $0x3800, s5  }
0x13: {  	s11 =	sadd.s32 s0, s12;
	s12 =	sadd.s32 s0, s17;
	s13 =	sadd.s32 s0, s13  }
0x14: {  	v0 =	vimm.f32 $0.0e+00;
	s14 =	sadd.s32 s0, s14;
	s15 =	sadd.s32 s0, s1;
	s17 =	simm.s32 $0x3  }
.LBB2_1:
0x15: {  	[tilespmem:s3], [sflag:$0x3] =	stream.linear.gather [hbm4b:s5+s3], $0x2800, $0x38;
	[tilespmem:$0x1E600] =	vst v63  }
0x16: {  	_ =	swait.ge [sflag:s17], $0x2800  }
0x17: {  	[sflag:s17] =	ssyncset.done $0x0  }
0x18: {  	s0 =	simm.s32 $0x0;
	s1 =	simm.s32 $0x200;
	[sflag:s17] =	ssyncadd.s32 $0xFFFFD800  }
.LBB2_2:
0x19: {  	p0 =	sne.s32 s1, $0xFE00;
	[tilespmem:s0+$0x2870] =	vst v0  }
0x1a: {  	[tilespmem:s0+$0x2800] =	vst v0  }
0x1b: {  	[tilespmem:s0+$0x2810] =	vst v0  }
.Ltmp0:
0x1c: {  	[tilespmem:s0+$0x2820] =	vst v0;
	(pc) =	sbr.rel @p0 .LBB2_2-.Ltmp0, $4  }
0x1d: {  	[tilespmem:s0+$0x2830] =	vst v0  }
0x1e: {  	[tilespmem:s0+$0x2840] =	vst v0  }
0x1f: {  	[tilespmem:s0+$0x2850] =	vst v0  }
0x20: {  	[tilespmem:s0+$0x2860] =	vst v0;
	s0 =	sshra.s32 s1, $0x2;
	s1 =	sadd.s32 $0x200, s1  }
0x21: {  	[tilespmem:s0+$0x2870] =	vst v0  }
0x22: {  	[tilespmem:s0+$0x2800] =	vst v0  }
0x23: {  	[tilespmem:s0+$0x2810] =	vst v0  }
0x24: {  	[tilespmem:s0+$0x2820] =	vst v0  }
0x25: {  	[tilespmem:s0+$0x2830] =	vst v0  }
0x26: {  	[tilespmem:s0+$0x2840] =	vst v0  }
0x27: {  	[tilespmem:s0+$0x2850] =	vst v0  }
0x28: {  	[tilespmem:s0+$0x2860] =	vst v0  }
0x29: {  	[spmem:s6] =	stream.linear.scatter [tilespmem:s18], [sflag:$0x3], $0x4000, $0x38;
	[tilespmem:$0x1E600] =	vst v63  }
0x2a: {  	_ =	swait.ge [sflag:s17], $0x4000  }
0x2b: {  	[sflag:s17] =	ssyncset.done $0x0  }
0x2c: {  	[sflag:s17] =	ssyncadd.s32 $0xFFFFC000  }
0x2d: {  	[spmem:s7] =	stream.linear.scatter [tilespmem:s18], [sflag:$0x3], $0x4000, $0x38;
	[tilespmem:$0x1E600] =	vst v63  }
0x2e: {  	_ =	swait.ge [sflag:s17], $0x4000  }
0x2f: {  	[sflag:s17] =	ssyncset.done $0x0  }
0x30: {  	[sflag:s17] =	ssyncadd.s32 $0xFFFFC000  }
0x31: {  	[spmem:s8] =	stream.linear.scatter [tilespmem:s18], [sflag:$0x3], $0x4000, $0x38;
	[tilespmem:$0x1E600] =	vst v63  }
0x32: {  	_ =	swait.ge [sflag:s17], $0x4000  }
0x33: {  	[sflag:s17] =	ssyncset.done $0x0  }
0x34: {  	[sflag:s17] =	ssyncadd.s32 $0xFFFFC000  }
0x35: {  	[spmem:s9] =	stream.linear.scatter [tilespmem:s18], [sflag:$0x3], $0x4000, $0x38;
	[tilespmem:$0x1E600] =	vst v63  }
0x36: {  	_ =	swait.ge [sflag:s17], $0x4000  }
0x37: {  	[sflag:s17] =	ssyncset.done $0x0  }
0x38: {  	[sflag:s17] =	ssyncadd.s32 $0xFFFFC000  }
0x39: {  	[spmem:s10] =	stream.linear.scatter [tilespmem:s18], [sflag:$0x3], $0x3C00, $0x38;
	[tilespmem:$0x1E600] =	vst v63  }
0x3a: {  	_ =	swait.ge [sflag:s17], $0x3C00  }
0x3b: {  	[sflag:s17] =	ssyncset.done $0x0  }
0x3c: {  	[sflag:s17] =	ssyncadd.s32 $0xFFFFC400  }
0x3d: {  	[bflag:$0x0] =	sbarrier.arrive $0xFFFF  }
0x3e: {  	v1 =	vld [tilespmem:$0x0];
	_ =	sdelay $0x1  }
0x3f: {  	v2 =	vld [tilespmem:$0x10];
	_ =	sdelay $0x1  }
0x40: {  	v3 =	vld [tilespmem:$0x20]  }
0x41: {  	v4 =	vand.u32 $0x3FFF, v1  }
0x42: {  	v62 =	vld [tilespmem:$0x30];
	v1 =	vshrl.u32 v1, $0xE;
	[tilespmem:$0xA800] =	vst v4  }
0x43: {  	[tilespmem:$0xA900] =	vst v1;
	v1 =	vand.u32 $0x3FFF, v2  }
0x44: {  	[tilespmem:$0xA810] =	vst v1;
	v1 =	vshrl.u32 v2, $0xE;
	v2 =	vld [tilespmem:$0x40]  }
0x45: {  	[tilespmem:$0xA910] =	vst v1;
	v1 =	vand.u32 $0x3FFF, v3  }
0x46: {  	[tilespmem:$0xA820] =	vst v1;
	v1 =	vshrl.u32 v3, $0xE;
	v3 =	vld [tilespmem:$0x50]  }
0x47: {  	[tilespmem:$0xA920] =	vst v1;
	v1 =	vand.u32 $0x3FFF, v62  }
0x48: {  	v63 =	vld [tilespmem:$0x60];
	[tilespmem:$0xA830] =	vst v1;
	v1 =	vshrl.u32 v62, $0xE  }
0x49: {  	[tilespmem:$0xA930] =	vst v1;
	v1 =	vand.u32 $0x3FFF, v2  }
0x4a: {  	[tilespmem:$0xA840] =	vst v1;
	v1 =	vshrl.u32 v2, $0xE;
	v2 =	vld [tilespmem:$0x70]  }
0x4b: {  	[tilespmem:$0xA940] =	vst v1;
	v1 =	vand.u32 $0x3FFF, v3  }
0x4c: {  	[tilespmem:$0xA850] =	vst v1;
	v1 =	vshrl.u32 v3, $0xE  }
0x4d: {  	[tilespmem:$0xA950] =	vst v1;
	v1 =	vand.u32 $0x3FFF, v63  }
0x4e: {  	[tilespmem:$0xA860] =	vst v1;
	v1 =	vshrl.u32 v63, $0xE  }
0x4f: {  	[tilespmem:$0xA960] =	vst v1;
	v1 =	vand.u32 $0x3FFF, v2  }
0x50: {  	[tilespmem:$0xA870] =	vst v1;
	v1 =	vshrl.u32 v2, $0xE  }
0x51: {  	s20 =	simm.s32 $0xA800;
	s31 =	simm.s32 $0x0;
	[tilespmem:$0xA970] =	vst v1  }
0x52: {  	[tilespmem:s18], [sflag:$0x1] =	stream.indirect.gather [hbm4b:s4+s19], $0x80, s20, s19, $0xb8;
	[tilespmem:$0x1E600] =	vst v63  }
0x53: {  	v1 =	vld [tilespmem:s31+$0x80];
	_ =	sdelay $0x4  }
0x54: {  	v2 =	vand.u32 $0x3FFF, v1  }
0x55: {  	v1 =	vshrl.u32 v1, $0xE;
	[tilespmem:$0xA880] =	vst v2  }
0x56: {  	[tilespmem:$0xA980] =	vst v1  }
0x57: {  	v1 =	vld [tilespmem:s31+$0x90];
	_ =	sdelay $0x4  }
0x58: {  	v2 =	vand.u32 $0x3FFF, v1  }
0x59: {  	v1 =	vshrl.u32 v1, $0xE;
	[tilespmem:$0xA890] =	vst v2  }
0x5a: {  	[tilespmem:$0xA990] =	vst v1  }
0x5b: {  	v1 =	vld [tilespmem:s31+$0xA0];
	_ =	sdelay $0x4  }
0x5c: {  	v2 =	vand.u32 $0x3FFF, v1  }
0x5d: {  	v1 =	vshrl.u32 v1, $0xE;
	[tilespmem:$0xA8A0] =	vst v2  }
0x5e: {  	[tilespmem:$0xA9A0] =	vst v1  }
0x5f: {  	v1 =	vld [tilespmem:s31+$0xB0];
	_ =	sdelay $0x4  }
0x60: {  	v2 =	vand.u32 $0x3FFF, v1  }
0x61: {  	v1 =	vshrl.u32 v1, $0xE;
	[tilespmem:$0xA8B0] =	vst v2  }
0x62: {  	[tilespmem:$0xA9B0] =	vst v1  }
0x63: {  	v1 =	vld [tilespmem:s31+$0xC0];
	_ =	sdelay $0x4  }
0x64: {  	v2 =	vand.u32 $0x3FFF, v1  }
0x65: {  	v1 =	vshrl.u32 v1, $0xE;
	[tilespmem:$0xA8C0] =	vst v2  }
0x66: {  	[tilespmem:$0xA9C0] =	vst v1  }
0x67: {  	v1 =	vld [tilespmem:s31+$0xD0];
	_ =	sdelay $0x4  }
0x68: {  	v2 =	vand.u32 $0x3FFF, v1  }
0x69: {  	v1 =	vshrl.u32 v1, $0xE;
	[tilespmem:$0xA8D0] =	vst v2  }
0x6a: {  	[tilespmem:$0xA9D0] =	vst v1  }
0x6b: {  	v1 =	vld [tilespmem:s31+$0xE0];
	_ =	sdelay $0x4  }
0x6c: {  	v2 =	vand.u32 $0x3FFF, v1  }
0x6d: {  	v1 =	vshrl.u32 v1, $0xE;
	[tilespmem:$0xA8E0] =	vst v2  }
0x6e: {  	[tilespmem:$0xA9E0] =	vst v1  }
0x6f: {  	v1 =	vld [tilespmem:s31+$0xF0];
	_ =	sdelay $0x4  }
0x70: {  	v2 =	vand.u32 $0x3FFF, v1  }
0x71: {  	v1 =	vshrl.u32 v1, $0xE;
	[tilespmem:$0xA8F0] =	vst v2  }
0x72: {  	[tilespmem:$0xA9F0] =	vst v1  }
0x73: {  	[tilespmem:s22], [sflag:$0x2] =	stream.indirect.gather [hbm4b:s4+s19], $0x80, s21, s19, $0xb8;
	[tilespmem:$0x1E600] =	vst v63  }
0x74: {  	_ =	swait.ge [sflag:s23], $0x4000  }
0x75: {  	[sflag:s23] =	ssyncset.done $0x0  }
0x76: {  	[sflag:s23] =	ssyncadd.s32 $0xFFFFC000  }
0x77: {  	[spmem:s2] =	stream.indirect.scatter.add.f32 [tilespmem:s18], [sflag:$0x3], $0x80, s24, s19, $0xb8;
	[tilespmem:$0x1E600] =	vst v63  }
0x78: {  	_ =	swait.ge [sflag:s17], $0x4000  }
0x79: {  	p1 =	por $0x0, $0x0;
	[sflag:s17] =	ssyncset.done $0x0  }
0x7a: {  	s30 =	simm.s32 @!p1 $0x0;
	[sflag:s17] =	ssyncadd.s32 $0xFFFFC000  }
0x7b: {  	v1 =	vld @!p1 [tilespmem:s30+$0x100];
	_ =	sdelay $0x4  }
0x7c: {  	v2 =	vand.u32 @!p1 $0x3FFF, v1  }
0x7d: {  	v1 =	vshrl.u32 @!p1 v1, $0xE;
	[tilespmem:$0xA800] =	vst @!p1 v2  }
0x7e: {  	[tilespmem:$0xA900] =	vst @!p1 v1  }
0x7f: {  	v1 =	vld @!p1 [tilespmem:s30+$0x110];
	_ =	sdelay $0x4  }
0x80: {  	v2 =	vand.u32 @!p1 $0x3FFF, v1  }
0x81: {  	v1 =	vshrl.u32 @!p1 v1, $0xE;
	[tilespmem:$0xA810] =	vst @!p1 v2  }
0x82: {  	[tilespmem:$0xA910] =	vst @!p1 v1  }
0x83: {  	v1 =	vld @!p1 [tilespmem:s30+$0x120];
	_ =	sdelay $0x4  }
0x84: {  	v2 =	vand.u32 @!p1 $0x3FFF, v1  }
0x85: {  	v1 =	vshrl.u32 @!p1 v1, $0xE;
	[tilespmem:$0xA820] =	vst @!p1 v2  }
0x86: {  	[tilespmem:$0xA920] =	vst @!p1 v1  }
0x87: {  	v1 =	vld @!p1 [tilespmem:s30+$0x130];
	_ =	sdelay $0x4  }
0x88: {  	v2 =	vand.u32 @!p1 $0x3FFF, v1  }
0x89: {  	v1 =	vshrl.u32 @!p1 v1, $0xE;
	[tilespmem:$0xA830] =	vst @!p1 v2  }
0x8a: {  	[tilespmem:$0xA930] =	vst @!p1 v1  }
0x8b: {  	v1 =	vld @!p1 [tilespmem:s30+$0x140];
	_ =	sdelay $0x4  }
0x8c: {  	v2 =	vand.u32 @!p1 $0x3FFF, v1  }
0x8d: {  	v1 =	vshrl.u32 @!p1 v1, $0xE;
	[tilespmem:$0xA840] =	vst @!p1 v2  }
0x8e: {  	[tilespmem:$0xA940] =	vst @!p1 v1  }
0x8f: {  	v1 =	vld @!p1 [tilespmem:s30+$0x150];
	_ =	sdelay $0x4  }
0x90: {  	v2 =	vand.u32 @!p1 $0x3FFF, v1  }
0x91: {  	v1 =	vshrl.u32 @!p1 v1, $0xE;
	[tilespmem:$0xA850] =	vst @!p1 v2  }
0x92: {  	[tilespmem:$0xA950] =	vst @!p1 v1  }
0x93: {  	v1 =	vld @!p1 [tilespmem:s30+$0x160];
	_ =	sdelay $0x4  }
0x94: {  	s29 =	simm.s32 $0x400;
	v2 =	vand.u32 @!p1 $0x3FFF, v1  }
0x95: {  	s0 =	simm.s32 @!p1 $0x80;
	s1 =	simm.s32 @!p1 $0xA800;
	s20 =	simm.s32 @!p1 $0x2800;
	v1 =	vshrl.u32 @!p1 v1, $0xE;
	[tilespmem:$0xA860] =	vst @!p1 v2  }
.LBB2_4:
0x96: {  	[tilespmem:$0xA960] =	vst @!p1 v1;
	s31 =	smov.u32 s29;
	s29 =	sadd.s32 $0x400, s29  }
0x97: {  	p0 =	sne.s32 s29, $0xA000;
	v1 =	vld @!p1 [tilespmem:s30+$0x170];
	_ =	sdelay $0x4  }
0x98: {  	v2 =	vand.u32 @!p1 $0x3FFF, v1;
	v1 =	vshrl.u32 @!p1 v1, $0xE  }
0x99: {  	[tilespmem:$0xA870] =	vst @!p1 v2  }
0x9a: {  	[tilespmem:$0xA970] =	vst @!p1 v1  }
0x9b: {  	[tilespmem:s20], [sflag:$0x1] =	stream.indirect.gather @!p1 [hbm4b:s4+s0], $0x80, s1, s0, $0xb8;
	[tilespmem:$0x1E600] =	vst v63  }
0x9c: {  	_ =	swait.ge [sflag:s25], $0x4000  }
0x9d: {  	[sflag:s25] =	ssyncset.done $0x0  }
0x9e: {  	[sflag:s25] =	ssyncadd.s32 $0xFFFFC000  }
0x9f: {  	[spmem:s2] =	stream.indirect.scatter.add.f32 [tilespmem:s22], [sflag:$0x3], $0x80, s26, s19, $0xb8;
	[tilespmem:$0x1E600] =	vst v63  }
0xa0: {  	_ =	swait.ge [sflag:s17], $0x4000  }
0xa1: {  	[sflag:s17] =	ssyncset.done $0x0  }
0xa2: {  	s30 =	sshra.s32 s31, $0x2;
	[sflag:s17] =	ssyncadd.s32 $0xFFFFC000  }
0xa3: {  	v1 =	vld [tilespmem:s30+$0x80];
	_ =	sdelay $0x4  }
0xa4: {  	v2 =	vand.u32 $0x3FFF, v1;
	v1 =	vshrl.u32 v1, $0xE  }
0xa5: {  	[tilespmem:$0xA880] =	vst v2  }
0xa6: {  	[tilespmem:$0xA980] =	vst v1  }
0xa7: {  	v1 =	vld [tilespmem:s30+$0x90];
	_ =	sdelay $0x4  }
0xa8: {  	v2 =	vand.u32 $0x3FFF, v1;
	v1 =	vshrl.u32 v1, $0xE  }
0xa9: {  	[tilespmem:$0xA890] =	vst v2  }
0xaa: {  	[tilespmem:$0xA990] =	vst v1  }
0xab: {  	v1 =	vld [tilespmem:s30+$0xA0];
	_ =	sdelay $0x4  }
0xac: {  	v2 =	vand.u32 $0x3FFF, v1;
	v1 =	vshrl.u32 v1, $0xE  }
0xad: {  	[tilespmem:$0xA8A0] =	vst v2  }
0xae: {  	[tilespmem:$0xA9A0] =	vst v1  }
0xaf: {  	v1 =	vld [tilespmem:s30+$0xB0];
	_ =	sdelay $0x4  }
0xb0: {  	v2 =	vand.u32 $0x3FFF, v1;
	v1 =	vshrl.u32 v1, $0xE  }
0xb1: {  	[tilespmem:$0xA8B0] =	vst v2  }
0xb2: {  	[tilespmem:$0xA9B0] =	vst v1  }
0xb3: {  	v1 =	vld [tilespmem:s30+$0xC0];
	_ =	sdelay $0x4  }
0xb4: {  	v2 =	vand.u32 $0x3FFF, v1;
	v1 =	vshrl.u32 v1, $0xE  }
0xb5: {  	[tilespmem:$0xA8C0] =	vst v2  }
0xb6: {  	[tilespmem:$0xA9C0] =	vst v1  }
0xb7: {  	v1 =	vld [tilespmem:s30+$0xD0];
	_ =	sdelay $0x4  }
0xb8: {  	v2 =	vand.u32 $0x3FFF, v1;
	v1 =	vshrl.u32 v1, $0xE  }
0xb9: {  	[tilespmem:$0xA8D0] =	vst v2  }
0xba: {  	[tilespmem:$0xA9D0] =	vst v1  }
0xbb: {  	v1 =	vld [tilespmem:s30+$0xE0];
	_ =	sdelay $0x4  }
0xbc: {  	v2 =	vand.u32 $0x3FFF, v1;
	v1 =	vshrl.u32 v1, $0xE  }
0xbd: {  	[tilespmem:$0xA8E0] =	vst v2  }
0xbe: {  	[tilespmem:$0xA9E0] =	vst v1  }
0xbf: {  	v1 =	vld [tilespmem:s30+$0xF0];
	_ =	sdelay $0x4  }
0xc0: {  	v2 =	vand.u32 $0x3FFF, v1;
	v1 =	vshrl.u32 v1, $0xE  }
0xc1: {  	p1 =	seq.s32 s31, $0x9C00;
	[tilespmem:$0xA8F0] =	vst v2  }
0xc2: {  	s30 =	sshra.s32 @!p1 s31, $0x2;
	[tilespmem:$0xA9F0] =	vst v1  }
0xc3: {  	[tilespmem:s22], [sflag:$0x2] =	stream.indirect.gather [hbm4b:s4+s19], $0x80, s21, s19, $0xb8;
	[tilespmem:$0x1E600] =	vst v63  }
0xc4: {  	_ =	swait.ge [sflag:s23], $0x4000  }
0xc5: {  	[sflag:s23] =	ssyncset.done $0x0  }
0xc6: {  	[sflag:s23] =	ssyncadd.s32 $0xFFFFC000  }
0xc7: {  	[spmem:s2] =	stream.indirect.scatter.add.f32 [tilespmem:s18], [sflag:$0x3], $0x80, s24, s19, $0xb8;
	[tilespmem:$0x1E600] =	vst v63  }
0xc8: {  	_ =	swait.ge [sflag:s17], $0x4000  }
0xc9: {  	[sflag:s17] =	ssyncset.done $0x0  }
0xca: {  	[sflag:s17] =	ssyncadd.s32 $0xFFFFC000  }
0xcb: {  	v1 =	vld @!p1 [tilespmem:s30+$0x100];
	_ =	sdelay $0x4  }
0xcc: {  	v2 =	vand.u32 @!p1 $0x3FFF, v1;
	v1 =	vshrl.u32 @!p1 v1, $0xE  }
0xcd: {  	[tilespmem:$0xA800] =	vst @!p1 v2  }
0xce: {  	[tilespmem:$0xA900] =	vst @!p1 v1  }
0xcf: {  	v1 =	vld @!p1 [tilespmem:s30+$0x110];
	_ =	sdelay $0x4  }
0xd0: {  	v2 =	vand.u32 @!p1 $0x3FFF, v1;
	v1 =	vshrl.u32 @!p1 v1, $0xE  }
0xd1: {  	[tilespmem:$0xA810] =	vst @!p1 v2  }
0xd2: {  	[tilespmem:$0xA910] =	vst @!p1 v1  }
0xd3: {  	v1 =	vld @!p1 [tilespmem:s30+$0x120];
	_ =	sdelay $0x4  }
0xd4: {  	v2 =	vand.u32 @!p1 $0x3FFF, v1;
	v1 =	vshrl.u32 @!p1 v1, $0xE  }
0xd5: {  	[tilespmem:$0xA820] =	vst @!p1 v2  }
0xd6: {  	[tilespmem:$0xA920] =	vst @!p1 v1  }
0xd7: {  	v1 =	vld @!p1 [tilespmem:s30+$0x130];
	_ =	sdelay $0x4  }
0xd8: {  	v2 =	vand.u32 @!p1 $0x3FFF, v1;
	v1 =	vshrl.u32 @!p1 v1, $0xE  }
0xd9: {  	[tilespmem:$0xA830] =	vst @!p1 v2  }
0xda: {  	[tilespmem:$0xA930] =	vst @!p1 v1  }
0xdb: {  	v1 =	vld @!p1 [tilespmem:s30+$0x140];
	_ =	sdelay $0x4  }
0xdc: {  	v2 =	vand.u32 @!p1 $0x3FFF, v1;
	v1 =	vshrl.u32 @!p1 v1, $0xE  }
0xdd: {  	[tilespmem:$0xA840] =	vst @!p1 v2  }
0xde: {  	[tilespmem:$0xA940] =	vst @!p1 v1  }
0xdf: {  	v1 =	vld @!p1 [tilespmem:s30+$0x150];
	_ =	sdelay $0x4  }
0xe0: {  	v2 =	vand.u32 @!p1 $0x3FFF, v1;
	v1 =	vshrl.u32 @!p1 v1, $0xE  }
0xe1: {  	[tilespmem:$0xA850] =	vst @!p1 v2  }
0xe2: {  	s0 =	simm.s32 @!p1 $0x80;
	s1 =	simm.s32 @!p1 $0xA800;
	s20 =	simm.s32 @!p1 $0x2800;
	[tilespmem:$0xA950] =	vst @!p1 v1  }
0xe3: {  	v1 =	vld @!p1 [tilespmem:s30+$0x160];
	_ =	sdelay $0x1  }
.Ltmp1:
0xe4: {  	(pc) =	sbr.rel @p0 .LBB2_4-.Ltmp1, $3  }
0xe5: {  	_ =	sdelay $0x1  }
0xe6: {  	v2 =	vand.u32 @!p1 $0x3FFF, v1;
	v1 =	vshrl.u32 @!p1 v1, $0xE  }
0xe7: {  	[tilespmem:$0xA860] =	vst @!p1 v2  }
0xe8: {  	[tilespmem:$0xA960] =	vst @!p1 v1  }
0xe9: {  	v1 =	vld @!p1 [tilespmem:s30+$0x170];
	_ =	sdelay $0x4  }
0xea: {  	v2 =	vand.u32 @!p1 $0x3FFF, v1  }
0xeb: {  	v1 =	vshrl.u32 @!p1 v1, $0xE;
	[tilespmem:$0xA870] =	vst @!p1 v2  }
0xec: {  	[tilespmem:$0xA970] =	vst @!p1 v1  }
0xed: {  	[tilespmem:s20], [sflag:$0x1] =	stream.indirect.gather @!p1 [hbm4b:s4+s0], $0x80, s1, s0, $0xb8;
	[tilespmem:$0x1E600] =	vst v63  }
0xee: {  	_ =	swait.ge [sflag:s25], $0x4000  }
0xef: {  	[sflag:s25] =	ssyncset.done $0x0  }
0xf0: {  	[sflag:s25] =	ssyncadd.s32 $0xFFFFC000  }
0xf1: {  	[spmem:s2] =	stream.indirect.scatter.add.f32 [tilespmem:s22], [sflag:$0x3], $0x80, s26, s19, $0xb8;
	[tilespmem:$0x1E600] =	vst v63  }
0xf2: {  	_ =	swait.ge [sflag:s17], $0x4000  }
0xf3: {  	[sflag:s17] =	ssyncset.done $0x0  }
0xf4: {  	[sflag:s17] =	ssyncadd.s32 $0xFFFFC000  }
0xf5: {  	[bflag:$0x0] =	sbarrier.arrive $0xFFFF  }
0xf6: {  	[tilespmem:s18], [sflag:$0x3] =	stream.linear.gather [spmem:s6], $0x4000, $0x38;
	[tilespmem:$0x1E600] =	vst v63  }
0xf7: {  	_ =	swait.ge [sflag:s17], $0x4000  }
0xf8: {  	[sflag:s17] =	ssyncset.done $0x0  }
0xf9: {  	[sflag:s17] =	ssyncadd.s32 $0xFFFFC000  }
0xfa: {  	[hbm4b:s11+s3] =	stream.linear.scatter [tilespmem:s18], [sflag:$0x3], $0x4000, $0x38;
	[tilespmem:$0x1E600] =	vst v63  }
0xfb: {  	_ =	swait.ge [sflag:s17], $0x4000  }
0xfc: {  	[sflag:s17] =	ssyncset.done $0x0  }
0xfd: {  	[sflag:s17] =	ssyncadd.s32 $0xFFFFC000  }
0xfe: {  	[tilespmem:s18], [sflag:$0x3] =	stream.linear.gather [spmem:s7], $0x4000, $0x38;
	[tilespmem:$0x1E600] =	vst v63  }
0xff: {  	_ =	swait.ge [sflag:s17], $0x4000  }
0x100: {  	[sflag:s17] =	ssyncset.done $0x0  }
0x101: {  	[sflag:s17] =	ssyncadd.s32 $0xFFFFC000  }
0x102: {  	[hbm4b:s12+s3] =	stream.linear.scatter [tilespmem:s18], [sflag:$0x3], $0x4000, $0x38;
	[tilespmem:$0x1E600] =	vst v63  }
0x103: {  	_ =	swait.ge [sflag:s17], $0x4000  }
0x104: {  	[sflag:s17] =	ssyncset.done $0x0  }
0x105: {  	[sflag:s17] =	ssyncadd.s32 $0xFFFFC000  }
0x106: {  	[tilespmem:s18], [sflag:$0x3] =	stream.linear.gather [spmem:s8], $0x4000, $0x38;
	[tilespmem:$0x1E600] =	vst v63  }
0x107: {  	_ =	swait.ge [sflag:s17], $0x4000  }
0x108: {  	[sflag:s17] =	ssyncset.done $0x0  }
0x109: {  	[sflag:s17] =	ssyncadd.s32 $0xFFFFC000  }
0x10a: {  	[hbm4b:s13+s3] =	stream.linear.scatter [tilespmem:s18], [sflag:$0x3], $0x4000, $0x38;
	[tilespmem:$0x1E600] =	vst v63  }
0x10b: {  	_ =	swait.ge [sflag:s17], $0x4000  }
0x10c: {  	[sflag:s17] =	ssyncset.done $0x0  }
0x10d: {  	[sflag:s17] =	ssyncadd.s32 $0xFFFFC000  }
0x10e: {  	[tilespmem:s18], [sflag:$0x3] =	stream.linear.gather [spmem:s9], $0x4000, $0x38;
	[tilespmem:$0x1E600] =	vst v63  }
0x10f: {  	_ =	swait.ge [sflag:s17], $0x4000  }
0x110: {  	[sflag:s17] =	ssyncset.done $0x0  }
0x111: {  	[sflag:s17] =	ssyncadd.s32 $0xFFFFC000  }
0x112: {  	[hbm4b:s14+s3] =	stream.linear.scatter [tilespmem:s18], [sflag:$0x3], $0x4000, $0x38;
	[tilespmem:$0x1E600] =	vst v63  }
0x113: {  	_ =	swait.ge [sflag:s17], $0x4000  }
0x114: {  	[sflag:s17] =	ssyncset.done $0x0  }
0x115: {  	[sflag:s17] =	ssyncadd.s32 $0xFFFFC000  }
0x116: {  	[tilespmem:s18], [sflag:$0x3] =	stream.linear.gather [spmem:s10], $0x3C00, $0x38;
	[tilespmem:$0x1E600] =	vst v63  }
0x117: {  	s28 =	sadd.s32 $0x1, s28;
	_ =	swait.ge [sflag:s17], $0x3C00  }
0x118: {  	p0 =	sne.s32 s28, s16;
	[sflag:s17] =	ssyncset.done $0x0  }
.Ltmp2:
0x119: {  	[sflag:s17] =	ssyncadd.s32 $0xFFFFC400;
	(pc) =	sbr.rel @p0 .LBB2_1-.Ltmp2, $4  }
0x11a: {  	[hbm4b:s15+s3] =	stream.linear.scatter [tilespmem:s18], [sflag:$0x3], $0x3C00, $0x38;
	[tilespmem:$0x1E600] =	vst v63  }
0x11b: {  	_ =	swait.ge [sflag:s17], $0x3C00  }
0x11c: {  	[sflag:s17] =	ssyncset.done $0x0  }
0x11d: {  	[sflag:s17] =	ssyncadd.s32 $0xFFFFC400  }
0x11e: {  	_ =	sfence.sel $0x180000  }
0x11f: {  	[bflag:$0x0] =	sbarrier.arrive $0xFFFF  }
0x120: {  	_ =	strace $0x9000004D  }
0x121: {  	s0 =	stileid.u32;
	[bflag:$0x2] =	sbarrier.arrive $0xFFFF  }
0x122: {  	p0 =	sne.s32 s0, $0x0;
	s0 =	rddreg [dreg:$0x2]  }
0x123: {  	s0 =	sadd.s32 @!p0 $0x100000, s0  }
0x124: {  	[sflag:s0] =	ssyncadd.tile.s32 @!p0 $0x1;
	_ =	shalt  }
.Lfunc_end2:
_tile_overlayer_lowered:
.L_overlay_start_2:
0x125: {  	(tag) =	ssettag $0x2  }
0x126: {  	s0 =	rddreg [dreg:$0x0];
	s2 =	stileid.u32  }
0x127: {  	s1 =	rddreg [dreg:$0x1];
	p0 =	sne.s32 s2, $0x0  }
0x128: {  	s3 =	rddreg [dreg:$0x2];
	[bflag:$0x3] =	sbarrier.arrive $0xFFFF;
	s2 =	simm.s32 @!p0 $0x1C03  }
0x129: {  	[timem:s3], [sflag:s2] =	dma.local @!p0 [hbm:s0], s1  }
0x12a: {  	s0 =	simm.s32 @!p0 $0x3  }
0x12b: {  	_ =	swait.ge @!p0 [sflag:s0], s1  }
0x12c: {  	s1 =	ssub.s32 @!p0 $0x0, s1;
	[sflag:s0] =	ssyncset.done @!p0 $0x0  }
0x12d: {  	[sflag:s0] =	ssyncadd.s32 @!p0 s1  }
0x12e: {  	[bflag:$0x3] =	sbarrier.arrive $0xFFFF  }
0x12f: {  	_ =	shalt  }

// kernel: kernel.9.cloned.1.call-start
scs
__scs_entry_jumppad:
0x0: {  	(pc) =	sbr.rel $0x88, $3  }
0x1: {  	(tag) =	ssettag $0x0;
	lr =	simm.s32 $0x1  }
0x2: {  	[smem:$0x3F95] =	sst lr;
	_ =	strace $0xD0000000  }
0x3: {  	_ = 	snop  }
0x4: {  	_ = 	snop  }
0x5: {  	_ = 	snop  }
0x6: {  	_ = 	snop  }
0x7: {  	_ = 	snop  }
__scs_overlays_trampoline_lowered:
0x8: {  	[smem:$0x3FA4] =	sst s0  }
0x9: {  	[smem:$0x3FA5] =	sst s1  }
0xa: {  	[smem:$0x3FA6] =	sst s2  }
0xb: {  	[smem:$0x3FA7] =	sst s3  }
0xc: {  	[smem:$0x3FA8] =	sst s4  }
0xd: {  	[smem:$0x3FA9] =	sst s5  }
0xe: {  	[smem:$0x3FAA] =	sst s6  }
0xf: {  	[smem:$0x3FAB] =	sst s7  }
0x10: {  	[smem:$0x3FAC] =	sst s8  }
0x11: {  	[smem:$0x3FAD] =	sst s9;
	s0 =	simm.s32 @!p0 $0x0  }
0x12: {  	s1 =	sld [smem:$0x3F93];
	s0 =	simm.s32 @p0 $0x1  }
0x13: {  	[smem:$0x3FAE] =	sst s0;
	s0 =	simm.s32 @!p1 $0x0  }
0x14: {  	s2 =	sld [smem:$0x3F92];
	s0 =	simm.s32 @p1 $0x1  }
0x15: {  	[smem:$0x3FAF] =	sst s0;
	s0 =	simm.s32 @!p2 $0x0  }
0x16: {  	s3 =	sld [smem:$0x3FDB];
	s0 =	simm.s32 @p2 $0x1  }
0x17: {  	s4 =	simm.s32 $0x1BF5;
	[smem:$0x3FB1] =	sst s0  }
0x18: {  	s0 =	sld [smem:$0x3F94];
	_ =	swait.ge [sflag:s4], $0x0  }
0x19: {  	s7 =	sld [smem:$0x3F95]  }
0x1a: {  	s8 =	sadd.s32 $0xFFFFE003, lr  }
0x1b: {  	s9 =	sadd.s32 $0xFFFFFEF7, lr;
	s5 =	simm.s32 $0xFFFFFFFF;
	p2 =	slt.u32 s8, $0xFFFFF086  }
0x1c: {  	p1 =	slt.u32 s9, $0xF7A;
	s5 =	simm.s32 @!p2 $0x0  }
0x1d: {  	s5 =	simm.s32 @p1 $0x1;
	p0 =	seq.s32 s7, s2  }
0x1e: {  	s7 =	smul.u32 @!p0 $0xF7A, s2;
	p2 =	seq.s32 @!p0 s5, $0x0  }
0x1f: {  	s9 =	smul.u32 $0xF7A, s1;
	s8 =	simm.s32 @!p0 $0x1BF5;
	p2 =	por !p2, p0  }
0x20: {  	[sflag:s8] =	ssyncset.s32 @!p0 $0xFFFFF086;
	s6 =	sadd.s32 @!p0 s3, s7;
	s7 =	simm.s32 @!p0 $0x108  }
0x21: {  	s3 =	sadd.s32 s3, s9;
	s6 =	sadd.s32 @!p0 $0x88, s6;
	s7 =	simm.s32 @p2 $0x1082  }
0x22: {  	[simem:s7], [sflag:s8] =	dma.local @!p0 [hbm:s6], $0xF7A  }
0x23: {  	s9 =	sor.u32 $0xD0000000, s2;
	s6 =	simm.s32 $0x108;
	_ =	swait.ge @!p0 [sflag:s8], $0x0  }
0x24: {  	s3 =	sadd.s32 $0x88, s3;
	s6 =	simm.s32 @!p1 $0x1082;
	[sflag:s4] =	ssyncset.s32 $0xFFFFF086  }
0x25: {  	[simem:s6], [sflag:s4] =	dma.local [hbm:s3], $0xF7A  }
0x26: {  	[smem:$0x3F95] =	sst s1;
	(tag) =	ssettag s2;
	_ =	strace s9  }
0x27: {  	s1 =	sld [smem:$0x3FA5]  }
0x28: {  	s2 =	sld [smem:$0x3FA6]  }
0x29: {  	s4 =	sld [smem:$0x3FA8]  }
0x2a: {  	p0 =	seq.s32 s5, $0x0;
	s5 =	sld [smem:$0x3FA9]  }
0x2b: {  	s6 =	sld [smem:$0x3FAA]  }
0x2c: {  	s7 =	sld [smem:$0x3FAB]  }
0x2d: {  	s3 =	simm.s32 $0x108;
	s8 =	sld [smem:$0x3FAC]  }
0x2e: {  	s3 =	simm.s32 @!p0 $0x1082;
	s9 =	sld [smem:$0x3FAD]  }
0x2f: {  	lr =	sadd.s32 s0, s3;
	s0 =	sld [smem:$0x3FA4]  }
0x30: {  	s3 =	sld [smem:$0x3FA7]  }
0x31: {  	[smem:$0x3FB0] =	sst s10  }
0x32: {  	s10 =	sld [smem:$0x3FAE];
	_ =	sdelay $0x3  }
0x33: {  	p0 =	seq.s32 s10, $0x1;
	s10 =	sld [smem:$0x3FB0];
	_ =	sdelay $0x3  }
0x34: {  	[smem:$0x3FB0] =	sst s10  }
0x35: {  	s10 =	sld [smem:$0x3FAF];
	_ =	sdelay $0x3  }
0x36: {  	p1 =	seq.s32 s10, $0x1;
	s10 =	sld [smem:$0x3FB0];
	_ =	sdelay $0x3  }
0x37: {  	[smem:$0x3FB0] =	sst s10  }
0x38: {  	s10 =	sld [smem:$0x3FB1]  }
0x39: {  	_ = 	snop;
	(pc) =	sbr.ind lr, $3  }
0x3a: {  	_ = 	snop  }
0x3b: {  	_ = 	snop  }
0x3c: {  	p2 =	seq.s32 s10, $0x1;
	s10 =	sld [smem:$0x3FB0]  }
0x3d: {  	_ =	shalt  }
0x3e: {  	_ =	shalt  }
0x3f: {  	_ =	shalt  }
0x40: {  	_ =	shalt  }
0x41: {  	_ =	shalt  }
0x42: {  	_ =	shalt  }
0x43: {  	_ =	shalt  }
0x44: {  	_ =	shalt  }
0x45: {  	_ =	shalt  }
0x46: {  	_ =	shalt  }
0x47: {  	_ =	shalt  }
0x48: {  	_ =	shalt  }
0x49: {  	_ =	shalt  }
0x4a: {  	_ =	shalt  }
0x4b: {  	_ =	shalt  }
0x4c: {  	_ =	shalt  }
0x4d: {  	_ =	shalt  }
0x4e: {  	_ =	shalt  }
0x4f: {  	_ =	shalt  }
0x50: {  	_ =	shalt  }
0x51: {  	_ =	shalt  }
0x52: {  	_ =	shalt  }
0x53: {  	_ =	shalt  }
0x54: {  	_ =	shalt  }
0x55: {  	_ =	shalt  }
0x56: {  	_ =	shalt  }
0x57: {  	_ =	shalt  }
0x58: {  	_ =	shalt  }
0x59: {  	_ =	shalt  }
0x5a: {  	_ =	shalt  }
0x5b: {  	_ =	shalt  }
0x5c: {  	_ =	shalt  }
0x5d: {  	_ =	shalt  }
0x5e: {  	_ =	shalt  }
0x5f: {  	_ =	shalt  }
0x60: {  	_ =	shalt  }
0x61: {  	_ =	shalt  }
0x62: {  	_ =	shalt  }
0x63: {  	_ =	shalt  }
0x64: {  	_ =	shalt  }
0x65: {  	_ =	shalt  }
0x66: {  	_ =	shalt  }
0x67: {  	_ =	shalt  }
0x68: {  	_ =	shalt  }
0x69: {  	_ =	shalt  }
0x6a: {  	_ =	shalt  }
0x6b: {  	_ =	shalt  }
0x6c: {  	_ =	shalt  }
0x6d: {  	_ =	shalt  }
0x6e: {  	_ =	shalt  }
0x6f: {  	_ =	shalt  }
0x70: {  	_ =	shalt  }
0x71: {  	_ =	shalt  }
0x72: {  	_ =	shalt  }
0x73: {  	_ =	shalt  }
0x74: {  	_ =	shalt  }
0x75: {  	_ =	shalt  }
0x76: {  	_ =	shalt  }
0x77: {  	_ =	shalt  }
0x78: {  	_ =	shalt  }
0x79: {  	_ =	shalt  }
0x7a: {  	_ =	shalt  }
0x7b: {  	_ =	shalt  }
0x7c: {  	_ =	shalt  }
0x7d: {  	_ =	shalt  }
0x7e: {  	_ =	shalt  }
0x7f: {  	_ =	shalt  }
0x80: {  	_ =	shalt  }
0x81: {  	_ =	shalt  }
0x82: {  	_ =	shalt  }
0x83: {  	_ =	shalt  }
0x84: {  	_ =	shalt  }
0x85: {  	_ =	shalt  }
0x86: {  	_ =	shalt  }
0x87: {  	_ =	shalt  }
.Lfunc_end0:
.L_simem_size_0:
called_computation_lowered:
.L_overlay_start_0:
0x88: {  	s2 =	sld [smem:$0x3FD9]  }
0x89: {  	s3 =	sld [smem:$0x3FFE];
	_ =	sdelay $0x1  }
0x8a: {  	s1 =	srdreg.scid  }
0x8b: {  	s0 =	sand.u32 $0x1, s1  }
0x8c: {  	s16 =	sshll.u32 s0, $0xA;
	s2 =	sadd.s32 s3, s2  }
0x8d: {  	s2 =	sadd.s32 s2, s16  }
0x8e: {  	[smem:$0x3FBC] =	sst s2  }
0x8f: {  	_ = 	snop  }
0x90: {  	(tm) =	ssettm $0x1  }
0x91: {  	s17 =	sld [smem:$0x3FFB];
	_ =	sdelay $0x3  }
0x92: {  	_ =	strace s17  }
0x93: {  	s2 =	sld [smem:$0x3FFC];
	_ =	sdelay $0x3  }
0x94: {  	_ =	strace s2  }
0x95: {  	s2 =	sld [smem:$0x3FFD];
	_ =	sdelay $0x3  }
0x96: {  	_ =	strace s2  }
0x97: {  	_ =	strace $0x8FFFFFFF  }
0x98: {  	s18 =	sld [smem:$0x3FDB];
	_ =	sdelay $0x1  }
0x99: {  	s19 =	simm.s32 $_scs_section_size  }
0x9a: {  	s4 =	simm.s32 $_size__tile_overlayer_lowered;
	s5 =	simm.s32 $_tile_overlayer_lowered  }
0x9b: {  	s22 =	simm.s32 $0x1BFF;
	s21 =	sshll.u32 s5, $0x1;
	s2 =	sadd.s32 s19, s18  }
0x9c: {  	s6 =	simm.s32 $0x0;
	s20 =	sshll.u32 s4, $0x1;
	s4 =	sadd.s32 s21, s2  }
0x9d: {  	[timem:s6], [sflag:s22] =	dma.local [hbm:s4], s20  }
0x9e: {  	_ =	swait.ge [sflag:s22], s20  }
0x9f: {  	s3 =	ssub.s32 $0x0, s20;
	[sflag:s22] =	ssyncset.done $0x0  }
0xa0: {  	[sflag:s22] =	ssyncadd.s32 s3;
	_ =	sdelay $0x1  }
0xa1: {  	s23 =	simm.s32 $0x1B8B  }
0xa2: {  	_ =	swait.ge [sflag:s23], $0x1  }
0xa3: {  	[sflag:s23] =	ssyncset.done $0x0  }
0xa4: {  	s25 =	simm.s32 $0x1B8E;
	s24 =	sld [smem:$0x3FFE];
	[sflag:s23] =	ssyncadd.s32 $0xFFFFFFFF  }
0xa5: {  	s26 =	simm.s32 $execute0_lowered;
	[smem:$0x3FD2] =	sst s25  }
0xa6: {  	s4 =	sshll.u32 s26, $0x1;
	_ =	strace $0x80000046;
	[dreg:$0x1] =	wrdreg $0xFFFFFFFF  }
0xa7: {  	s28 =	simm.s32 $_size_execute0_lowered;
	s2 =	sadd.s32 s2, s4;
	[dreg:$0x0] =	wrdreg $0x0  }
0xa8: {  	s4 =	sshll.u32 s28, $0x1;
	[dreg:$0x2] =	wrdreg s2  }
0xa9: {  	[dreg:$0x3] =	wrdreg s4  }
0xaa: {  	[dreg:$0x4] =	wrdreg $0xC0  }
0xab: {  	_ =	task [dreg:s6], $0x5FFFF  }
0xac: {  	[dreg:$0x1] =	wrdreg $0xFFFFFFFF  }
0xad: {  	[dreg:$0x0] =	wrdreg $0x60  }
0xae: {  	[dreg:$0x2] =	wrdreg s24  }
0xaf: {  	[dreg:$0x3] =	wrdreg $0x9  }
0xb0: {  	_ =	task.clear_ibuf [dreg:s6], $0x4FFFF;
	_ =	strace $0x90000046  }
0xb1: {  	s29 =	simm.s32 $0x9;
	_ =	strace $0x80000048  }
0xb2: {  	_ =	swait.ge [sflag:s29], $0x1  }
0xb3: {  	[sflag:s29] =	ssyncadd.s32 $0xFFFFFFFF  }
0xb4: {  	_ =	strace $0x90000048  }
0xb5: {  	_ =	sfence  }
0xb6: {  	s30 =	sld [smem:$0x0];
	_ =	sdelay $0x2  }
0xb7: {  	s31 =	sshll.u32 s1, $0xD;
	s1 =	sshrl.u32 s1, $0x2  }
0xb8: {  	s3 =	sand.u32 $0x4000, s31;
	s1 =	sadd.s32 s1, s30  }
0xb9: {  	s0 =	sor.u32 s3, s0;
	s1 =	sshll.u32 s1, $0x11  }
0xba: {  	s0 =	sor.u32 s1, s0  }
0xbb: {  	s0 =	sadd.s32 $0x8F2B, s0  }
0xbc: {  	[sflag:s0] =	ssyncadd.remote.s32 $0x1  }
0xbd: {  	_ =	sfence.sel $0xFFFF  }
0xbe: {  	[dreg:$0x0] =	wrdreg $0xFFFFFFFF;
	(pc) =	sbr.abs _section_cstart, $3  }
0xbf: {  	[dreg:$0x1] =	wrdreg $0xFFFFFFFF  }
0xc0: {  	_ =	task.clear_ibuf [dreg:s6], $0x2FFFF;
	_ =	strace $0x9FFFFFFF  }
0xc1: {  	(tm) =	ssettm $0x7FFFFFFF  }
tec
execute0_lowered:
.L_overlay_start_1:
0x0: {  	(tag) =	ssettag $0x1  }
0x1: {  	s1 =	srdreg.scid  }
0x2: {  	s0 =	stileid.u32;
	s7 =	rddreg [dreg:$0x0];
	s3 =	sand.u32 $0x1, s1  }
0x3: {  	s2 =	simm.s32 $0x0;
	s4 =	sshrl.u32 s0, $0x3;
	s5 =	smul.u32 $0x28000, s3  }
0x4: {  	s10 =	simm.s32 $0x0;
	s1 =	rddreg [dreg:$0x1];
	s6 =	smul.u32 $0x14000, s4  }
0x5: {  	[smem:$0x7FF] =	sst s2;
	s9 =	sshll.u32 s0, $0x7;
	s8 =	smul.u32 $0x27800, s3  }
0x6: {  	s4 =	smul.u32 $0x13C00, s4;
	s9 =	sand.u32 $0x380, s9;
	s3 =	ssub.s32 $0x2, s3  }
0x7: {  	_ =	strace $0x80000047;
	s31 =	sshrl.u32 s3, $0x1;
	s5 =	sadd.s32 s5, s6  }
0x8: {  	s4 =	sadd.s32 s8, s4;
	s6 =	ssub.s32 s3, s31;
	s5 =	sor.u32 s9, s5  }
0x9: {  	s8 =	simm.s32 $0x1;
	s4 =	sor.u32 s9, s4;
	s5 =	sshrl.u32 s5, $0x3  }
0xa: {  	s9 =	simm.s32 $0x2800;
	s4 =	sshrl.u32 s4, $0x3;
	s5 =	sadd.s32 s5, s7  }
0xb: {  	s4 =	sadd.s32 s4, s7;
	s7 =	simm.s32 $0x400;
	s3 =	sadd.s32 $0xD800, s5  }
0xc: {  	v0 =	vimm.f32 $0.0e+00;
	v1 =	vimm.f32 $1.000000000e+00;
	s4 =	sadd.s32 $0x17800, s4;
	s5 =	smax.u32 s6, $0x1;
	s6 =	simm.s32 $0x80  }
.LBB2_1:
0xd: {  	[tilespmem:s2], [sflag:$0x1] =	stream.strided.gather [hbm4b:s3+s6], $0x2800, s7, s6, $0x38;
	[tilespmem:$0x4F80] =	vst v63  }
0xe: {  	_ =	swait.ge [sflag:s8], $0x2800  }
0xf: {  	[sflag:s8] =	ssyncset.done $0x0  }
0x10: {  	s11 =	simm.s32 $0x0;
	[sflag:s8] =	ssyncadd.s32 $0xFFFFD800  }
.LBB2_2:
0x11: {  	p0 =	sne.s32 s11, $0x9DC0  }
.Ltmp0:
0x12: {  	_ = 	snop;
	(pc) =	sbr.rel @p0 .LBB2_2-.Ltmp0, $3  }
0x13: {  	_ =	sdelay $0x1  }
0x14: {  	s12 =	sshra.s32 s11, $0x2  }
0x15: {  	s11 =	sadd.s32 $0x40, s11;
	[tilespmem:s12+$0x2800] =	vst v0  }
0x16: {  	s12 =	simm.s32 $0x0;
	s11 =	simm.s32 $0x40  }
.LBB2_4:
0x17: {  	p0 =	sne.s32 s11, $0x9FC0;
	v2 =	vld [tilespmem:s12+$0x0];
	_ =	sdelay $0x4  }
0x18: {  	v2 =	vshrl.u32 v2, $0xE  }
.Ltmp1:
0x19: {  	(pc) =	sbr.rel @p0 .LBB2_4-.Ltmp1, $2  }
0x1a: {  	_ =	sdelay $0x2  }
0x1b: {  	s12 =	sshra.s32 s11, $0x2;
	s11 =	sadd.s32 $0x40, s11;
	[tilespmem:v2+s9+$0x0] =	vst.idx.add.f32.msk $0xffff, v1  }
0x1c: {  	v2 =	vld [tilespmem:s12+$0x0];
	_ =	sdelay $0x4  }
0x1d: {  	v2 =	vshrl.u32 v2, $0xE;
	_ =	sdelay $0x2  }
0x1e: {  	s10 =	sadd.s32 $0x1, s10  }
0x1f: {  	p0 =	sne.s32 s10, s5  }
.Ltmp2:
0x20: {  	[tilespmem:v2+s9+$0x0] =	vst.idx.add.f32.msk $0xffff, v1;
	(pc) =	sbr.rel @p0 .LBB2_1-.Ltmp2, $4  }
0x21: {  	[hbm4b:s4+s6] =	stream.strided.scatter [tilespmem:s9], [sflag:$0x1], $0x2780, s7, s6, $0x38;
	[tilespmem:$0x4F80] =	vst v63  }
0x22: {  	_ =	swait.ge [sflag:s8], $0x2780  }
0x23: {  	[sflag:s8] =	ssyncset.done $0x0  }
0x24: {  	[sflag:s8] =	ssyncadd.s32 $0xFFFFD880  }
0x25: {  	_ =	sfence.sel $0x180000  }
0x26: {  	[bflag:$0x0] =	sbarrier.arrive $0xFFFF  }
0x27: {  	p0 =	sne.s32 s0, $0x0;
	_ =	strace $0x90000047  }
0x28: {  	s0 =	sadd.s32 @!p0 $0x100000, s1;
	[bflag:$0x2] =	sbarrier.arrive $0xFFFF  }
0x29: {  	[sflag:s0] =	ssyncadd.tile.s32 @!p0 $0x1;
	_ =	shalt  }
.Lfunc_end2:
_tile_overlayer_lowered:
.L_overlay_start_2:
0x2a: {  	(tag) =	ssettag $0x2  }
0x2b: {  	s0 =	rddreg [dreg:$0x0];
	s2 =	stileid.u32  }
0x2c: {  	s1 =	rddreg [dreg:$0x1];
	p0 =	sne.s32 s2, $0x0  }
0x2d: {  	s3 =	rddreg [dreg:$0x2];
	[bflag:$0x3] =	sbarrier.arrive $0xFFFF;
	s2 =	simm.s32 @!p0 $0x1C01  }
0x2e: {  	[timem:s3], [sflag:s2] =	dma.local @!p0 [hbm:s0], s1  }
0x2f: {  	s0 =	simm.s32 @!p0 $0x1  }
0x30: {  	_ =	swait.ge @!p0 [sflag:s0], s1  }
0x31: {  	s1 =	ssub.s32 @!p0 $0x0, s1;
	[sflag:s0] =	ssyncset.done @!p0 $0x0  }
0x32: {  	[sflag:s0] =	ssyncadd.s32 @!p0 s1  }
0x33: {  	[bflag:$0x3] =	sbarrier.arrive $0xFFFF  }
0x34: {  	_ =	shalt  }

</sc_bundles>
